<compile_context>
chip_gen: v7x
topology: tpu7x:2x2x1
jax: 0.10.2.dev20260603
libtpu: 0.0.44.dev20260713+nightly
codegen_flags: <defaults>
</compile_context>

<pallas_src>
import functools

import jax
import jax.numpy as jnp
from jax import lax
from jax.experimental import pallas as pl
from jax.experimental.pallas import tpu as pltpu
from jax.experimental.pallas import tpu_sc as plsc

BATCH = 4096
HIST = 50
DIM = 64
NUM_EMB = 1000000
NUM_WORKERS = 32
NBB = BATCH // 128
NCHUNK = HIST * NBB
PER_WORKER = NCHUNK // NUM_WORKERS
NS = 3

_mesh = plsc.VectorSubcoreMesh(core_axis_name="c", subcore_axis_name="s")


@functools.partial(
    pl.kernel,
    mesh=_mesh,
    out_type=jax.ShapeDtypeStruct((HIST, DIM, BATCH), jnp.float32),
    scratch_types=[
        pltpu.VMEM((NS, 128), jnp.int32),
        pltpu.VMEM((NS, 128, 128), jnp.float32),
        pltpu.VMEM((NS, DIM, 128), jnp.float32),
    ] + [pltpu.SemaphoreType.DMA] * (2 * NS),
    compiler_params=pltpu.CompilerParams(use_tc_tiling_on_sc=True,
                                         needs_layout_passes=False),
)
def _emb_lookup(idx_hbm, table_hbm, out_hbm, idx_v, chunk_v, xout_v, *allsems):
    wid = lax.axis_index("s") * 2 + lax.axis_index("c")
    base = wid * PER_WORKER
    sems = allsems[:NS]
    osems = allsems[NS:]

    def prep_and_fire(k, slot):
        ci = base + k
        h = ci // NBB
        bb = ci % NBB
        pltpu.sync_copy(idx_hbm.at[h, pl.ds(bb * 128, 128)], idx_v.at[slot])
        pltpu.async_copy(table_hbm.at[idx_v.at[slot]], chunk_v.at[slot],
                         sems[slot])

    def consume(k, slot):
        ci = base + k
        h = ci // NBB
        bb = ci % NBB
        pltpu.make_async_copy(table_hbm.at[idx_v.at[slot]],
                              chunk_v.at[slot], sems[slot]).wait()

        @pl.when(k >= NS)
        def _():
            pltpu.make_async_copy(out_hbm.at[0, :, pl.ds(0, 128)],
                                  xout_v.at[slot], osems[slot]).wait()

        iota16 = jax.lax.iota(jnp.int32, 16)
        rows = [iota16 + 16 * g for g in range(8)]

        def tr_body(f0, carry):
            colf = (f0 + iota16) & (DIM - 1)
            for g in range(8):
                vals = plsc.load_gather(chunk_v.at[slot], [rows[g], colf])
                plsc.store_scatter(xout_v.at[slot], [colf, rows[g]], vals)
            return carry

        lax.fori_loop(0, DIM, tr_body, 0, unroll=2)
        pltpu.async_copy(xout_v.at[slot], out_hbm.at[h, :, pl.ds(bb * 128, 128)],
                         osems[slot])

    prep_and_fire(0, 0)
    prep_and_fire(1, 1)

    def grp(gi, carry):
        for j in range(NS):
            k = NS * gi + j
            prep_and_fire(k + 2, (j + 2) % NS)
            consume(k, j)
        return carry

    lax.fori_loop(0, (PER_WORKER - 2) // NS, grp, 0)
    consume(PER_WORKER - 2, (PER_WORKER - 2) % NS)
    consume(PER_WORKER - 1, (PER_WORKER - 1) % NS)

    for j in range(NS):
        pltpu.make_async_copy(out_hbm.at[0, :, pl.ds(0, 128)],
                              xout_v.at[j], osems[j]).wait()


def kernel(inputs, weight):
    idx_t = jnp.transpose(inputs).astype(jnp.int32)
    table = jnp.pad(weight, ((0, 0), (0, 128 - DIM)))
    out = _emb_lookup(idx_t, table)
    return jnp.transpose(out, (2, 0, 1))

# --- scband reference (transcript-rebuilt; emitter-appended) ---
"""Pipeline reference for scband-expandable-embedding-75196287418382 (READ-ONLY COPY).

The authoritative reference and input builder live on the scoring server;
editing this copy changes nothing except your own understanding.
"""

import jax, jax.numpy as jnp
import numpy as np

NUM_EMBEDDINGS = 1000000
EMBEDDING_DIM = 64
BATCH = 4096
HIST_LEN = 50


def setup_inputs(seed: int = 0) -> dict:
    key = jax.random.key(seed)
    k_idx, k_w = jax.random.split(key)
    inputs = jax.random.randint(k_idx, (BATCH, HIST_LEN), 0, NUM_EMBEDDINGS, dtype=jnp.int64 if jax.config.jax_enable_x64 else jnp.int32)
    weight = jax.random.normal(k_w, (NUM_EMBEDDINGS, EMBEDDING_DIM), dtype=jnp.float32)
    return {"inputs": inputs, "weight": weight}


def reference(inputs, weight):
    # ExpandableEmbedding.forward with interpolate=False (default):
    # a plain embedding-table lookup.
    return jnp.take(weight, inputs, axis=0)

if __name__ == "__main__":
    import jax
    _d = setup_inputs()
    print(jax.jit(kernel)(*tuple(_d.values())))

</pallas_src>

<mosaic_0001>
#map = affine_map<(d0, d1) -> (0, 0)>
#map1 = affine_map<(d0, d1) -> (0, 0, 0)>
module attributes {stable_mosaic.version = 14 : i64} {
  func.func @_emb_lookup(%arg0: i32, %arg1: i32, %arg2: memref<50x4096xi32, #tpu.memory_space<hbm>>, %arg3: memref<1000000x128xf32, #tpu.memory_space<hbm>>, %arg4: memref<50x64x4096xf32, #tpu.memory_space<hbm>>, %arg5: memref<3x128xi32, #tpu.memory_space<vmem>>, %arg6: memref<3x128x128xf32, #tpu.memory_space<vmem>>, %arg7: memref<3x64x128xf32, #tpu.memory_space<vmem>>, %arg8: memref<!tpu.dma_semaphore, #tpu.memory_space<semaphore_mem>>, %arg9: memref<!tpu.dma_semaphore, #tpu.memory_space<semaphore_mem>>, %arg10: memref<!tpu.dma_semaphore, #tpu.memory_space<semaphore_mem>>, %arg11: memref<!tpu.dma_semaphore, #tpu.memory_space<semaphore_mem>>, %arg12: memref<!tpu.dma_semaphore, #tpu.memory_space<semaphore_mem>>, %arg13: memref<!tpu.dma_semaphore, #tpu.memory_space<semaphore_mem>>) attributes {dimension_semantics = [#tpu.dimension_semantics<core_parallel>, #tpu.dimension_semantics<subcore_parallel>], iteration_bounds = array<i64: 2, 16>, scalar_prefetch = 0 : i64, scratch_operands = 9 : i64, tpu.core_type = #tpu.core_type<sc_vector_subcore>, window_params = [{transform_indices = #map}, {transform_indices = #map}, {transform_indices = #map1}]} {
    %mul3A = arith.constant 2 : i32
    %mul3A_0 = arith.muli %arg1, %mul3A : i32
    %add3A = arith.addi %mul3A_0, %arg0 : i32
    %mul3A_1 = arith.constant 50 : i32
    %mul3A_2 = arith.muli %add3A, %mul3A_1 : i32
    %add3A_3 = arith.constant 0 : i32
    %add3A_4 = arith.addi %mul3A_2, %add3A_3 : i32
    %jit3A = arith.constant 32 : i32
    %div3A = arith.divsi %add3A_4, %jit3A : i32
    %sign3A = arith.constant 0 : i32
    %sign3A_5 = arith.cmpi sgt, %add3A_4, %sign3A : i32
    %sign3A_6 = arith.extui %sign3A_5 : i1 to i32
    %sign3A_7 = arith.constant 0 : i32
    %sign3A_8 = arith.cmpi slt, %add3A_4, %sign3A_7 : i32
    %sign3A_9 = arith.extui %sign3A_8 : i1 to i32
    %sign3A_10 = arith.subi %sign3A_6, %sign3A_9 : i32
    %sign3A_11 = arith.constant 0 : i32
    %sign3A_12 = arith.cmpi sgt, %jit3A, %sign3A_11 : i32
    %sign3A_13 = arith.extui %sign3A_12 : i1 to i32
    %sign3A_14 = arith.constant 0 : i32
    %sign3A_15 = arith.cmpi slt, %jit3A, %sign3A_14 : i32
    %sign3A_16 = arith.extui %sign3A_15 : i1 to i32
    %sign3A_17 = arith.subi %sign3A_13, %sign3A_16 : i32
    %ne3A = arith.cmpi ne, %sign3A_10, %sign3A_17 : i32
    %rem3A = arith.remsi %add3A_4, %jit3A : i32
    %ne3A_18 = arith.constant 0 : i32
    %ne3A_19 = arith.cmpi ne, %rem3A, %ne3A_18 : i32
    %and3A = arith.andi %ne3A, %ne3A_19 : i1
    %sub3A = arith.constant 1 : i32
    %sub3A_20 = arith.subi %div3A, %sub3A : i32
    %select_n3A = arith.select %and3A, %sub3A_20, %div3A : i32
    %jit3A_21 = arith.constant 32 : i32
    %eq3A = arith.constant 0 : i32
    %eq3A_22 = arith.cmpi eq, %jit3A_21, %eq3A : i32
    %jit3A_23 = arith.constant 1 : i32
    %select_n3A_24 = arith.select %eq3A_22, %jit3A_23, %jit3A_21 : i32
    %rem3A_25 = arith.remsi %add3A_4, %select_n3A_24 : i32
    %ne3A_26 = arith.constant 0 : i32
    %ne3A_27 = arith.cmpi ne, %rem3A_25, %ne3A_26 : i32
    %lt3A = arith.constant 0 : i32
    %lt3A_28 = arith.cmpi slt, %rem3A_25, %lt3A : i32
    %lt3A_29 = arith.constant 0 : i32
    %lt3A_30 = arith.cmpi slt, %select_n3A_24, %lt3A_29 : i32
    %ne3A_31 = arith.xori %lt3A_28, %lt3A_30 : i1
    %and3A_32 = arith.andi %ne3A_31, %ne3A_27 : i1
    %add3A_33 = arith.addi %rem3A_25, %select_n3A_24 : i32
    %select_n3A_34 = arith.select %and3A_32, %add3A_33, %rem3A_25 : i32
    %mul3A_35 = arith.constant 128 : i32
    %mul3A_36 = arith.muli %select_n3A_34, %mul3A_35 : i32
    %run_scoped3A = arith.constant 0 : i32
    "tpu.region"() ({
      %run_scoped3A_402 = tpu.sem_alloc : memref<!tpu.dma_semaphore, #tpu.memory_space<semaphore_mem>>
      %dma_start3A_403 = arith.constant 0 : i32
      %dma_start3A_404 = tpu.memref_slice %arg5[%run_scoped3A, %dma_start3A_403] : memref<3x128xi32, #tpu.memory_space<vmem>> -> memref<1x128xi32, #tpu.memory_space<vmem>>
      %dma_start3A_405 = tpu.memref_squeeze %dma_start3A_404 : memref<1x128xi32, #tpu.memory_space<vmem>> -> memref<128xi32, #tpu.memory_space<vmem>>
      %dma_start3A_406 = tpu.memref_slice %arg2[%select_n3A, %mul3A_36] : memref<50x4096xi32, #tpu.memory_space<hbm>> -> memref<1x128xi32, #tpu.memory_space<hbm>>
      %dma_start3A_407 = tpu.memref_squeeze %dma_start3A_406 : memref<1x128xi32, #tpu.memory_space<hbm>> -> memref<128xi32, #tpu.memory_space<hbm>>
      %dma_start3A_408 = arith.constant 0 : i32
      %dma_start3A_409 = tpu.memref_slice %arg5[%run_scoped3A, %dma_start3A_408] : memref<3x128xi32, #tpu.memory_space<vmem>> -> memref<1x128xi32, #tpu.memory_space<vmem>>
      %dma_start3A_410 = tpu.memref_squeeze %dma_start3A_409 : memref<1x128xi32, #tpu.memory_space<vmem>> -> memref<128xi32, #tpu.memory_space<vmem>>
      %dma_start3A_411 = tpu.memref_slice %arg2[%select_n3A, %mul3A_36] : memref<50x4096xi32, #tpu.memory_space<hbm>> -> memref<1x128xi32, #tpu.memory_space<hbm>>
      %dma_start3A_412 = tpu.memref_squeeze %dma_start3A_411 : memref<1x128xi32, #tpu.memory_space<hbm>> -> memref<128xi32, #tpu.memory_space<hbm>>
      tpu.enqueue_dma source(%dma_start3A_412 : memref<128xi32, #tpu.memory_space<hbm>>) target(%dma_start3A_410 : memref<128xi32, #tpu.memory_space<vmem>>) target_semaphore(%run_scoped3A_402 : memref<!tpu.dma_semaphore, #tpu.memory_space<semaphore_mem>>)
      %dma_wait3A_413 = arith.constant 0 : i32
      %dma_wait3A_414 = tpu.memref_slice %arg5[%run_scoped3A, %dma_wait3A_413] : memref<3x128xi32, #tpu.memory_space<vmem>> -> memref<1x128xi32, #tpu.memory_space<vmem>>
      %dma_wait3A_415 = tpu.memref_squeeze %dma_wait3A_414 : memref<1x128xi32, #tpu.memory_space<vmem>> -> memref<128xi32, #tpu.memory_space<vmem>>
      %dma_wait3A_416 = tpu.memref_slice %arg2[%select_n3A, %mul3A_36] : memref<50x4096xi32, #tpu.memory_space<hbm>> -> memref<1x128xi32, #tpu.memory_space<hbm>>
      %dma_wait3A_417 = tpu.memref_squeeze %dma_wait3A_416 : memref<1x128xi32, #tpu.memory_space<hbm>> -> memref<128xi32, #tpu.memory_space<hbm>>
      %dma_wait3A_418 = arith.constant 0 : i32
      %dma_wait3A_419 = tpu.memref_slice %arg5[%run_scoped3A, %dma_wait3A_418] : memref<3x128xi32, #tpu.memory_space<vmem>> -> memref<1x128xi32, #tpu.memory_space<vmem>>
      %dma_wait3A_420 = tpu.memref_squeeze %dma_wait3A_419 : memref<1x128xi32, #tpu.memory_space<vmem>> -> memref<128xi32, #tpu.memory_space<vmem>>
      %dma_wait3A_421 = tpu.memref_slice %arg2[%select_n3A, %mul3A_36] : memref<50x4096xi32, #tpu.memory_space<hbm>> -> memref<1x128xi32, #tpu.memory_space<hbm>>
      %dma_wait3A_422 = tpu.memref_squeeze %dma_wait3A_421 : memref<1x128xi32, #tpu.memory_space<hbm>> -> memref<128xi32, #tpu.memory_space<hbm>>
      tpu.wait_dma2 semaphore(%run_scoped3A_402 : memref<!tpu.dma_semaphore, #tpu.memory_space<semaphore_mem>>) src(%dma_wait3A_422 : memref<128xi32, #tpu.memory_space<hbm>>) dst(%dma_wait3A_420 : memref<128xi32, #tpu.memory_space<vmem>>)
      tpu.yield
    }) : () -> ()
    %dma_start3A = arith.constant 0 : i32
    %dma_start3A_37 = arith.constant 0 : i32
    %dma_start3A_38 = arith.constant 0 : i32
    %dma_start3A_39 = arith.constant 0 : i32
    %dma_start3A_40 = tpu.memref_slice %arg6[%dma_start3A_37, %dma_start3A_38, %dma_start3A_39] : memref<3x128x128xf32, #tpu.memory_space<vmem>> -> memref<1x128x128xf32, #tpu.memory_space<vmem>>
    %dma_start3A_41 = tpu.memref_squeeze %dma_start3A_40 : memref<1x128x128xf32, #tpu.memory_space<vmem>> -> memref<128x128xf32, #tpu.memory_space<vmem>>
    %dma_start3A_42 = arith.constant 0 : i32
    %dma_start3A_43 = tpu.memref_slice %arg5[%dma_start3A, %dma_start3A_42] : memref<3x128xi32, #tpu.memory_space<vmem>> -> memref<1x128xi32, #tpu.memory_space<vmem>>
    %dma_start3A_44 = tpu.memref_squeeze %dma_start3A_43 : memref<1x128xi32, #tpu.memory_space<vmem>> -> memref<128xi32, #tpu.memory_space<vmem>>
    %dma_start3A_45 = arith.constant 0 : i32
    %dma_start3A_46 = arith.constant 0 : i32
    %dma_start3A_47 = tpu.memref_slice %arg3[%dma_start3A_45, %dma_start3A_46] : memref<1000000x128xf32, #tpu.memory_space<hbm>> -> memref<1000000x128xf32, #tpu.memory_space<hbm>>
    tpu.enqueue_indirect_dma source(%dma_start3A_47 : memref<1000000x128xf32, #tpu.memory_space<hbm>>) target(%dma_start3A_41 : memref<128x128xf32, #tpu.memory_space<vmem>>) offsets(%dma_start3A_44 : memref<128xi32, #tpu.memory_space<vmem>>) semaphore(%arg8 : memref<!tpu.dma_semaphore, #tpu.memory_space<semaphore_mem>>)
    %add3A_48 = arith.constant 1 : i32
    %add3A_49 = arith.addi %mul3A_2, %add3A_48 : i32
    %jit3A_50 = arith.constant 32 : i32
    %div3A_51 = arith.divsi %add3A_49, %jit3A_50 : i32
    %sign3A_52 = arith.constant 0 : i32
    %sign3A_53 = arith.cmpi sgt, %add3A_49, %sign3A_52 : i32
    %sign3A_54 = arith.extui %sign3A_53 : i1 to i32
    %sign3A_55 = arith.constant 0 : i32
    %sign3A_56 = arith.cmpi slt, %add3A_49, %sign3A_55 : i32
    %sign3A_57 = arith.extui %sign3A_56 : i1 to i32
    %sign3A_58 = arith.subi %sign3A_54, %sign3A_57 : i32
    %sign3A_59 = arith.constant 0 : i32
    %sign3A_60 = arith.cmpi sgt, %jit3A_50, %sign3A_59 : i32
    %sign3A_61 = arith.extui %sign3A_60 : i1 to i32
    %sign3A_62 = arith.constant 0 : i32
    %sign3A_63 = arith.cmpi slt, %jit3A_50, %sign3A_62 : i32
    %sign3A_64 = arith.extui %sign3A_63 : i1 to i32
    %sign3A_65 = arith.subi %sign3A_61, %sign3A_64 : i32
    %ne3A_66 = arith.cmpi ne, %sign3A_58, %sign3A_65 : i32
    %rem3A_67 = arith.remsi %add3A_49, %jit3A_50 : i32
    %ne3A_68 = arith.constant 0 : i32
    %ne3A_69 = arith.cmpi ne, %rem3A_67, %ne3A_68 : i32
    %and3A_70 = arith.andi %ne3A_66, %ne3A_69 : i1
    %sub3A_71 = arith.constant 1 : i32
    %sub3A_72 = arith.subi %div3A_51, %sub3A_71 : i32
    %select_n3A_73 = arith.select %and3A_70, %sub3A_72, %div3A_51 : i32
    %jit3A_74 = arith.constant 32 : i32
    %eq3A_75 = arith.constant 0 : i32
    %eq3A_76 = arith.cmpi eq, %jit3A_74, %eq3A_75 : i32
    %jit3A_77 = arith.constant 1 : i32
    %select_n3A_78 = arith.select %eq3A_76, %jit3A_77, %jit3A_74 : i32
    %rem3A_79 = arith.remsi %add3A_49, %select_n3A_78 : i32
    %ne3A_80 = arith.constant 0 : i32
    %ne3A_81 = arith.cmpi ne, %rem3A_79, %ne3A_80 : i32
    %lt3A_82 = arith.constant 0 : i32
    %lt3A_83 = arith.cmpi slt, %rem3A_79, %lt3A_82 : i32
    %lt3A_84 = arith.constant 0 : i32
    %lt3A_85 = arith.cmpi slt, %select_n3A_78, %lt3A_84 : i32
    %ne3A_86 = arith.xori %lt3A_83, %lt3A_85 : i1
    %and3A_87 = arith.andi %ne3A_86, %ne3A_81 : i1
    %add3A_88 = arith.addi %rem3A_79, %select_n3A_78 : i32
    %select_n3A_89 = arith.select %and3A_87, %add3A_88, %rem3A_79 : i32
    %mul3A_90 = arith.constant 128 : i32
    %mul3A_91 = arith.muli %select_n3A_89, %mul3A_90 : i32
    %run_scoped3A_92 = arith.constant 1 : i32
    "tpu.region"() ({
      %run_scoped3A_402 = tpu.sem_alloc : memref<!tpu.dma_semaphore, #tpu.memory_space<semaphore_mem>>
      %dma_start3A_403 = arith.constant 0 : i32
      %dma_start3A_404 = tpu.memref_slice %arg5[%run_scoped3A_92, %dma_start3A_403] : memref<3x128xi32, #tpu.memory_space<vmem>> -> memref<1x128xi32, #tpu.memory_space<vmem>>
      %dma_start3A_405 = tpu.memref_squeeze %dma_start3A_404 : memref<1x128xi32, #tpu.memory_space<vmem>> -> memref<128xi32, #tpu.memory_space<vmem>>
      %dma_start3A_406 = tpu.memref_slice %arg2[%select_n3A_73, %mul3A_91] : memref<50x4096xi32, #tpu.memory_space<hbm>> -> memref<1x128xi32, #tpu.memory_space<hbm>>
      %dma_start3A_407 = tpu.memref_squeeze %dma_start3A_406 : memref<1x128xi32, #tpu.memory_space<hbm>> -> memref<128xi32, #tpu.memory_space<hbm>>
      %dma_start3A_408 = arith.constant 0 : i32
      %dma_start3A_409 = tpu.memref_slice %arg5[%run_scoped3A_92, %dma_start3A_408] : memref<3x128xi32, #tpu.memory_space<vmem>> -> memref<1x128xi32, #tpu.memory_space<vmem>>
      %dma_start3A_410 = tpu.memref_squeeze %dma_start3A_409 : memref<1x128xi32, #tpu.memory_space<vmem>> -> memref<128xi32, #tpu.memory_space<vmem>>
      %dma_start3A_411 = tpu.memref_slice %arg2[%select_n3A_73, %mul3A_91] : memref<50x4096xi32, #tpu.memory_space<hbm>> -> memref<1x128xi32, #tpu.memory_space<hbm>>
      %dma_start3A_412 = tpu.memref_squeeze %dma_start3A_411 : memref<1x128xi32, #tpu.memory_space<hbm>> -> memref<128xi32, #tpu.memory_space<hbm>>
      tpu.enqueue_dma source(%dma_start3A_412 : memref<128xi32, #tpu.memory_space<hbm>>) target(%dma_start3A_410 : memref<128xi32, #tpu.memory_space<vmem>>) target_semaphore(%run_scoped3A_402 : memref<!tpu.dma_semaphore, #tpu.memory_space<semaphore_mem>>)
      %dma_wait3A_413 = arith.constant 0 : i32
      %dma_wait3A_414 = tpu.memref_slice %arg5[%run_scoped3A_92, %dma_wait3A_413] : memref<3x128xi32, #tpu.memory_space<vmem>> -> memref<1x128xi32, #tpu.memory_space<vmem>>
      %dma_wait3A_415 = tpu.memref_squeeze %dma_wait3A_414 : memref<1x128xi32, #tpu.memory_space<vmem>> -> memref<128xi32, #tpu.memory_space<vmem>>
      %dma_wait3A_416 = tpu.memref_slice %arg2[%select_n3A_73, %mul3A_91] : memref<50x4096xi32, #tpu.memory_space<hbm>> -> memref<1x128xi32, #tpu.memory_space<hbm>>
      %dma_wait3A_417 = tpu.memref_squeeze %dma_wait3A_416 : memref<1x128xi32, #tpu.memory_space<hbm>> -> memref<128xi32, #tpu.memory_space<hbm>>
      %dma_wait3A_418 = arith.constant 0 : i32
      %dma_wait3A_419 = tpu.memref_slice %arg5[%run_scoped3A_92, %dma_wait3A_418] : memref<3x128xi32, #tpu.memory_space<vmem>> -> memref<1x128xi32, #tpu.memory_space<vmem>>
      %dma_wait3A_420 = tpu.memref_squeeze %dma_wait3A_419 : memref<1x128xi32, #tpu.memory_space<vmem>> -> memref<128xi32, #tpu.memory_space<vmem>>
      %dma_wait3A_421 = tpu.memref_slice %arg2[%select_n3A_73, %mul3A_91] : memref<50x4096xi32, #tpu.memory_space<hbm>> -> memref<1x128xi32, #tpu.memory_space<hbm>>
      %dma_wait3A_422 = tpu.memref_squeeze %dma_wait3A_421 : memref<1x128xi32, #tpu.memory_space<hbm>> -> memref<128xi32, #tpu.memory_space<hbm>>
      tpu.wait_dma2 semaphore(%run_scoped3A_402 : memref<!tpu.dma_semaphore, #tpu.memory_space<semaphore_mem>>) src(%dma_wait3A_422 : memref<128xi32, #tpu.memory_space<hbm>>) dst(%dma_wait3A_420 : memref<128xi32, #tpu.memory_space<vmem>>)
      tpu.yield
    }) : () -> ()
    %dma_start3A_93 = arith.constant 1 : i32
    %dma_start3A_94 = arith.constant 1 : i32
    %dma_start3A_95 = arith.constant 0 : i32
    %dma_start3A_96 = arith.constant 0 : i32
    %dma_start3A_97 = tpu.memref_slice %arg6[%dma_start3A_94, %dma_start3A_95, %dma_start3A_96] : memref<3x128x128xf32, #tpu.memory_space<vmem>> -> memref<1x128x128xf32, #tpu.memory_space<vmem>>
    %dma_start3A_98 = tpu.memref_squeeze %dma_start3A_97 : memref<1x128x128xf32, #tpu.memory_space<vmem>> -> memref<128x128xf32, #tpu.memory_space<vmem>>
    %dma_start3A_99 = arith.constant 0 : i32
    %dma_start3A_100 = tpu.memref_slice %arg5[%dma_start3A_93, %dma_start3A_99] : memref<3x128xi32, #tpu.memory_space<vmem>> -> memref<1x128xi32, #tpu.memory_space<vmem>>
    %dma_start3A_101 = tpu.memref_squeeze %dma_start3A_100 : memref<1x128xi32, #tpu.memory_space<vmem>> -> memref<128xi32, #tpu.memory_space<vmem>>
    %dma_start3A_102 = arith.constant 0 : i32
    %dma_start3A_103 = arith.constant 0 : i32
    %dma_start3A_104 = tpu.memref_slice %arg3[%dma_start3A_102, %dma_start3A_103] : memref<1000000x128xf32, #tpu.memory_space<hbm>> -> memref<1000000x128xf32, #tpu.memory_space<hbm>>
    tpu.enqueue_indirect_dma source(%dma_start3A_104 : memref<1000000x128xf32, #tpu.memory_space<hbm>>) target(%dma_start3A_98 : memref<128x128xf32, #tpu.memory_space<vmem>>) offsets(%dma_start3A_101 : memref<128xi32, #tpu.memory_space<vmem>>) semaphore(%arg9 : memref<!tpu.dma_semaphore, #tpu.memory_space<semaphore_mem>>)
    %scan3A = arith.constant 0 : i32
    %scan3A_105 = arith.constant 0 : i32
    %scan3A_106 = arith.constant 16 : i32
    %scan3A_107 = arith.addi %scan3A_105, %scan3A_106 : i32
    %scan3A_108 = arith.constant 1 : i32
    scf.for %scan3A_402 = %scan3A_105 to %scan3A_107 step %scan3A_108  : i32 {
      %mul3A_403 = arith.constant 3 : i32
      %mul3A_404 = arith.muli %mul3A_403, %scan3A_402 : i32
      %add3A_405 = arith.constant 0 : i32
      %add3A_406 = arith.addi %mul3A_404, %add3A_405 : i32
      %add3A_407 = arith.constant 2 : i32
      %add3A_408 = arith.addi %add3A_406, %add3A_407 : i32
      %add3A_409 = arith.addi %mul3A_2, %add3A_408 : i32
      %jit3A_410 = arith.constant 32 : i32
      %div3A_411 = arith.divsi %add3A_409, %jit3A_410 : i32
      %sign3A_412 = arith.constant 0 : i32
      %sign3A_413 = arith.cmpi sgt, %add3A_409, %sign3A_412 : i32
      %sign3A_414 = arith.extui %sign3A_413 : i1 to i32
      %sign3A_415 = arith.constant 0 : i32
      %sign3A_416 = arith.cmpi slt, %add3A_409, %sign3A_415 : i32
      %sign3A_417 = arith.extui %sign3A_416 : i1 to i32
      %sign3A_418 = arith.subi %sign3A_414, %sign3A_417 : i32
      %sign3A_419 = arith.constant 0 : i32
      %sign3A_420 = arith.cmpi sgt, %jit3A_410, %sign3A_419 : i32
      %sign3A_421 = arith.extui %sign3A_420 : i1 to i32
      %sign3A_422 = arith.constant 0 : i32
      %sign3A_423 = arith.cmpi slt, %jit3A_410, %sign3A_422 : i32
      %sign3A_424 = arith.extui %sign3A_423 : i1 to i32
      %sign3A_425 = arith.subi %sign3A_421, %sign3A_424 : i32
      %ne3A_426 = arith.cmpi ne, %sign3A_418, %sign3A_425 : i32
      %rem3A_427 = arith.remsi %add3A_409, %jit3A_410 : i32
      %ne3A_428 = arith.constant 0 : i32
      %ne3A_429 = arith.cmpi ne, %rem3A_427, %ne3A_428 : i32
      %and3A_430 = arith.andi %ne3A_426, %ne3A_429 : i1
      %sub3A_431 = arith.constant 1 : i32
      %sub3A_432 = arith.subi %div3A_411, %sub3A_431 : i32
      %select_n3A_433 = arith.select %and3A_430, %sub3A_432, %div3A_411 : i32
      %jit3A_434 = arith.constant 32 : i32
      %eq3A_435 = arith.constant 0 : i32
      %eq3A_436 = arith.cmpi eq, %jit3A_434, %eq3A_435 : i32
      %jit3A_437 = arith.constant 1 : i32
      %select_n3A_438 = arith.select %eq3A_436, %jit3A_437, %jit3A_434 : i32
      %rem3A_439 = arith.remsi %add3A_409, %select_n3A_438 : i32
      %ne3A_440 = arith.constant 0 : i32
      %ne3A_441 = arith.cmpi ne, %rem3A_439, %ne3A_440 : i32
      %lt3A_442 = arith.constant 0 : i32
      %lt3A_443 = arith.cmpi slt, %rem3A_439, %lt3A_442 : i32
      %lt3A_444 = arith.constant 0 : i32
      %lt3A_445 = arith.cmpi slt, %select_n3A_438, %lt3A_444 : i32
      %ne3A_446 = arith.xori %lt3A_443, %lt3A_445 : i1
      %and3A_447 = arith.andi %ne3A_446, %ne3A_441 : i1
      %add3A_448 = arith.addi %rem3A_439, %select_n3A_438 : i32
      %select_n3A_449 = arith.select %and3A_447, %add3A_448, %rem3A_439 : i32
      %mul3A_450 = arith.constant 128 : i32
      %mul3A_451 = arith.muli %select_n3A_449, %mul3A_450 : i32
      %run_scoped3A_452 = arith.constant 2 : i32
      "tpu.region"() ({
        %run_scoped3A_904 = tpu.sem_alloc : memref<!tpu.dma_semaphore, #tpu.memory_space<semaphore_mem>>
        %dma_start3A_905 = arith.constant 0 : i32
        %dma_start3A_906 = tpu.memref_slice %arg5[%run_scoped3A_452, %dma_start3A_905] : memref<3x128xi32, #tpu.memory_space<vmem>> -> memref<1x128xi32, #tpu.memory_space<vmem>>
        %dma_start3A_907 = tpu.memref_squeeze %dma_start3A_906 : memref<1x128xi32, #tpu.memory_space<vmem>> -> memref<128xi32, #tpu.memory_space<vmem>>
        %dma_start3A_908 = tpu.memref_slice %arg2[%select_n3A_433, %mul3A_451] : memref<50x4096xi32, #tpu.memory_space<hbm>> -> memref<1x128xi32, #tpu.memory_space<hbm>>
        %dma_start3A_909 = tpu.memref_squeeze %dma_start3A_908 : memref<1x128xi32, #tpu.memory_space<hbm>> -> memref<128xi32, #tpu.memory_space<hbm>>
        %dma_start3A_910 = arith.constant 0 : i32
        %dma_start3A_911 = tpu.memref_slice %arg5[%run_scoped3A_452, %dma_start3A_910] : memref<3x128xi32, #tpu.memory_space<vmem>> -> memref<1x128xi32, #tpu.memory_space<vmem>>
        %dma_start3A_912 = tpu.memref_squeeze %dma_start3A_911 : memref<1x128xi32, #tpu.memory_space<vmem>> -> memref<128xi32, #tpu.memory_space<vmem>>
        %dma_start3A_913 = tpu.memref_slice %arg2[%select_n3A_433, %mul3A_451] : memref<50x4096xi32, #tpu.memory_space<hbm>> -> memref<1x128xi32, #tpu.memory_space<hbm>>
        %dma_start3A_914 = tpu.memref_squeeze %dma_start3A_913 : memref<1x128xi32, #tpu.memory_space<hbm>> -> memref<128xi32, #tpu.memory_space<hbm>>
        tpu.enqueue_dma source(%dma_start3A_914 : memref<128xi32, #tpu.memory_space<hbm>>) target(%dma_start3A_912 : memref<128xi32, #tpu.memory_space<vmem>>) target_semaphore(%run_scoped3A_904 : memref<!tpu.dma_semaphore, #tpu.memory_space<semaphore_mem>>)
        %dma_wait3A_915 = arith.constant 0 : i32
        %dma_wait3A_916 = tpu.memref_slice %arg5[%run_scoped3A_452, %dma_wait3A_915] : memref<3x128xi32, #tpu.memory_space<vmem>> -> memref<1x128xi32, #tpu.memory_space<vmem>>
        %dma_wait3A_917 = tpu.memref_squeeze %dma_wait3A_916 : memref<1x128xi32, #tpu.memory_space<vmem>> -> memref<128xi32, #tpu.memory_space<vmem>>
        %dma_wait3A_918 = tpu.memref_slice %arg2[%select_n3A_433, %mul3A_451] : memref<50x4096xi32, #tpu.memory_space<hbm>> -> memref<1x128xi32, #tpu.memory_space<hbm>>
        %dma_wait3A_919 = tpu.memref_squeeze %dma_wait3A_918 : memref<1x128xi32, #tpu.memory_space<hbm>> -> memref<128xi32, #tpu.memory_space<hbm>>
        %dma_wait3A_920 = arith.constant 0 : i32
        %dma_wait3A_921 = tpu.memref_slice %arg5[%run_scoped3A_452, %dma_wait3A_920] : memref<3x128xi32, #tpu.memory_space<vmem>> -> memref<1x128xi32, #tpu.memory_space<vmem>>
        %dma_wait3A_922 = tpu.memref_squeeze %dma_wait3A_921 : memref<1x128xi32, #tpu.memory_space<vmem>> -> memref<128xi32, #tpu.memory_space<vmem>>
        %dma_wait3A_923 = tpu.memref_slice %arg2[%select_n3A_433, %mul3A_451] : memref<50x4096xi32, #tpu.memory_space<hbm>> -> memref<1x128xi32, #tpu.memory_space<hbm>>
        %dma_wait3A_924 = tpu.memref_squeeze %dma_wait3A_923 : memref<1x128xi32, #tpu.memory_space<hbm>> -> memref<128xi32, #tpu.memory_space<hbm>>
        tpu.wait_dma2 semaphore(%run_scoped3A_904 : memref<!tpu.dma_semaphore, #tpu.memory_space<semaphore_mem>>) src(%dma_wait3A_924 : memref<128xi32, #tpu.memory_space<hbm>>) dst(%dma_wait3A_922 : memref<128xi32, #tpu.memory_space<vmem>>)
        tpu.yield
      }) : () -> ()
      %dma_start3A_453 = arith.constant 2 : i32
      %dma_start3A_454 = arith.constant 2 : i32
      %dma_start3A_455 = arith.constant 0 : i32
      %dma_start3A_456 = arith.constant 0 : i32
      %dma_start3A_457 = tpu.memref_slice %arg6[%dma_start3A_454, %dma_start3A_455, %dma_start3A_456] : memref<3x128x128xf32, #tpu.memory_space<vmem>> -> memref<1x128x128xf32, #tpu.memory_space<vmem>>
      %dma_start3A_458 = tpu.memref_squeeze %dma_start3A_457 : memref<1x128x128xf32, #tpu.memory_space<vmem>> -> memref<128x128xf32, #tpu.memory_space<vmem>>
      %dma_start3A_459 = arith.constant 0 : i32
      %dma_start3A_460 = tpu.memref_slice %arg5[%dma_start3A_453, %dma_start3A_459] : memref<3x128xi32, #tpu.memory_space<vmem>> -> memref<1x128xi32, #tpu.memory_space<vmem>>
      %dma_start3A_461 = tpu.memref_squeeze %dma_start3A_460 : memref<1x128xi32, #tpu.memory_space<vmem>> -> memref<128xi32, #tpu.memory_space<vmem>>
      %dma_start3A_462 = arith.constant 0 : i32
      %dma_start3A_463 = arith.constant 0 : i32
      %dma_start3A_464 = tpu.memref_slice %arg3[%dma_start3A_462, %dma_start3A_463] : memref<1000000x128xf32, #tpu.memory_space<hbm>> -> memref<1000000x128xf32, #tpu.memory_space<hbm>>
      tpu.enqueue_indirect_dma source(%dma_start3A_464 : memref<1000000x128xf32, #tpu.memory_space<hbm>>) target(%dma_start3A_458 : memref<128x128xf32, #tpu.memory_space<vmem>>) offsets(%dma_start3A_461 : memref<128xi32, #tpu.memory_space<vmem>>) semaphore(%arg10 : memref<!tpu.dma_semaphore, #tpu.memory_space<semaphore_mem>>)
      %add3A_465 = arith.addi %mul3A_2, %add3A_406 : i32
      %jit3A_466 = arith.constant 32 : i32
      %div3A_467 = arith.divsi %add3A_465, %jit3A_466 : i32
      %sign3A_468 = arith.constant 0 : i32
      %sign3A_469 = arith.cmpi sgt, %add3A_465, %sign3A_468 : i32
      %sign3A_470 = arith.extui %sign3A_469 : i1 to i32
      %sign3A_471 = arith.constant 0 : i32
      %sign3A_472 = arith.cmpi slt, %add3A_465, %sign3A_471 : i32
      %sign3A_473 = arith.extui %sign3A_472 : i1 to i32
      %sign3A_474 = arith.subi %sign3A_470, %sign3A_473 : i32
      %sign3A_475 = arith.constant 0 : i32
      %sign3A_476 = arith.cmpi sgt, %jit3A_466, %sign3A_475 : i32
      %sign3A_477 = arith.extui %sign3A_476 : i1 to i32
      %sign3A_478 = arith.constant 0 : i32
      %sign3A_479 = arith.cmpi slt, %jit3A_466, %sign3A_478 : i32
      %sign3A_480 = arith.extui %sign3A_479 : i1 to i32
      %sign3A_481 = arith.subi %sign3A_477, %sign3A_480 : i32
      %ne3A_482 = arith.cmpi ne, %sign3A_474, %sign3A_481 : i32
      %rem3A_483 = arith.remsi %add3A_465, %jit3A_466 : i32
      %ne3A_484 = arith.constant 0 : i32
      %ne3A_485 = arith.cmpi ne, %rem3A_483, %ne3A_484 : i32
      %and3A_486 = arith.andi %ne3A_482, %ne3A_485 : i1
      %sub3A_487 = arith.constant 1 : i32
      %sub3A_488 = arith.subi %div3A_467, %sub3A_487 : i32
      %select_n3A_489 = arith.select %and3A_486, %sub3A_488, %div3A_467 : i32
      %jit3A_490 = arith.constant 32 : i32
      %eq3A_491 = arith.constant 0 : i32
      %eq3A_492 = arith.cmpi eq, %jit3A_490, %eq3A_491 : i32
      %jit3A_493 = arith.constant 1 : i32
      %select_n3A_494 = arith.select %eq3A_492, %jit3A_493, %jit3A_490 : i32
      %rem3A_495 = arith.remsi %add3A_465, %select_n3A_494 : i32
      %ne3A_496 = arith.constant 0 : i32
      %ne3A_497 = arith.cmpi ne, %rem3A_495, %ne3A_496 : i32
      %lt3A_498 = arith.constant 0 : i32
      %lt3A_499 = arith.cmpi slt, %rem3A_495, %lt3A_498 : i32
      %lt3A_500 = arith.constant 0 : i32
      %lt3A_501 = arith.cmpi slt, %select_n3A_494, %lt3A_500 : i32
      %ne3A_502 = arith.xori %lt3A_499, %lt3A_501 : i1
      %and3A_503 = arith.andi %ne3A_502, %ne3A_497 : i1
      %add3A_504 = arith.addi %rem3A_495, %select_n3A_494 : i32
      %select_n3A_505 = arith.select %and3A_503, %add3A_504, %rem3A_495 : i32
      %dma_wait3A_506 = arith.constant 0 : i32
      %dma_wait3A_507 = arith.constant 0 : i32
      %dma_wait3A_508 = arith.constant 0 : i32
      %dma_wait3A_509 = arith.constant 0 : i32
      %dma_wait3A_510 = tpu.memref_slice %arg6[%dma_wait3A_507, %dma_wait3A_508, %dma_wait3A_509] : memref<3x128x128xf32, #tpu.memory_space<vmem>> -> memref<1x128x128xf32, #tpu.memory_space<vmem>>
      %dma_wait3A_511 = tpu.memref_squeeze %dma_wait3A_510 : memref<1x128x128xf32, #tpu.memory_space<vmem>> -> memref<128x128xf32, #tpu.memory_space<vmem>>
      %dma_wait3A_512 = arith.constant 0 : i32
      %dma_wait3A_513 = tpu.memref_slice %arg5[%dma_wait3A_506, %dma_wait3A_512] : memref<3x128xi32, #tpu.memory_space<vmem>> -> memref<1x128xi32, #tpu.memory_space<vmem>>
      %dma_wait3A_514 = tpu.memref_squeeze %dma_wait3A_513 : memref<1x128xi32, #tpu.memory_space<vmem>> -> memref<128xi32, #tpu.memory_space<vmem>>
      %dma_wait3A_515 = arith.constant 0 : i32
      %dma_wait3A_516 = arith.constant 0 : i32
      %dma_wait3A_517 = tpu.memref_slice %arg3[%dma_wait3A_515, %dma_wait3A_516] : memref<1000000x128xf32, #tpu.memory_space<hbm>> -> memref<1000000x128xf32, #tpu.memory_space<hbm>>
      tpu.wait_indirect_dma semaphore(%arg8 : memref<!tpu.dma_semaphore, #tpu.memory_space<semaphore_mem>>) src(%dma_wait3A_517 : memref<1000000x128xf32, #tpu.memory_space<hbm>>) dst(%dma_wait3A_511 : memref<128x128xf32, #tpu.memory_space<vmem>>)
      %ge3A = arith.constant 3 : i32
      %ge3A_518 = arith.cmpi sge, %add3A_406, %ge3A : i32
      %convert_element_type3A = arith.extui %ge3A_518 : i1 to i32
      %cond3A = arith.constant 0 : i32
      %cond3A_519 = arith.cmpi ne, %convert_element_type3A, %cond3A : i32
      scf.if %cond3A_519 {
        %dma_wait3A_904 = arith.constant 0 : i32
        %dma_wait3A_905 = arith.constant 0 : i32
        %dma_wait3A_906 = arith.constant 0 : i32
        %dma_wait3A_907 = arith.constant 0 : i32
        %dma_wait3A_908 = tpu.memref_slice %arg7[%dma_wait3A_905, %dma_wait3A_906, %dma_wait3A_907] : memref<3x64x128xf32, #tpu.memory_space<vmem>> -> memref<1x64x128xf32, #tpu.memory_space<vmem>>
        %dma_wait3A_909 = tpu.memref_squeeze %dma_wait3A_908 : memref<1x64x128xf32, #tpu.memory_space<vmem>> -> memref<64x128xf32, #tpu.memory_space<vmem>>
        %dma_wait3A_910 = arith.constant 0 : i32
        %dma_wait3A_911 = arith.constant 0 : i32
        %dma_wait3A_912 = tpu.memref_slice %arg4[%dma_wait3A_904, %dma_wait3A_910, %dma_wait3A_911] : memref<50x64x4096xf32, #tpu.memory_space<hbm>> -> memref<1x64x128xf32, #tpu.memory_space<hbm>>
        %dma_wait3A_913 = tpu.memref_squeeze %dma_wait3A_912 : memref<1x64x128xf32, #tpu.memory_space<hbm>> -> memref<64x128xf32, #tpu.memory_space<hbm>>
        %dma_wait3A_914 = arith.constant 0 : i32
        %dma_wait3A_915 = arith.constant 0 : i32
        %dma_wait3A_916 = tpu.memref_slice %arg7[%dma_wait3A_905, %dma_wait3A_914, %dma_wait3A_915] : memref<3x64x128xf32, #tpu.memory_space<vmem>> -> memref<1x64x128xf32, #tpu.memory_space<vmem>>
        %dma_wait3A_917 = tpu.memref_squeeze %dma_wait3A_916 : memref<1x64x128xf32, #tpu.memory_space<vmem>> -> memref<64x128xf32, #tpu.memory_space<vmem>>
        %dma_wait3A_918 = arith.constant 0 : i32
        %dma_wait3A_919 = arith.constant 0 : i32
        %dma_wait3A_920 = tpu.memref_slice %arg4[%dma_wait3A_904, %dma_wait3A_918, %dma_wait3A_919] : memref<50x64x4096xf32, #tpu.memory_space<hbm>> -> memref<1x64x128xf32, #tpu.memory_space<hbm>>
        %dma_wait3A_921 = tpu.memref_squeeze %dma_wait3A_920 : memref<1x64x128xf32, #tpu.memory_space<hbm>> -> memref<64x128xf32, #tpu.memory_space<hbm>>
        tpu.wait_dma2 semaphore(%arg11 : memref<!tpu.dma_semaphore, #tpu.memory_space<semaphore_mem>>) src(%dma_wait3A_921 : memref<64x128xf32, #tpu.memory_space<hbm>>) dst(%dma_wait3A_917 : memref<64x128xf32, #tpu.memory_space<vmem>>)
      } else {
      }
      %iota3A_520 = tpu.iota {dimensions = array<i32: 0>} : vector<16xi32>
      %add3A_521 = arith.constant 0 : i32
      %add3A_522 = vector.broadcast %add3A_521 : i32 to vector<16xi32>
      %add3A_523 = arith.addi %iota3A_520, %add3A_522 : vector<16xi32>
      %add3A_524 = arith.constant 16 : i32
      %add3A_525 = vector.broadcast %add3A_524 : i32 to vector<16xi32>
      %add3A_526 = arith.addi %iota3A_520, %add3A_525 : vector<16xi32>
      %add3A_527 = arith.constant 32 : i32
      %add3A_528 = vector.broadcast %add3A_527 : i32 to vector<16xi32>
      %add3A_529 = arith.addi %iota3A_520, %add3A_528 : vector<16xi32>
      %add3A_530 = arith.constant 48 : i32
      %add3A_531 = vector.broadcast %add3A_530 : i32 to vector<16xi32>
      %add3A_532 = arith.addi %iota3A_520, %add3A_531 : vector<16xi32>
      %add3A_533 = arith.constant 64 : i32
      %add3A_534 = vector.broadcast %add3A_533 : i32 to vector<16xi32>
      %add3A_535 = arith.addi %iota3A_520, %add3A_534 : vector<16xi32>
      %add3A_536 = arith.constant 80 : i32
      %add3A_537 = vector.broadcast %add3A_536 : i32 to vector<16xi32>
      %add3A_538 = arith.addi %iota3A_520, %add3A_537 : vector<16xi32>
      %add3A_539 = arith.constant 96 : i32
      %add3A_540 = vector.broadcast %add3A_539 : i32 to vector<16xi32>
      %add3A_541 = arith.addi %iota3A_520, %add3A_540 : vector<16xi32>
      %add3A_542 = arith.constant 112 : i32
      %add3A_543 = vector.broadcast %add3A_542 : i32 to vector<16xi32>
      %add3A_544 = arith.addi %iota3A_520, %add3A_543 : vector<16xi32>
      %scan3A_545 = arith.constant 0 : i32
      %scan3A_546 = arith.constant 0 : i32
      %scan3A_547 = arith.constant 64 : i32
      %scan3A_548 = arith.addi %scan3A_546, %scan3A_547 : i32
      %scan3A_549 = arith.constant 2 : i32
      scf.for %scan3A_904 = %scan3A_546 to %scan3A_548 step %scan3A_549  : i32 {
        %add3A_905 = vector.broadcast %scan3A_904 : i32 to vector<16xi32>
        %add3A_906 = arith.addi %add3A_905, %iota3A_520 : vector<16xi32>
        %and3A_907 = arith.constant 63 : i32
        %and3A_908 = vector.broadcast %and3A_907 : i32 to vector<16xi32>
        %and3A_909 = arith.andi %add3A_906, %and3A_908 : vector<16xi32>
        %gather3A = arith.constant 0 : i32
        %gather3A_910 = arith.constant 0 : i32
        %gather3A_911 = arith.constant 0 : i32
        %gather3A_912 = tpu.memref_slice %arg6[%gather3A, %gather3A_910, %gather3A_911] : memref<3x128x128xf32, #tpu.memory_space<vmem>> -> memref<1x128x128xf32, #tpu.memory_space<vmem>>
        %gather3A_913 = tpu.memref_squeeze %gather3A_912 : memref<1x128x128xf32, #tpu.memory_space<vmem>> -> memref<128x128xf32, #tpu.memory_space<vmem>>
        %gather3A_914 = tpu.vector_load_idx %gather3A_913[%add3A_523, %and3A_909] : memref<128x128xf32, #tpu.memory_space<vmem>>[vector<16xi32>, vector<16xi32>], vector<16xf32>,
        %scatter3A = arith.constant 0 : i32
        %scatter3A_915 = arith.constant 0 : i32
        %scatter3A_916 = arith.constant 0 : i32
        %scatter3A_917 = tpu.memref_slice %arg7[%scatter3A, %scatter3A_915, %scatter3A_916] : memref<3x64x128xf32, #tpu.memory_space<vmem>> -> memref<1x64x128xf32, #tpu.memory_space<vmem>>
        %scatter3A_918 = tpu.memref_squeeze %scatter3A_917 : memref<1x64x128xf32, #tpu.memory_space<vmem>> -> memref<64x128xf32, #tpu.memory_space<vmem>>
        tpu.vector_store_idx %scatter3A_918[%and3A_909, %add3A_523], %gather3A_914 : memref<64x128xf32, #tpu.memory_space<vmem>>[vector<16xi32>, vector<16xi32>], vector<16xf32>,
        %gather3A_919 = arith.constant 0 : i32
        %gather3A_920 = arith.constant 0 : i32
        %gather3A_921 = arith.constant 0 : i32
        %gather3A_922 = tpu.memref_slice %arg6[%gather3A_919, %gather3A_920, %gather3A_921] : memref<3x128x128xf32, #tpu.memory_space<vmem>> -> memref<1x128x128xf32, #tpu.memory_space<vmem>>
        %gather3A_923 = tpu.memref_squeeze %gather3A_922 : memref<1x128x128xf32, #tpu.memory_space<vmem>> -> memref<128x128xf32, #tpu.memory_space<vmem>>
        %gather3A_924 = tpu.vector_load_idx %gather3A_923[%add3A_526, %and3A_909] : memref<128x128xf32, #tpu.memory_space<vmem>>[vector<16xi32>, vector<16xi32>], vector<16xf32>,
        %scatter3A_925 = arith.constant 0 : i32
        %scatter3A_926 = arith.constant 0 : i32
        %scatter3A_927 = arith.constant 0 : i32
        %scatter3A_928 = tpu.memref_slice %arg7[%scatter3A_925, %scatter3A_926, %scatter3A_927] : memref<3x64x128xf32, #tpu.memory_space<vmem>> -> memref<1x64x128xf32, #tpu.memory_space<vmem>>
        %scatter3A_929 = tpu.memref_squeeze %scatter3A_928 : memref<1x64x128xf32, #tpu.memory_space<vmem>> -> memref<64x128xf32, #tpu.memory_space<vmem>>
        tpu.vector_store_idx %scatter3A_929[%and3A_909, %add3A_526], %gather3A_924 : memref<64x128xf32, #tpu.memory_space<vmem>>[vector<16xi32>, vector<16xi32>], vector<16xf32>,
        %gather3A_930 = arith.constant 0 : i32
        %gather3A_931 = arith.constant 0 : i32
        %gather3A_932 = arith.constant 0 : i32
        %gather3A_933 = tpu.memref_slice %arg6[%gather3A_930, %gather3A_931, %gather3A_932] : memref<3x128x128xf32, #tpu.memory_space<vmem>> -> memref<1x128x128xf32, #tpu.memory_space<vmem>>
        %gather3A_934 = tpu.memref_squeeze %gather3A_933 : memref<1x128x128xf32, #tpu.memory_space<vmem>> -> memref<128x128xf32, #tpu.memory_space<vmem>>
        %gather3A_935 = tpu.vector_load_idx %gather3A_934[%add3A_529, %and3A_909] : memref<128x128xf32, #tpu.memory_space<vmem>>[vector<16xi32>, vector<16xi32>], vector<16xf32>,
        %scatter3A_936 = arith.constant 0 : i32
        %scatter3A_937 = arith.constant 0 : i32
        %scatter3A_938 = arith.constant 0 : i32
        %scatter3A_939 = tpu.memref_slice %arg7[%scatter3A_936, %scatter3A_937, %scatter3A_938] : memref<3x64x128xf32, #tpu.memory_space<vmem>> -> memref<1x64x128xf32, #tpu.memory_space<vmem>>
        %scatter3A_940 = tpu.memref_squeeze %scatter3A_939 : memref<1x64x128xf32, #tpu.memory_space<vmem>> -> memref<64x128xf32, #tpu.memory_space<vmem>>
        tpu.vector_store_idx %scatter3A_940[%and3A_909, %add3A_529], %gather3A_935 : memref<64x128xf32, #tpu.memory_space<vmem>>[vector<16xi32>, vector<16xi32>], vector<16xf32>,
        %gather3A_941 = arith.constant 0 : i32
        %gather3A_942 = arith.constant 0 : i32
        %gather3A_943 = arith.constant 0 : i32
        %gather3A_944 = tpu.memref_slice %arg6[%gather3A_941, %gather3A_942, %gather3A_943] : memref<3x128x128xf32, #tpu.memory_space<vmem>> -> memref<1x128x128xf32, #tpu.memory_space<vmem>>
        %gather3A_945 = tpu.memref_squeeze %gather3A_944 : memref<1x128x128xf32, #tpu.memory_space<vmem>> -> memref<128x128xf32, #tpu.memory_space<vmem>>
        %gather3A_946 = tpu.vector_load_idx %gather3A_945[%add3A_532, %and3A_909] : memref<128x128xf32, #tpu.memory_space<vmem>>[vector<16xi32>, vector<16xi32>], vector<16xf32>,
        %scatter3A_947 = arith.constant 0 : i32
        %scatter3A_948 = arith.constant 0 : i32
        %scatter3A_949 = arith.constant 0 : i32
        %scatter3A_950 = tpu.memref_slice %arg7[%scatter3A_947, %scatter3A_948, %scatter3A_949] : memref<3x64x128xf32, #tpu.memory_space<vmem>> -> memref<1x64x128xf32, #tpu.memory_space<vmem>>
        %scatter3A_951 = tpu.memref_squeeze %scatter3A_950 : memref<1x64x128xf32, #tpu.memory_space<vmem>> -> memref<64x128xf32, #tpu.memory_space<vmem>>
        tpu.vector_store_idx %scatter3A_951[%and3A_909, %add3A_532], %gather3A_946 : memref<64x128xf32, #tpu.memory_space<vmem>>[vector<16xi32>, vector<16xi32>], vector<16xf32>,
        %gather3A_952 = arith.constant 0 : i32
        %gather3A_953 = arith.constant 0 : i32
        %gather3A_954 = arith.constant 0 : i32
        %gather3A_955 = tpu.memref_slice %arg6[%gather3A_952, %gather3A_953, %gather3A_954] : memref<3x128x128xf32, #tpu.memory_space<vmem>> -> memref<1x128x128xf32, #tpu.memory_space<vmem>>
        %gather3A_956 = tpu.memref_squeeze %gather3A_955 : memref<1x128x128xf32, #tpu.memory_space<vmem>> -> memref<128x128xf32, #tpu.memory_space<vmem>>
        %gather3A_957 = tpu.vector_load_idx %gather3A_956[%add3A_535, %and3A_909] : memref<128x128xf32, #tpu.memory_space<vmem>>[vector<16xi32>, vector<16xi32>], vector<16xf32>,
        %scatter3A_958 = arith.constant 0 : i32
        %scatter3A_959 = arith.constant 0 : i32
        %scatter3A_960 = arith.constant 0 : i32
        %scatter3A_961 = tpu.memref_slice %arg7[%scatter3A_958, %scatter3A_959, %scatter3A_960] : memref<3x64x128xf32, #tpu.memory_space<vmem>> -> memref<1x64x128xf32, #tpu.memory_space<vmem>>
        %scatter3A_962 = tpu.memref_squeeze %scatter3A_961 : memref<1x64x128xf32, #tpu.memory_space<vmem>> -> memref<64x128xf32, #tpu.memory_space<vmem>>
        tpu.vector_store_idx %scatter3A_962[%and3A_909, %add3A_535], %gather3A_957 : memref<64x128xf32, #tpu.memory_space<vmem>>[vector<16xi32>, vector<16xi32>], vector<16xf32>,
        %gather3A_963 = arith.constant 0 : i32
        %gather3A_964 = arith.constant 0 : i32
        %gather3A_965 = arith.constant 0 : i32
        %gather3A_966 = tpu.memref_slice %arg6[%gather3A_963, %gather3A_964, %gather3A_965] : memref<3x128x128xf32, #tpu.memory_space<vmem>> -> memref<1x128x128xf32, #tpu.memory_space<vmem>>
        %gather3A_967 = tpu.memref_squeeze %gather3A_966 : memref<1x128x128xf32, #tpu.memory_space<vmem>> -> memref<128x128xf32, #tpu.memory_space<vmem>>
        %gather3A_968 = tpu.vector_load_idx %gather3A_967[%add3A_538, %and3A_909] : memref<128x128xf32, #tpu.memory_space<vmem>>[vector<16xi32>, vector<16xi32>], vector<16xf32>,
        %scatter3A_969 = arith.constant 0 : i32
        %scatter3A_970 = arith.constant 0 : i32
        %scatter3A_971 = arith.constant 0 : i32
        %scatter3A_972 = tpu.memref_slice %arg7[%scatter3A_969, %scatter3A_970, %scatter3A_971] : memref<3x64x128xf32, #tpu.memory_space<vmem>> -> memref<1x64x128xf32, #tpu.memory_space<vmem>>
        %scatter3A_973 = tpu.memref_squeeze %scatter3A_972 : memref<1x64x128xf32, #tpu.memory_space<vmem>> -> memref<64x128xf32, #tpu.memory_space<vmem>>
        tpu.vector_store_idx %scatter3A_973[%and3A_909, %add3A_538], %gather3A_968 : memref<64x128xf32, #tpu.memory_space<vmem>>[vector<16xi32>, vector<16xi32>], vector<16xf32>,
        %gather3A_974 = arith.constant 0 : i32
        %gather3A_975 = arith.constant 0 : i32
        %gather3A_976 = arith.constant 0 : i32
        %gather3A_977 = tpu.memref_slice %arg6[%gather3A_974, %gather3A_975, %gather3A_976] : memref<3x128x128xf32, #tpu.memory_space<vmem>> -> memref<1x128x128xf32, #tpu.memory_space<vmem>>
        %gather3A_978 = tpu.memref_squeeze %gather3A_977 : memref<1x128x128xf32, #tpu.memory_space<vmem>> -> memref<128x128xf32, #tpu.memory_space<vmem>>
        %gather3A_979 = tpu.vector_load_idx %gather3A_978[%add3A_541, %and3A_909] : memref<128x128xf32, #tpu.memory_space<vmem>>[vector<16xi32>, vector<16xi32>], vector<16xf32>,
        %scatter3A_980 = arith.constant 0 : i32
        %scatter3A_981 = arith.constant 0 : i32
        %scatter3A_982 = arith.constant 0 : i32
        %scatter3A_983 = tpu.memref_slice %arg7[%scatter3A_980, %scatter3A_981, %scatter3A_982] : memref<3x64x128xf32, #tpu.memory_space<vmem>> -> memref<1x64x128xf32, #tpu.memory_space<vmem>>
        %scatter3A_984 = tpu.memref_squeeze %scatter3A_983 : memref<1x64x128xf32, #tpu.memory_space<vmem>> -> memref<64x128xf32, #tpu.memory_space<vmem>>
        tpu.vector_store_idx %scatter3A_984[%and3A_909, %add3A_541], %gather3A_979 : memref<64x128xf32, #tpu.memory_space<vmem>>[vector<16xi32>, vector<16xi32>], vector<16xf32>,
        %gather3A_985 = arith.constant 0 : i32
        %gather3A_986 = arith.constant 0 : i32
        %gather3A_987 = arith.constant 0 : i32
        %gather3A_988 = tpu.memref_slice %arg6[%gather3A_985, %gather3A_986, %gather3A_987] : memref<3x128x128xf32, #tpu.memory_space<vmem>> -> memref<1x128x128xf32, #tpu.memory_space<vmem>>
        %gather3A_989 = tpu.memref_squeeze %gather3A_988 : memref<1x128x128xf32, #tpu.memory_space<vmem>> -> memref<128x128xf32, #tpu.memory_space<vmem>>
        %gather3A_990 = tpu.vector_load_idx %gather3A_989[%add3A_544, %and3A_909] : memref<128x128xf32, #tpu.memory_space<vmem>>[vector<16xi32>, vector<16xi32>], vector<16xf32>,
        %scatter3A_991 = arith.constant 0 : i32
        %scatter3A_992 = arith.constant 0 : i32
        %scatter3A_993 = arith.constant 0 : i32
        %scatter3A_994 = tpu.memref_slice %arg7[%scatter3A_991, %scatter3A_992, %scatter3A_993] : memref<3x64x128xf32, #tpu.memory_space<vmem>> -> memref<1x64x128xf32, #tpu.memory_space<vmem>>
        %scatter3A_995 = tpu.memref_squeeze %scatter3A_994 : memref<1x64x128xf32, #tpu.memory_space<vmem>> -> memref<64x128xf32, #tpu.memory_space<vmem>>
        tpu.vector_store_idx %scatter3A_995[%and3A_909, %add3A_544], %gather3A_990 : memref<64x128xf32, #tpu.memory_space<vmem>>[vector<16xi32>, vector<16xi32>], vector<16xf32>,
        %scan3A_996 = arith.constant 1 : i32
        %scan3A_997 = arith.addi %scan3A_904, %scan3A_996 : i32
        %add3A_998 = vector.broadcast %scan3A_997 : i32 to vector<16xi32>
        %add3A_999 = arith.addi %add3A_998, %iota3A_520 : vector<16xi32>
        %and3A_1000 = arith.constant 63 : i32
        %and3A_1001 = vector.broadcast %and3A_1000 : i32 to vector<16xi32>
        %and3A_1002 = arith.andi %add3A_999, %and3A_1001 : vector<16xi32>
        %gather3A_1003 = arith.constant 0 : i32
        %gather3A_1004 = arith.constant 0 : i32
        %gather3A_1005 = arith.constant 0 : i32
        %gather3A_1006 = tpu.memref_slice %arg6[%gather3A_1003, %gather3A_1004, %gather3A_1005] : memref<3x128x128xf32, #tpu.memory_space<vmem>> -> memref<1x128x128xf32, #tpu.memory_space<vmem>>
        %gather3A_1007 = tpu.memref_squeeze %gather3A_1006 : memref<1x128x128xf32, #tpu.memory_space<vmem>> -> memref<128x128xf32, #tpu.memory_space<vmem>>
        %gather3A_1008 = tpu.vector_load_idx %gather3A_1007[%add3A_523, %and3A_1002] : memref<128x128xf32, #tpu.memory_space<vmem>>[vector<16xi32>, vector<16xi32>], vector<16xf32>,
        %scatter3A_1009 = arith.constant 0 : i32
        %scatter3A_1010 = arith.constant 0 : i32
        %scatter3A_1011 = arith.constant 0 : i32
        %scatter3A_1012 = tpu.memref_slice %arg7[%scatter3A_1009, %scatter3A_1010, %scatter3A_1011] : memref<3x64x128xf32, #tpu.memory_space<vmem>> -> memref<1x64x128xf32, #tpu.memory_space<vmem>>
        %scatter3A_1013 = tpu.memref_squeeze %scatter3A_1012 : memref<1x64x128xf32, #tpu.memory_space<vmem>> -> memref<64x128xf32, #tpu.memory_space<vmem>>
        tpu.vector_store_idx %scatter3A_1013[%and3A_1002, %add3A_523], %gather3A_1008 : memref<64x128xf32, #tpu.memory_space<vmem>>[vector<16xi32>, vector<16xi32>], vector<16xf32>,
        %gather3A_1014 = arith.constant 0 : i32
        %gather3A_1015 = arith.constant 0 : i32
        %gather3A_1016 = arith.constant 0 : i32
        %gather3A_1017 = tpu.memref_slice %arg6[%gather3A_1014, %gather3A_1015, %gather3A_1016] : memref<3x128x128xf32, #tpu.memory_space<vmem>> -> memref<1x128x128xf32, #tpu.memory_space<vmem>>
        %gather3A_1018 = tpu.memref_squeeze %gather3A_1017 : memref<1x128x128xf32, #tpu.memory_space<vmem>> -> memref<128x128xf32, #tpu.memory_space<vmem>>
        %gather3A_1019 = tpu.vector_load_idx %gather3A_1018[%add3A_526, %and3A_1002] : memref<128x128xf32, #tpu.memory_space<vmem>>[vector<16xi32>, vector<16xi32>], vector<16xf32>,
        %scatter3A_1020 = arith.constant 0 : i32
        %scatter3A_1021 = arith.constant 0 : i32
        %scatter3A_1022 = arith.constant 0 : i32
        %scatter3A_1023 = tpu.memref_slice %arg7[%scatter3A_1020, %scatter3A_1021, %scatter3A_1022] : memref<3x64x128xf32, #tpu.memory_space<vmem>> -> memref<1x64x128xf32, #tpu.memory_space<vmem>>
        %scatter3A_1024 = tpu.memref_squeeze %scatter3A_1023 : memref<1x64x128xf32, #tpu.memory_space<vmem>> -> memref<64x128xf32, #tpu.memory_space<vmem>>
        tpu.vector_store_idx %scatter3A_1024[%and3A_1002, %add3A_526], %gather3A_1019 : memref<64x128xf32, #tpu.memory_space<vmem>>[vector<16xi32>, vector<16xi32>], vector<16xf32>,
        %gather3A_1025 = arith.constant 0 : i32
        %gather3A_1026 = arith.constant 0 : i32
        %gather3A_1027 = arith.constant 0 : i32
        %gather3A_1028 = tpu.memref_slice %arg6[%gather3A_1025, %gather3A_1026, %gather3A_1027] : memref<3x128x128xf32, #tpu.memory_space<vmem>> -> memref<1x128x128xf32, #tpu.memory_space<vmem>>
        %gather3A_1029 = tpu.memref_squeeze %gather3A_1028 : memref<1x128x128xf32, #tpu.memory_space<vmem>> -> memref<128x128xf32, #tpu.memory_space<vmem>>
        %gather3A_1030 = tpu.vector_load_idx %gather3A_1029[%add3A_529, %and3A_1002] : memref<128x128xf32, #tpu.memory_space<vmem>>[vector<16xi32>, vector<16xi32>], vector<16xf32>,
        %scatter3A_1031 = arith.constant 0 : i32
        %scatter3A_1032 = arith.constant 0 : i32
        %scatter3A_1033 = arith.constant 0 : i32
        %scatter3A_1034 = tpu.memref_slice %arg7[%scatter3A_1031, %scatter3A_1032, %scatter3A_1033] : memref<3x64x128xf32, #tpu.memory_space<vmem>> -> memref<1x64x128xf32, #tpu.memory_space<vmem>>
        %scatter3A_1035 = tpu.memref_squeeze %scatter3A_1034 : memref<1x64x128xf32, #tpu.memory_space<vmem>> -> memref<64x128xf32, #tpu.memory_space<vmem>>
        tpu.vector_store_idx %scatter3A_1035[%and3A_1002, %add3A_529], %gather3A_1030 : memref<64x128xf32, #tpu.memory_space<vmem>>[vector<16xi32>, vector<16xi32>], vector<16xf32>,
        %gather3A_1036 = arith.constant 0 : i32
        %gather3A_1037 = arith.constant 0 : i32
        %gather3A_1038 = arith.constant 0 : i32
        %gather3A_1039 = tpu.memref_slice %arg6[%gather3A_1036, %gather3A_1037, %gather3A_1038] : memref<3x128x128xf32, #tpu.memory_space<vmem>> -> memref<1x128x128xf32, #tpu.memory_space<vmem>>
        %gather3A_1040 = tpu.memref_squeeze %gather3A_1039 : memref<1x128x128xf32, #tpu.memory_space<vmem>> -> memref<128x128xf32, #tpu.memory_space<vmem>>
        %gather3A_1041 = tpu.vector_load_idx %gather3A_1040[%add3A_532, %and3A_1002] : memref<128x128xf32, #tpu.memory_space<vmem>>[vector<16xi32>, vector<16xi32>], vector<16xf32>,
        %scatter3A_1042 = arith.constant 0 : i32
        %scatter3A_1043 = arith.constant 0 : i32
        %scatter3A_1044 = arith.constant 0 : i32
        %scatter3A_1045 = tpu.memref_slice %arg7[%scatter3A_1042, %scatter3A_1043, %scatter3A_1044] : memref<3x64x128xf32, #tpu.memory_space<vmem>> -> memref<1x64x128xf32, #tpu.memory_space<vmem>>
        %scatter3A_1046 = tpu.memref_squeeze %scatter3A_1045 : memref<1x64x128xf32, #tpu.memory_space<vmem>> -> memref<64x128xf32, #tpu.memory_space<vmem>>
        tpu.vector_store_idx %scatter3A_1046[%and3A_1002, %add3A_532], %gather3A_1041 : memref<64x128xf32, #tpu.memory_space<vmem>>[vector<16xi32>, vector<16xi32>], vector<16xf32>,
        %gather3A_1047 = arith.constant 0 : i32
        %gather3A_1048 = arith.constant 0 : i32
        %gather3A_1049 = arith.constant 0 : i32
        %gather3A_1050 = tpu.memref_slice %arg6[%gather3A_1047, %gather3A_1048, %gather3A_1049] : memref<3x128x128xf32, #tpu.memory_space<vmem>> -> memref<1x128x128xf32, #tpu.memory_space<vmem>>
        %gather3A_1051 = tpu.memref_squeeze %gather3A_1050 : memref<1x128x128xf32, #tpu.memory_space<vmem>> -> memref<128x128xf32, #tpu.memory_space<vmem>>
        %gather3A_1052 = tpu.vector_load_idx %gather3A_1051[%add3A_535, %and3A_1002] : memref<128x128xf32, #tpu.memory_space<vmem>>[vector<16xi32>, vector<16xi32>], vector<16xf32>,
        %scatter3A_1053 = arith.constant 0 : i32
        %scatter3A_1054 = arith.constant 0 : i32
        %scatter3A_1055 = arith.constant 0 : i32
        %scatter3A_1056 = tpu.memref_slice %arg7[%scatter3A_1053, %scatter3A_1054, %scatter3A_1055] : memref<3x64x128xf32, #tpu.memory_space<vmem>> -> memref<1x64x128xf32, #tpu.memory_space<vmem>>
        %scatter3A_1057 = tpu.memref_squeeze %scatter3A_1056 : memref<1x64x128xf32, #tpu.memory_space<vmem>> -> memref<64x128xf32, #tpu.memory_space<vmem>>
        tpu.vector_store_idx %scatter3A_1057[%and3A_1002, %add3A_535], %gather3A_1052 : memref<64x128xf32, #tpu.memory_space<vmem>>[vector<16xi32>, vector<16xi32>], vector<16xf32>,
        %gather3A_1058 = arith.constant 0 : i32
        %gather3A_1059 = arith.constant 0 : i32
        %gather3A_1060 = arith.constant 0 : i32
        %gather3A_1061 = tpu.memref_slice %arg6[%gather3A_1058, %gather3A_1059, %gather3A_1060] : memref<3x128x128xf32, #tpu.memory_space<vmem>> -> memref<1x128x128xf32, #tpu.memory_space<vmem>>
        %gather3A_1062 = tpu.memref_squeeze %gather3A_1061 : memref<1x128x128xf32, #tpu.memory_space<vmem>> -> memref<128x128xf32, #tpu.memory_space<vmem>>
        %gather3A_1063 = tpu.vector_load_idx %gather3A_1062[%add3A_538, %and3A_1002] : memref<128x128xf32, #tpu.memory_space<vmem>>[vector<16xi32>, vector<16xi32>], vector<16xf32>,
        %scatter3A_1064 = arith.constant 0 : i32
        %scatter3A_1065 = arith.constant 0 : i32
        %scatter3A_1066 = arith.constant 0 : i32
        %scatter3A_1067 = tpu.memref_slice %arg7[%scatter3A_1064, %scatter3A_1065, %scatter3A_1066] : memref<3x64x128xf32, #tpu.memory_space<vmem>> -> memref<1x64x128xf32, #tpu.memory_space<vmem>>
        %scatter3A_1068 = tpu.memref_squeeze %scatter3A_1067 : memref<1x64x128xf32, #tpu.memory_space<vmem>> -> memref<64x128xf32, #tpu.memory_space<vmem>>
        tpu.vector_store_idx %scatter3A_1068[%and3A_1002, %add3A_538], %gather3A_1063 : memref<64x128xf32, #tpu.memory_space<vmem>>[vector<16xi32>, vector<16xi32>], vector<16xf32>,
        %gather3A_1069 = arith.constant 0 : i32
        %gather3A_1070 = arith.constant 0 : i32
        %gather3A_1071 = arith.constant 0 : i32
        %gather3A_1072 = tpu.memref_slice %arg6[%gather3A_1069, %gather3A_1070, %gather3A_1071] : memref<3x128x128xf32, #tpu.memory_space<vmem>> -> memref<1x128x128xf32, #tpu.memory_space<vmem>>
        %gather3A_1073 = tpu.memref_squeeze %gather3A_1072 : memref<1x128x128xf32, #tpu.memory_space<vmem>> -> memref<128x128xf32, #tpu.memory_space<vmem>>
        %gather3A_1074 = tpu.vector_load_idx %gather3A_1073[%add3A_541, %and3A_1002] : memref<128x128xf32, #tpu.memory_space<vmem>>[vector<16xi32>, vector<16xi32>], vector<16xf32>,
        %scatter3A_1075 = arith.constant 0 : i32
        %scatter3A_1076 = arith.constant 0 : i32
        %scatter3A_1077 = arith.constant 0 : i32
        %scatter3A_1078 = tpu.memref_slice %arg7[%scatter3A_1075, %scatter3A_1076, %scatter3A_1077] : memref<3x64x128xf32, #tpu.memory_space<vmem>> -> memref<1x64x128xf32, #tpu.memory_space<vmem>>
        %scatter3A_1079 = tpu.memref_squeeze %scatter3A_1078 : memref<1x64x128xf32, #tpu.memory_space<vmem>> -> memref<64x128xf32, #tpu.memory_space<vmem>>
        tpu.vector_store_idx %scatter3A_1079[%and3A_1002, %add3A_541], %gather3A_1074 : memref<64x128xf32, #tpu.memory_space<vmem>>[vector<16xi32>, vector<16xi32>], vector<16xf32>,
        %gather3A_1080 = arith.constant 0 : i32
        %gather3A_1081 = arith.constant 0 : i32
        %gather3A_1082 = arith.constant 0 : i32
        %gather3A_1083 = tpu.memref_slice %arg6[%gather3A_1080, %gather3A_1081, %gather3A_1082] : memref<3x128x128xf32, #tpu.memory_space<vmem>> -> memref<1x128x128xf32, #tpu.memory_space<vmem>>
        %gather3A_1084 = tpu.memref_squeeze %gather3A_1083 : memref<1x128x128xf32, #tpu.memory_space<vmem>> -> memref<128x128xf32, #tpu.memory_space<vmem>>
        %gather3A_1085 = tpu.vector_load_idx %gather3A_1084[%add3A_544, %and3A_1002] : memref<128x128xf32, #tpu.memory_space<vmem>>[vector<16xi32>, vector<16xi32>], vector<16xf32>,
        %scatter3A_1086 = arith.constant 0 : i32
        %scatter3A_1087 = arith.constant 0 : i32
        %scatter3A_1088 = arith.constant 0 : i32
        %scatter3A_1089 = tpu.memref_slice %arg7[%scatter3A_1086, %scatter3A_1087, %scatter3A_1088] : memref<3x64x128xf32, #tpu.memory_space<vmem>> -> memref<1x64x128xf32, #tpu.memory_space<vmem>>
        %scatter3A_1090 = tpu.memref_squeeze %scatter3A_1089 : memref<1x64x128xf32, #tpu.memory_space<vmem>> -> memref<64x128xf32, #tpu.memory_space<vmem>>
        tpu.vector_store_idx %scatter3A_1090[%and3A_1002, %add3A_544], %gather3A_1085 : memref<64x128xf32, #tpu.memory_space<vmem>>[vector<16xi32>, vector<16xi32>], vector<16xf32>,
      }
      %scan3A_550 = arith.constant 64 : i32
      %mul3A_551 = arith.constant 128 : i32
      %mul3A_552 = arith.muli %select_n3A_505, %mul3A_551 : i32
      %dma_start3A_553 = arith.constant 0 : i32
      %dma_start3A_554 = arith.constant 0 : i32
      %dma_start3A_555 = arith.constant 0 : i32
      %dma_start3A_556 = tpu.memref_slice %arg7[%dma_start3A_553, %dma_start3A_554, %dma_start3A_555] : memref<3x64x128xf32, #tpu.memory_space<vmem>> -> memref<1x64x128xf32, #tpu.memory_space<vmem>>
      %dma_start3A_557 = tpu.memref_squeeze %dma_start3A_556 : memref<1x64x128xf32, #tpu.memory_space<vmem>> -> memref<64x128xf32, #tpu.memory_space<vmem>>
      %dma_start3A_558 = arith.constant 0 : i32
      %dma_start3A_559 = tpu.memref_slice %arg4[%select_n3A_489, %dma_start3A_558, %mul3A_552] : memref<50x64x4096xf32, #tpu.memory_space<hbm>> -> memref<1x64x128xf32, #tpu.memory_space<hbm>>
      %dma_start3A_560 = tpu.memref_squeeze %dma_start3A_559 : memref<1x64x128xf32, #tpu.memory_space<hbm>> -> memref<64x128xf32, #tpu.memory_space<hbm>>
      %dma_start3A_561 = arith.constant 0 : i32
      %dma_start3A_562 = tpu.memref_slice %arg4[%select_n3A_489, %dma_start3A_561, %mul3A_552] : memref<50x64x4096xf32, #tpu.memory_space<hbm>> -> memref<1x64x128xf32, #tpu.memory_space<hbm>>
      %dma_start3A_563 = tpu.memref_squeeze %dma_start3A_562 : memref<1x64x128xf32, #tpu.memory_space<hbm>> -> memref<64x128xf32, #tpu.memory_space<hbm>>
      %dma_start3A_564 = arith.constant 0 : i32
      %dma_start3A_565 = arith.constant 0 : i32
      %dma_start3A_566 = tpu.memref_slice %arg7[%dma_start3A_553, %dma_start3A_564, %dma_start3A_565] : memref<3x64x128xf32, #tpu.memory_space<vmem>> -> memref<1x64x128xf32, #tpu.memory_space<vmem>>
      %dma_start3A_567 = tpu.memref_squeeze %dma_start3A_566 : memref<1x64x128xf32, #tpu.memory_space<vmem>> -> memref<64x128xf32, #tpu.memory_space<vmem>>
      tpu.enqueue_dma source(%dma_start3A_567 : memref<64x128xf32, #tpu.memory_space<vmem>>) target(%dma_start3A_563 : memref<64x128xf32, #tpu.memory_space<hbm>>) target_semaphore(%arg11 : memref<!tpu.dma_semaphore, #tpu.memory_space<semaphore_mem>>)
      %mul3A_568 = arith.constant 3 : i32
      %mul3A_569 = arith.muli %mul3A_568, %scan3A_402 : i32
      %add3A_570 = arith.constant 1 : i32
      %add3A_571 = arith.addi %mul3A_569, %add3A_570 : i32
      %add3A_572 = arith.constant 2 : i32
      %add3A_573 = arith.addi %add3A_571, %add3A_572 : i32
      %add3A_574 = arith.addi %mul3A_2, %add3A_573 : i32
      %jit3A_575 = arith.constant 32 : i32
      %div3A_576 = arith.divsi %add3A_574, %jit3A_575 : i32
      %sign3A_577 = arith.constant 0 : i32
      %sign3A_578 = arith.cmpi sgt, %add3A_574, %sign3A_577 : i32
      %sign3A_579 = arith.extui %sign3A_578 : i1 to i32
      %sign3A_580 = arith.constant 0 : i32
      %sign3A_581 = arith.cmpi slt, %add3A_574, %sign3A_580 : i32
      %sign3A_582 = arith.extui %sign3A_581 : i1 to i32
      %sign3A_583 = arith.subi %sign3A_579, %sign3A_582 : i32
      %sign3A_584 = arith.constant 0 : i32
      %sign3A_585 = arith.cmpi sgt, %jit3A_575, %sign3A_584 : i32
      %sign3A_586 = arith.extui %sign3A_585 : i1 to i32
      %sign3A_587 = arith.constant 0 : i32
      %sign3A_588 = arith.cmpi slt, %jit3A_575, %sign3A_587 : i32
      %sign3A_589 = arith.extui %sign3A_588 : i1 to i32
      %sign3A_590 = arith.subi %sign3A_586, %sign3A_589 : i32
      %ne3A_591 = arith.cmpi ne, %sign3A_583, %sign3A_590 : i32
      %rem3A_592 = arith.remsi %add3A_574, %jit3A_575 : i32
      %ne3A_593 = arith.constant 0 : i32
      %ne3A_594 = arith.cmpi ne, %rem3A_592, %ne3A_593 : i32
      %and3A_595 = arith.andi %ne3A_591, %ne3A_594 : i1
      %sub3A_596 = arith.constant 1 : i32
      %sub3A_597 = arith.subi %div3A_576, %sub3A_596 : i32
      %select_n3A_598 = arith.select %and3A_595, %sub3A_597, %div3A_576 : i32
      %jit3A_599 = arith.constant 32 : i32
      %eq3A_600 = arith.constant 0 : i32
      %eq3A_601 = arith.cmpi eq, %jit3A_599, %eq3A_600 : i32
      %jit3A_602 = arith.constant 1 : i32
      %select_n3A_603 = arith.select %eq3A_601, %jit3A_602, %jit3A_599 : i32
      %rem3A_604 = arith.remsi %add3A_574, %select_n3A_603 : i32
      %ne3A_605 = arith.constant 0 : i32
      %ne3A_606 = arith.cmpi ne, %rem3A_604, %ne3A_605 : i32
      %lt3A_607 = arith.constant 0 : i32
      %lt3A_608 = arith.cmpi slt, %rem3A_604, %lt3A_607 : i32
      %lt3A_609 = arith.constant 0 : i32
      %lt3A_610 = arith.cmpi slt, %select_n3A_603, %lt3A_609 : i32
      %ne3A_611 = arith.xori %lt3A_608, %lt3A_610 : i1
      %and3A_612 = arith.andi %ne3A_611, %ne3A_606 : i1
      %add3A_613 = arith.addi %rem3A_604, %select_n3A_603 : i32
      %select_n3A_614 = arith.select %and3A_612, %add3A_613, %rem3A_604 : i32
      %mul3A_615 = arith.constant 128 : i32
      %mul3A_616 = arith.muli %select_n3A_614, %mul3A_615 : i32
      %run_scoped3A_617 = arith.constant 0 : i32
      "tpu.region"() ({
        %run_scoped3A_904 = tpu.sem_alloc : memref<!tpu.dma_semaphore, #tpu.memory_space<semaphore_mem>>
        %dma_start3A_905 = arith.constant 0 : i32
        %dma_start3A_906 = tpu.memref_slice %arg5[%run_scoped3A_617, %dma_start3A_905] : memref<3x128xi32, #tpu.memory_space<vmem>> -> memref<1x128xi32, #tpu.memory_space<vmem>>
        %dma_start3A_907 = tpu.memref_squeeze %dma_start3A_906 : memref<1x128xi32, #tpu.memory_space<vmem>> -> memref<128xi32, #tpu.memory_space<vmem>>
        %dma_start3A_908 = tpu.memref_slice %arg2[%select_n3A_598, %mul3A_616] : memref<50x4096xi32, #tpu.memory_space<hbm>> -> memref<1x128xi32, #tpu.memory_space<hbm>>
        %dma_start3A_909 = tpu.memref_squeeze %dma_start3A_908 : memref<1x128xi32, #tpu.memory_space<hbm>> -> memref<128xi32, #tpu.memory_space<hbm>>
        %dma_start3A_910 = arith.constant 0 : i32
        %dma_start3A_911 = tpu.memref_slice %arg5[%run_scoped3A_617, %dma_start3A_910] : memref<3x128xi32, #tpu.memory_space<vmem>> -> memref<1x128xi32, #tpu.memory_space<vmem>>
        %dma_start3A_912 = tpu.memref_squeeze %dma_start3A_911 : memref<1x128xi32, #tpu.memory_space<vmem>> -> memref<128xi32, #tpu.memory_space<vmem>>
        %dma_start3A_913 = tpu.memref_slice %arg2[%select_n3A_598, %mul3A_616] : memref<50x4096xi32, #tpu.memory_space<hbm>> -> memref<1x128xi32, #tpu.memory_space<hbm>>
        %dma_start3A_914 = tpu.memref_squeeze %dma_start3A_913 : memref<1x128xi32, #tpu.memory_space<hbm>> -> memref<128xi32, #tpu.memory_space<hbm>>
        tpu.enqueue_dma source(%dma_start3A_914 : memref<128xi32, #tpu.memory_space<hbm>>) target(%dma_start3A_912 : memref<128xi32, #tpu.memory_space<vmem>>) target_semaphore(%run_scoped3A_904 : memref<!tpu.dma_semaphore, #tpu.memory_space<semaphore_mem>>)
        %dma_wait3A_915 = arith.constant 0 : i32
        %dma_wait3A_916 = tpu.memref_slice %arg5[%run_scoped3A_617, %dma_wait3A_915] : memref<3x128xi32, #tpu.memory_space<vmem>> -> memref<1x128xi32, #tpu.memory_space<vmem>>
        %dma_wait3A_917 = tpu.memref_squeeze %dma_wait3A_916 : memref<1x128xi32, #tpu.memory_space<vmem>> -> memref<128xi32, #tpu.memory_space<vmem>>
        %dma_wait3A_918 = tpu.memref_slice %arg2[%select_n3A_598, %mul3A_616] : memref<50x4096xi32, #tpu.memory_space<hbm>> -> memref<1x128xi32, #tpu.memory_space<hbm>>
        %dma_wait3A_919 = tpu.memref_squeeze %dma_wait3A_918 : memref<1x128xi32, #tpu.memory_space<hbm>> -> memref<128xi32, #tpu.memory_space<hbm>>
        %dma_wait3A_920 = arith.constant 0 : i32
        %dma_wait3A_921 = tpu.memref_slice %arg5[%run_scoped3A_617, %dma_wait3A_920] : memref<3x128xi32, #tpu.memory_space<vmem>> -> memref<1x128xi32, #tpu.memory_space<vmem>>
        %dma_wait3A_922 = tpu.memref_squeeze %dma_wait3A_921 : memref<1x128xi32, #tpu.memory_space<vmem>> -> memref<128xi32, #tpu.memory_space<vmem>>
        %dma_wait3A_923 = tpu.memref_slice %arg2[%select_n3A_598, %mul3A_616] : memref<50x4096xi32, #tpu.memory_space<hbm>> -> memref<1x128xi32, #tpu.memory_space<hbm>>
        %dma_wait3A_924 = tpu.memref_squeeze %dma_wait3A_923 : memref<1x128xi32, #tpu.memory_space<hbm>> -> memref<128xi32, #tpu.memory_space<hbm>>
        tpu.wait_dma2 semaphore(%run_scoped3A_904 : memref<!tpu.dma_semaphore, #tpu.memory_space<semaphore_mem>>) src(%dma_wait3A_924 : memref<128xi32, #tpu.memory_space<hbm>>) dst(%dma_wait3A_922 : memref<128xi32, #tpu.memory_space<vmem>>)
        tpu.yield
      }) : () -> ()
      %dma_start3A_618 = arith.constant 0 : i32
      %dma_start3A_619 = arith.constant 0 : i32
      %dma_start3A_620 = arith.constant 0 : i32
      %dma_start3A_621 = arith.constant 0 : i32
      %dma_start3A_622 = tpu.memref_slice %arg6[%dma_start3A_619, %dma_start3A_620, %dma_start3A_621] : memref<3x128x128xf32, #tpu.memory_space<vmem>> -> memref<1x128x128xf32, #tpu.memory_space<vmem>>
      %dma_start3A_623 = tpu.memref_squeeze %dma_start3A_622 : memref<1x128x128xf32, #tpu.memory_space<vmem>> -> memref<128x128xf32, #tpu.memory_space<vmem>>
      %dma_start3A_624 = arith.constant 0 : i32
      %dma_start3A_625 = tpu.memref_slice %arg5[%dma_start3A_618, %dma_start3A_624] : memref<3x128xi32, #tpu.memory_space<vmem>> -> memref<1x128xi32, #tpu.memory_space<vmem>>
      %dma_start3A_626 = tpu.memref_squeeze %dma_start3A_625 : memref<1x128xi32, #tpu.memory_space<vmem>> -> memref<128xi32, #tpu.memory_space<vmem>>
      %dma_start3A_627 = arith.constant 0 : i32
      %dma_start3A_628 = arith.constant 0 : i32
      %dma_start3A_629 = tpu.memref_slice %arg3[%dma_start3A_627, %dma_start3A_628] : memref<1000000x128xf32, #tpu.memory_space<hbm>> -> memref<1000000x128xf32, #tpu.memory_space<hbm>>
      tpu.enqueue_indirect_dma source(%dma_start3A_629 : memref<1000000x128xf32, #tpu.memory_space<hbm>>) target(%dma_start3A_623 : memref<128x128xf32, #tpu.memory_space<vmem>>) offsets(%dma_start3A_626 : memref<128xi32, #tpu.memory_space<vmem>>) semaphore(%arg8 : memref<!tpu.dma_semaphore, #tpu.memory_space<semaphore_mem>>)
      %add3A_630 = arith.addi %mul3A_2, %add3A_571 : i32
      %jit3A_631 = arith.constant 32 : i32
      %div3A_632 = arith.divsi %add3A_630, %jit3A_631 : i32
      %sign3A_633 = arith.constant 0 : i32
      %sign3A_634 = arith.cmpi sgt, %add3A_630, %sign3A_633 : i32
      %sign3A_635 = arith.extui %sign3A_634 : i1 to i32
      %sign3A_636 = arith.constant 0 : i32
      %sign3A_637 = arith.cmpi slt, %add3A_630, %sign3A_636 : i32
      %sign3A_638 = arith.extui %sign3A_637 : i1 to i32
      %sign3A_639 = arith.subi %sign3A_635, %sign3A_638 : i32
      %sign3A_640 = arith.constant 0 : i32
      %sign3A_641 = arith.cmpi sgt, %jit3A_631, %sign3A_640 : i32
      %sign3A_642 = arith.extui %sign3A_641 : i1 to i32
      %sign3A_643 = arith.constant 0 : i32
      %sign3A_644 = arith.cmpi slt, %jit3A_631, %sign3A_643 : i32
      %sign3A_645 = arith.extui %sign3A_644 : i1 to i32
      %sign3A_646 = arith.subi %sign3A_642, %sign3A_645 : i32
      %ne3A_647 = arith.cmpi ne, %sign3A_639, %sign3A_646 : i32
      %rem3A_648 = arith.remsi %add3A_630, %jit3A_631 : i32
      %ne3A_649 = arith.constant 0 : i32
      %ne3A_650 = arith.cmpi ne, %rem3A_648, %ne3A_649 : i32
      %and3A_651 = arith.andi %ne3A_647, %ne3A_650 : i1
      %sub3A_652 = arith.constant 1 : i32
      %sub3A_653 = arith.subi %div3A_632, %sub3A_652 : i32
      %select_n3A_654 = arith.select %and3A_651, %sub3A_653, %div3A_632 : i32
      %jit3A_655 = arith.constant 32 : i32
      %eq3A_656 = arith.constant 0 : i32
      %eq3A_657 = arith.cmpi eq, %jit3A_655, %eq3A_656 : i32
      %jit3A_658 = arith.constant 1 : i32
      %select_n3A_659 = arith.select %eq3A_657, %jit3A_658, %jit3A_655 : i32
      %rem3A_660 = arith.remsi %add3A_630, %select_n3A_659 : i32
      %ne3A_661 = arith.constant 0 : i32
      %ne3A_662 = arith.cmpi ne, %rem3A_660, %ne3A_661 : i32
      %lt3A_663 = arith.constant 0 : i32
      %lt3A_664 = arith.cmpi slt, %rem3A_660, %lt3A_663 : i32
      %lt3A_665 = arith.constant 0 : i32
      %lt3A_666 = arith.cmpi slt, %select_n3A_659, %lt3A_665 : i32
      %ne3A_667 = arith.xori %lt3A_664, %lt3A_666 : i1
      %and3A_668 = arith.andi %ne3A_667, %ne3A_662 : i1
      %add3A_669 = arith.addi %rem3A_660, %select_n3A_659 : i32
      %select_n3A_670 = arith.select %and3A_668, %add3A_669, %rem3A_660 : i32
      %dma_wait3A_671 = arith.constant 1 : i32
      %dma_wait3A_672 = arith.constant 1 : i32
      %dma_wait3A_673 = arith.constant 0 : i32
      %dma_wait3A_674 = arith.constant 0 : i32
      %dma_wait3A_675 = tpu.memref_slice %arg6[%dma_wait3A_672, %dma_wait3A_673, %dma_wait3A_674] : memref<3x128x128xf32, #tpu.memory_space<vmem>> -> memref<1x128x128xf32, #tpu.memory_space<vmem>>
      %dma_wait3A_676 = tpu.memref_squeeze %dma_wait3A_675 : memref<1x128x128xf32, #tpu.memory_space<vmem>> -> memref<128x128xf32, #tpu.memory_space<vmem>>
      %dma_wait3A_677 = arith.constant 0 : i32
      %dma_wait3A_678 = tpu.memref_slice %arg5[%dma_wait3A_671, %dma_wait3A_677] : memref<3x128xi32, #tpu.memory_space<vmem>> -> memref<1x128xi32, #tpu.memory_space<vmem>>
      %dma_wait3A_679 = tpu.memref_squeeze %dma_wait3A_678 : memref<1x128xi32, #tpu.memory_space<vmem>> -> memref<128xi32, #tpu.memory_space<vmem>>
      %dma_wait3A_680 = arith.constant 0 : i32
      %dma_wait3A_681 = arith.constant 0 : i32
      %dma_wait3A_682 = tpu.memref_slice %arg3[%dma_wait3A_680, %dma_wait3A_681] : memref<1000000x128xf32, #tpu.memory_space<hbm>> -> memref<1000000x128xf32, #tpu.memory_space<hbm>>
      tpu.wait_indirect_dma semaphore(%arg9 : memref<!tpu.dma_semaphore, #tpu.memory_space<semaphore_mem>>) src(%dma_wait3A_682 : memref<1000000x128xf32, #tpu.memory_space<hbm>>) dst(%dma_wait3A_676 : memref<128x128xf32, #tpu.memory_space<vmem>>)
      %ge3A_683 = arith.constant 3 : i32
      %ge3A_684 = arith.cmpi sge, %add3A_571, %ge3A_683 : i32
      %convert_element_type3A_685 = arith.extui %ge3A_684 : i1 to i32
      %cond3A_686 = arith.constant 0 : i32
      %cond3A_687 = arith.cmpi ne, %convert_element_type3A_685, %cond3A_686 : i32
      scf.if %cond3A_687 {
        %dma_wait3A_904 = arith.constant 0 : i32
        %dma_wait3A_905 = arith.constant 1 : i32
        %dma_wait3A_906 = arith.constant 0 : i32
        %dma_wait3A_907 = arith.constant 0 : i32
        %dma_wait3A_908 = tpu.memref_slice %arg7[%dma_wait3A_905, %dma_wait3A_906, %dma_wait3A_907] : memref<3x64x128xf32, #tpu.memory_space<vmem>> -> memref<1x64x128xf32, #tpu.memory_space<vmem>>
        %dma_wait3A_909 = tpu.memref_squeeze %dma_wait3A_908 : memref<1x64x128xf32, #tpu.memory_space<vmem>> -> memref<64x128xf32, #tpu.memory_space<vmem>>
        %dma_wait3A_910 = arith.constant 0 : i32
        %dma_wait3A_911 = arith.constant 0 : i32
        %dma_wait3A_912 = tpu.memref_slice %arg4[%dma_wait3A_904, %dma_wait3A_910, %dma_wait3A_911] : memref<50x64x4096xf32, #tpu.memory_space<hbm>> -> memref<1x64x128xf32, #tpu.memory_space<hbm>>
        %dma_wait3A_913 = tpu.memref_squeeze %dma_wait3A_912 : memref<1x64x128xf32, #tpu.memory_space<hbm>> -> memref<64x128xf32, #tpu.memory_space<hbm>>
        %dma_wait3A_914 = arith.constant 0 : i32
        %dma_wait3A_915 = arith.constant 0 : i32
        %dma_wait3A_916 = tpu.memref_slice %arg7[%dma_wait3A_905, %dma_wait3A_914, %dma_wait3A_915] : memref<3x64x128xf32, #tpu.memory_space<vmem>> -> memref<1x64x128xf32, #tpu.memory_space<vmem>>
        %dma_wait3A_917 = tpu.memref_squeeze %dma_wait3A_916 : memref<1x64x128xf32, #tpu.memory_space<vmem>> -> memref<64x128xf32, #tpu.memory_space<vmem>>
        %dma_wait3A_918 = arith.constant 0 : i32
        %dma_wait3A_919 = arith.constant 0 : i32
        %dma_wait3A_920 = tpu.memref_slice %arg4[%dma_wait3A_904, %dma_wait3A_918, %dma_wait3A_919] : memref<50x64x4096xf32, #tpu.memory_space<hbm>> -> memref<1x64x128xf32, #tpu.memory_space<hbm>>
        %dma_wait3A_921 = tpu.memref_squeeze %dma_wait3A_920 : memref<1x64x128xf32, #tpu.memory_space<hbm>> -> memref<64x128xf32, #tpu.memory_space<hbm>>
        tpu.wait_dma2 semaphore(%arg12 : memref<!tpu.dma_semaphore, #tpu.memory_space<semaphore_mem>>) src(%dma_wait3A_921 : memref<64x128xf32, #tpu.memory_space<hbm>>) dst(%dma_wait3A_917 : memref<64x128xf32, #tpu.memory_space<vmem>>)
      } else {
      }
      %iota3A_688 = tpu.iota {dimensions = array<i32: 0>} : vector<16xi32>
      %add3A_689 = arith.constant 0 : i32
      %add3A_690 = vector.broadcast %add3A_689 : i32 to vector<16xi32>
      %add3A_691 = arith.addi %iota3A_688, %add3A_690 : vector<16xi32>
      %add3A_692 = arith.constant 16 : i32
      %add3A_693 = vector.broadcast %add3A_692 : i32 to vector<16xi32>
      %add3A_694 = arith.addi %iota3A_688, %add3A_693 : vector<16xi32>
      %add3A_695 = arith.constant 32 : i32
      %add3A_696 = vector.broadcast %add3A_695 : i32 to vector<16xi32>
      %add3A_697 = arith.addi %iota3A_688, %add3A_696 : vector<16xi32>
      %add3A_698 = arith.constant 48 : i32
      %add3A_699 = vector.broadcast %add3A_698 : i32 to vector<16xi32>
      %add3A_700 = arith.addi %iota3A_688, %add3A_699 : vector<16xi32>
      %add3A_701 = arith.constant 64 : i32
      %add3A_702 = vector.broadcast %add3A_701 : i32 to vector<16xi32>
      %add3A_703 = arith.addi %iota3A_688, %add3A_702 : vector<16xi32>
      %add3A_704 = arith.constant 80 : i32
      %add3A_705 = vector.broadcast %add3A_704 : i32 to vector<16xi32>
      %add3A_706 = arith.addi %iota3A_688, %add3A_705 : vector<16xi32>
      %add3A_707 = arith.constant 96 : i32
      %add3A_708 = vector.broadcast %add3A_707 : i32 to vector<16xi32>
      %add3A_709 = arith.addi %iota3A_688, %add3A_708 : vector<16xi32>
      %add3A_710 = arith.constant 112 : i32
      %add3A_711 = vector.broadcast %add3A_710 : i32 to vector<16xi32>
      %add3A_712 = arith.addi %iota3A_688, %add3A_711 : vector<16xi32>
      %scan3A_713 = arith.constant 0 : i32
      %scan3A_714 = arith.constant 0 : i32
      %scan3A_715 = arith.constant 64 : i32
      %scan3A_716 = arith.addi %scan3A_714, %scan3A_715 : i32
      %scan3A_717 = arith.constant 2 : i32
      scf.for %scan3A_904 = %scan3A_714 to %scan3A_716 step %scan3A_717  : i32 {
        %add3A_905 = vector.broadcast %scan3A_904 : i32 to vector<16xi32>
        %add3A_906 = arith.addi %add3A_905, %iota3A_688 : vector<16xi32>
        %and3A_907 = arith.constant 63 : i32
        %and3A_908 = vector.broadcast %and3A_907 : i32 to vector<16xi32>
        %and3A_909 = arith.andi %add3A_906, %and3A_908 : vector<16xi32>
        %gather3A = arith.constant 1 : i32
        %gather3A_910 = arith.constant 0 : i32
        %gather3A_911 = arith.constant 0 : i32
        %gather3A_912 = tpu.memref_slice %arg6[%gather3A, %gather3A_910, %gather3A_911] : memref<3x128x128xf32, #tpu.memory_space<vmem>> -> memref<1x128x128xf32, #tpu.memory_space<vmem>>
        %gather3A_913 = tpu.memref_squeeze %gather3A_912 : memref<1x128x128xf32, #tpu.memory_space<vmem>> -> memref<128x128xf32, #tpu.memory_space<vmem>>
        %gather3A_914 = tpu.vector_load_idx %gather3A_913[%add3A_691, %and3A_909] : memref<128x128xf32, #tpu.memory_space<vmem>>[vector<16xi32>, vector<16xi32>], vector<16xf32>,
        %scatter3A = arith.constant 1 : i32
        %scatter3A_915 = arith.constant 0 : i32
        %scatter3A_916 = arith.constant 0 : i32
        %scatter3A_917 = tpu.memref_slice %arg7[%scatter3A, %scatter3A_915, %scatter3A_916] : memref<3x64x128xf32, #tpu.memory_space<vmem>> -> memref<1x64x128xf32, #tpu.memory_space<vmem>>
        %scatter3A_918 = tpu.memref_squeeze %scatter3A_917 : memref<1x64x128xf32, #tpu.memory_space<vmem>> -> memref<64x128xf32, #tpu.memory_space<vmem>>
        tpu.vector_store_idx %scatter3A_918[%and3A_909, %add3A_691], %gather3A_914 : memref<64x128xf32, #tpu.memory_space<vmem>>[vector<16xi32>, vector<16xi32>], vector<16xf32>,
        %gather3A_919 = arith.constant 1 : i32
        %gather3A_920 = arith.constant 0 : i32
        %gather3A_921 = arith.constant 0 : i32
        %gather3A_922 = tpu.memref_slice %arg6[%gather3A_919, %gather3A_920, %gather3A_921] : memref<3x128x128xf32, #tpu.memory_space<vmem>> -> memref<1x128x128xf32, #tpu.memory_space<vmem>>
        %gather3A_923 = tpu.memref_squeeze %gather3A_922 : memref<1x128x128xf32, #tpu.memory_space<vmem>> -> memref<128x128xf32, #tpu.memory_space<vmem>>
        %gather3A_924 = tpu.vector_load_idx %gather3A_923[%add3A_694, %and3A_909] : memref<128x128xf32, #tpu.memory_space<vmem>>[vector<16xi32>, vector<16xi32>], vector<16xf32>,
        %scatter3A_925 = arith.constant 1 : i32
        %scatter3A_926 = arith.constant 0 : i32
        %scatter3A_927 = arith.constant 0 : i32
        %scatter3A_928 = tpu.memref_slice %arg7[%scatter3A_925, %scatter3A_926, %scatter3A_927] : memref<3x64x128xf32, #tpu.memory_space<vmem>> -> memref<1x64x128xf32, #tpu.memory_space<vmem>>
        %scatter3A_929 = tpu.memref_squeeze %scatter3A_928 : memref<1x64x128xf32, #tpu.memory_space<vmem>> -> memref<64x128xf32, #tpu.memory_space<vmem>>
        tpu.vector_store_idx %scatter3A_929[%and3A_909, %add3A_694], %gather3A_924 : memref<64x128xf32, #tpu.memory_space<vmem>>[vector<16xi32>, vector<16xi32>], vector<16xf32>,
        %gather3A_930 = arith.constant 1 : i32
        %gather3A_931 = arith.constant 0 : i32
        %gather3A_932 = arith.constant 0 : i32
        %gather3A_933 = tpu.memref_slice %arg6[%gather3A_930, %gather3A_931, %gather3A_932] : memref<3x128x128xf32, #tpu.memory_space<vmem>> -> memref<1x128x128xf32, #tpu.memory_space<vmem>>
        %gather3A_934 = tpu.memref_squeeze %gather3A_933 : memref<1x128x128xf32, #tpu.memory_space<vmem>> -> memref<128x128xf32, #tpu.memory_space<vmem>>
        %gather3A_935 = tpu.vector_load_idx %gather3A_934[%add3A_697, %and3A_909] : memref<128x128xf32, #tpu.memory_space<vmem>>[vector<16xi32>, vector<16xi32>], vector<16xf32>,
        %scatter3A_936 = arith.constant 1 : i32
        %scatter3A_937 = arith.constant 0 : i32
        %scatter3A_938 = arith.constant 0 : i32
        %scatter3A_939 = tpu.memref_slice %arg7[%scatter3A_936, %scatter3A_937, %scatter3A_938] : memref<3x64x128xf32, #tpu.memory_space<vmem>> -> memref<1x64x128xf32, #tpu.memory_space<vmem>>
        %scatter3A_940 = tpu.memref_squeeze %scatter3A_939 : memref<1x64x128xf32, #tpu.memory_space<vmem>> -> memref<64x128xf32, #tpu.memory_space<vmem>>
        tpu.vector_store_idx %scatter3A_940[%and3A_909, %add3A_697], %gather3A_935 : memref<64x128xf32, #tpu.memory_space<vmem>>[vector<16xi32>, vector<16xi32>], vector<16xf32>,
        %gather3A_941 = arith.constant 1 : i32
        %gather3A_942 = arith.constant 0 : i32
        %gather3A_943 = arith.constant 0 : i32
        %gather3A_944 = tpu.memref_slice %arg6[%gather3A_941, %gather3A_942, %gather3A_943] : memref<3x128x128xf32, #tpu.memory_space<vmem>> -> memref<1x128x128xf32, #tpu.memory_space<vmem>>
        %gather3A_945 = tpu.memref_squeeze %gather3A_944 : memref<1x128x128xf32, #tpu.memory_space<vmem>> -> memref<128x128xf32, #tpu.memory_space<vmem>>
        %gather3A_946 = tpu.vector_load_idx %gather3A_945[%add3A_700, %and3A_909] : memref<128x128xf32, #tpu.memory_space<vmem>>[vector<16xi32>, vector<16xi32>], vector<16xf32>,
        %scatter3A_947 = arith.constant 1 : i32
        %scatter3A_948 = arith.constant 0 : i32
        %scatter3A_949 = arith.constant 0 : i32
        %scatter3A_950 = tpu.memref_slice %arg7[%scatter3A_947, %scatter3A_948, %scatter3A_949] : memref<3x64x128xf32, #tpu.memory_space<vmem>> -> memref<1x64x128xf32, #tpu.memory_space<vmem>>
        %scatter3A_951 = tpu.memref_squeeze %scatter3A_950 : memref<1x64x128xf32, #tpu.memory_space<vmem>> -> memref<64x128xf32, #tpu.memory_space<vmem>>
        tpu.vector_store_idx %scatter3A_951[%and3A_909, %add3A_700], %gather3A_946 : memref<64x128xf32, #tpu.memory_space<vmem>>[vector<16xi32>, vector<16xi32>], vector<16xf32>,
        %gather3A_952 = arith.constant 1 : i32
        %gather3A_953 = arith.constant 0 : i32
        %gather3A_954 = arith.constant 0 : i32
        %gather3A_955 = tpu.memref_slice %arg6[%gather3A_952, %gather3A_953, %gather3A_954] : memref<3x128x128xf32, #tpu.memory_space<vmem>> -> memref<1x128x128xf32, #tpu.memory_space<vmem>>
        %gather3A_956 = tpu.memref_squeeze %gather3A_955 : memref<1x128x128xf32, #tpu.memory_space<vmem>> -> memref<128x128xf32, #tpu.memory_space<vmem>>
        %gather3A_957 = tpu.vector_load_idx %gather3A_956[%add3A_703, %and3A_909] : memref<128x128xf32, #tpu.memory_space<vmem>>[vector<16xi32>, vector<16xi32>], vector<16xf32>,
        %scatter3A_958 = arith.constant 1 : i32
        %scatter3A_959 = arith.constant 0 : i32
        %scatter3A_960 = arith.constant 0 : i32
        %scatter3A_961 = tpu.memref_slice %arg7[%scatter3A_958, %scatter3A_959, %scatter3A_960] : memref<3x64x128xf32, #tpu.memory_space<vmem>> -> memref<1x64x128xf32, #tpu.memory_space<vmem>>
        %scatter3A_962 = tpu.memref_squeeze %scatter3A_961 : memref<1x64x128xf32, #tpu.memory_space<vmem>> -> memref<64x128xf32, #tpu.memory_space<vmem>>
        tpu.vector_store_idx %scatter3A_962[%and3A_909, %add3A_703], %gather3A_957 : memref<64x128xf32, #tpu.memory_space<vmem>>[vector<16xi32>, vector<16xi32>], vector<16xf32>,
        %gather3A_963 = arith.constant 1 : i32
        %gather3A_964 = arith.constant 0 : i32
        %gather3A_965 = arith.constant 0 : i32
        %gather3A_966 = tpu.memref_slice %arg6[%gather3A_963, %gather3A_964, %gather3A_965] : memref<3x128x128xf32, #tpu.memory_space<vmem>> -> memref<1x128x128xf32, #tpu.memory_space<vmem>>
        %gather3A_967 = tpu.memref_squeeze %gather3A_966 : memref<1x128x128xf32, #tpu.memory_space<vmem>> -> memref<128x128xf32, #tpu.memory_space<vmem>>
        %gather3A_968 = tpu.vector_load_idx %gather3A_967[%add3A_706, %and3A_909] : memref<128x128xf32, #tpu.memory_space<vmem>>[vector<16xi32>, vector<16xi32>], vector<16xf32>,
        %scatter3A_969 = arith.constant 1 : i32
        %scatter3A_970 = arith.constant 0 : i32
        %scatter3A_971 = arith.constant 0 : i32
        %scatter3A_972 = tpu.memref_slice %arg7[%scatter3A_969, %scatter3A_970, %scatter3A_971] : memref<3x64x128xf32, #tpu.memory_space<vmem>> -> memref<1x64x128xf32, #tpu.memory_space<vmem>>
        %scatter3A_973 = tpu.memref_squeeze %scatter3A_972 : memref<1x64x128xf32, #tpu.memory_space<vmem>> -> memref<64x128xf32, #tpu.memory_space<vmem>>
        tpu.vector_store_idx %scatter3A_973[%and3A_909, %add3A_706], %gather3A_968 : memref<64x128xf32, #tpu.memory_space<vmem>>[vector<16xi32>, vector<16xi32>], vector<16xf32>,
        %gather3A_974 = arith.constant 1 : i32
        %gather3A_975 = arith.constant 0 : i32
        %gather3A_976 = arith.constant 0 : i32
        %gather3A_977 = tpu.memref_slice %arg6[%gather3A_974, %gather3A_975, %gather3A_976] : memref<3x128x128xf32, #tpu.memory_space<vmem>> -> memref<1x128x128xf32, #tpu.memory_space<vmem>>
        %gather3A_978 = tpu.memref_squeeze %gather3A_977 : memref<1x128x128xf32, #tpu.memory_space<vmem>> -> memref<128x128xf32, #tpu.memory_space<vmem>>
        %gather3A_979 = tpu.vector_load_idx %gather3A_978[%add3A_709, %and3A_909] : memref<128x128xf32, #tpu.memory_space<vmem>>[vector<16xi32>, vector<16xi32>], vector<16xf32>,
        %scatter3A_980 = arith.constant 1 : i32
        %scatter3A_981 = arith.constant 0 : i32
        %scatter3A_982 = arith.constant 0 : i32
        %scatter3A_983 = tpu.memref_slice %arg7[%scatter3A_980, %scatter3A_981, %scatter3A_982] : memref<3x64x128xf32, #tpu.memory_space<vmem>> -> memref<1x64x128xf32, #tpu.memory_space<vmem>>
        %scatter3A_984 = tpu.memref_squeeze %scatter3A_983 : memref<1x64x128xf32, #tpu.memory_space<vmem>> -> memref<64x128xf32, #tpu.memory_space<vmem>>
        tpu.vector_store_idx %scatter3A_984[%and3A_909, %add3A_709], %gather3A_979 : memref<64x128xf32, #tpu.memory_space<vmem>>[vector<16xi32>, vector<16xi32>], vector<16xf32>,
        %gather3A_985 = arith.constant 1 : i32
        %gather3A_986 = arith.constant 0 : i32
        %gather3A_987 = arith.constant 0 : i32
        %gather3A_988 = tpu.memref_slice %arg6[%gather3A_985, %gather3A_986, %gather3A_987] : memref<3x128x128xf32, #tpu.memory_space<vmem>> -> memref<1x128x128xf32, #tpu.memory_space<vmem>>
        %gather3A_989 = tpu.memref_squeeze %gather3A_988 : memref<1x128x128xf32, #tpu.memory_space<vmem>> -> memref<128x128xf32, #tpu.memory_space<vmem>>
        %gather3A_990 = tpu.vector_load_idx %gather3A_989[%add3A_712, %and3A_909] : memref<128x128xf32, #tpu.memory_space<vmem>>[vector<16xi32>, vector<16xi32>], vector<16xf32>,
        %scatter3A_991 = arith.constant 1 : i32
        %scatter3A_992 = arith.constant 0 : i32
        %scatter3A_993 = arith.constant 0 : i32
        %scatter3A_994 = tpu.memref_slice %arg7[%scatter3A_991, %scatter3A_992, %scatter3A_993] : memref<3x64x128xf32, #tpu.memory_space<vmem>> -> memref<1x64x128xf32, #tpu.memory_space<vmem>>
        %scatter3A_995 = tpu.memref_squeeze %scatter3A_994 : memref<1x64x128xf32, #tpu.memory_space<vmem>> -> memref<64x128xf32, #tpu.memory_space<vmem>>
        tpu.vector_store_idx %scatter3A_995[%and3A_909, %add3A_712], %gather3A_990 : memref<64x128xf32, #tpu.memory_space<vmem>>[vector<16xi32>, vector<16xi32>], vector<16xf32>,
        %scan3A_996 = arith.constant 1 : i32
        %scan3A_997 = arith.addi %scan3A_904, %scan3A_996 : i32
        %add3A_998 = vector.broadcast %scan3A_997 : i32 to vector<16xi32>
        %add3A_999 = arith.addi %add3A_998, %iota3A_688 : vector<16xi32>
        %and3A_1000 = arith.constant 63 : i32
        %and3A_1001 = vector.broadcast %and3A_1000 : i32 to vector<16xi32>
        %and3A_1002 = arith.andi %add3A_999, %and3A_1001 : vector<16xi32>
        %gather3A_1003 = arith.constant 1 : i32
        %gather3A_1004 = arith.constant 0 : i32
        %gather3A_1005 = arith.constant 0 : i32
        %gather3A_1006 = tpu.memref_slice %arg6[%gather3A_1003, %gather3A_1004, %gather3A_1005] : memref<3x128x128xf32, #tpu.memory_space<vmem>> -> memref<1x128x128xf32, #tpu.memory_space<vmem>>
        %gather3A_1007 = tpu.memref_squeeze %gather3A_1006 : memref<1x128x128xf32, #tpu.memory_space<vmem>> -> memref<128x128xf32, #tpu.memory_space<vmem>>
        %gather3A_1008 = tpu.vector_load_idx %gather3A_1007[%add3A_691, %and3A_1002] : memref<128x128xf32, #tpu.memory_space<vmem>>[vector<16xi32>, vector<16xi32>], vector<16xf32>,
        %scatter3A_1009 = arith.constant 1 : i32
        %scatter3A_1010 = arith.constant 0 : i32
        %scatter3A_1011 = arith.constant 0 : i32
        %scatter3A_1012 = tpu.memref_slice %arg7[%scatter3A_1009, %scatter3A_1010, %scatter3A_1011] : memref<3x64x128xf32, #tpu.memory_space<vmem>> -> memref<1x64x128xf32, #tpu.memory_space<vmem>>
        %scatter3A_1013 = tpu.memref_squeeze %scatter3A_1012 : memref<1x64x128xf32, #tpu.memory_space<vmem>> -> memref<64x128xf32, #tpu.memory_space<vmem>>
        tpu.vector_store_idx %scatter3A_1013[%and3A_1002, %add3A_691], %gather3A_1008 : memref<64x128xf32, #tpu.memory_space<vmem>>[vector<16xi32>, vector<16xi32>], vector<16xf32>,
        %gather3A_1014 = arith.constant 1 : i32
        %gather3A_1015 = arith.constant 0 : i32
        %gather3A_1016 = arith.constant 0 : i32
        %gather3A_1017 = tpu.memref_slice %arg6[%gather3A_1014, %gather3A_1015, %gather3A_1016] : memref<3x128x128xf32, #tpu.memory_space<vmem>> -> memref<1x128x128xf32, #tpu.memory_space<vmem>>
        %gather3A_1018 = tpu.memref_squeeze %gather3A_1017 : memref<1x128x128xf32, #tpu.memory_space<vmem>> -> memref<128x128xf32, #tpu.memory_space<vmem>>
        %gather3A_1019 = tpu.vector_load_idx %gather3A_1018[%add3A_694, %and3A_1002] : memref<128x128xf32, #tpu.memory_space<vmem>>[vector<16xi32>, vector<16xi32>], vector<16xf32>,
        %scatter3A_1020 = arith.constant 1 : i32
        %scatter3A_1021 = arith.constant 0 : i32
        %scatter3A_1022 = arith.constant 0 : i32
        %scatter3A_1023 = tpu.memref_slice %arg7[%scatter3A_1020, %scatter3A_1021, %scatter3A_1022] : memref<3x64x128xf32, #tpu.memory_space<vmem>> -> memref<1x64x128xf32, #tpu.memory_space<vmem>>
        %scatter3A_1024 = tpu.memref_squeeze %scatter3A_1023 : memref<1x64x128xf32, #tpu.memory_space<vmem>> -> memref<64x128xf32, #tpu.memory_space<vmem>>
        tpu.vector_store_idx %scatter3A_1024[%and3A_1002, %add3A_694], %gather3A_1019 : memref<64x128xf32, #tpu.memory_space<vmem>>[vector<16xi32>, vector<16xi32>], vector<16xf32>,
        %gather3A_1025 = arith.constant 1 : i32
        %gather3A_1026 = arith.constant 0 : i32
        %gather3A_1027 = arith.constant 0 : i32
        %gather3A_1028 = tpu.memref_slice %arg6[%gather3A_1025, %gather3A_1026, %gather3A_1027] : memref<3x128x128xf32, #tpu.memory_space<vmem>> -> memref<1x128x128xf32, #tpu.memory_space<vmem>>
        %gather3A_1029 = tpu.memref_squeeze %gather3A_1028 : memref<1x128x128xf32, #tpu.memory_space<vmem>> -> memref<128x128xf32, #tpu.memory_space<vmem>>
        %gather3A_1030 = tpu.vector_load_idx %gather3A_1029[%add3A_697, %and3A_1002] : memref<128x128xf32, #tpu.memory_space<vmem>>[vector<16xi32>, vector<16xi32>], vector<16xf32>,
        %scatter3A_1031 = arith.constant 1 : i32
        %scatter3A_1032 = arith.constant 0 : i32
        %scatter3A_1033 = arith.constant 0 : i32
        %scatter3A_1034 = tpu.memref_slice %arg7[%scatter3A_1031, %scatter3A_1032, %scatter3A_1033] : memref<3x64x128xf32, #tpu.memory_space<vmem>> -> memref<1x64x128xf32, #tpu.memory_space<vmem>>
        %scatter3A_1035 = tpu.memref_squeeze %scatter3A_1034 : memref<1x64x128xf32, #tpu.memory_space<vmem>> -> memref<64x128xf32, #tpu.memory_space<vmem>>
        tpu.vector_store_idx %scatter3A_1035[%and3A_1002, %add3A_697], %gather3A_1030 : memref<64x128xf32, #tpu.memory_space<vmem>>[vector<16xi32>, vector<16xi32>], vector<16xf32>,
        %gather3A_1036 = arith.constant 1 : i32
        %gather3A_1037 = arith.constant 0 : i32
        %gather3A_1038 = arith.constant 0 : i32
        %gather3A_1039 = tpu.memref_slice %arg6[%gather3A_1036, %gather3A_1037, %gather3A_1038] : memref<3x128x128xf32, #tpu.memory_space<vmem>> -> memref<1x128x128xf32, #tpu.memory_space<vmem>>
        %gather3A_1040 = tpu.memref_squeeze %gather3A_1039 : memref<1x128x128xf32, #tpu.memory_space<vmem>> -> memref<128x128xf32, #tpu.memory_space<vmem>>
        %gather3A_1041 = tpu.vector_load_idx %gather3A_1040[%add3A_700, %and3A_1002] : memref<128x128xf32, #tpu.memory_space<vmem>>[vector<16xi32>, vector<16xi32>], vector<16xf32>,
        %scatter3A_1042 = arith.constant 1 : i32
        %scatter3A_1043 = arith.constant 0 : i32
        %scatter3A_1044 = arith.constant 0 : i32
        %scatter3A_1045 = tpu.memref_slice %arg7[%scatter3A_1042, %scatter3A_1043, %scatter3A_1044] : memref<3x64x128xf32, #tpu.memory_space<vmem>> -> memref<1x64x128xf32, #tpu.memory_space<vmem>>
        %scatter3A_1046 = tpu.memref_squeeze %scatter3A_1045 : memref<1x64x128xf32, #tpu.memory_space<vmem>> -> memref<64x128xf32, #tpu.memory_space<vmem>>
        tpu.vector_store_idx %scatter3A_1046[%and3A_1002, %add3A_700], %gather3A_1041 : memref<64x128xf32, #tpu.memory_space<vmem>>[vector<16xi32>, vector<16xi32>], vector<16xf32>,
        %gather3A_1047 = arith.constant 1 : i32
        %gather3A_1048 = arith.constant 0 : i32
        %gather3A_1049 = arith.constant 0 : i32
        %gather3A_1050 = tpu.memref_slice %arg6[%gather3A_1047, %gather3A_1048, %gather3A_1049] : memref<3x128x128xf32, #tpu.memory_space<vmem>> -> memref<1x128x128xf32, #tpu.memory_space<vmem>>
        %gather3A_1051 = tpu.memref_squeeze %gather3A_1050 : memref<1x128x128xf32, #tpu.memory_space<vmem>> -> memref<128x128xf32, #tpu.memory_space<vmem>>
        %gather3A_1052 = tpu.vector_load_idx %gather3A_1051[%add3A_703, %and3A_1002] : memref<128x128xf32, #tpu.memory_space<vmem>>[vector<16xi32>, vector<16xi32>], vector<16xf32>,
        %scatter3A_1053 = arith.constant 1 : i32
        %scatter3A_1054 = arith.constant 0 : i32
        %scatter3A_1055 = arith.constant 0 : i32
        %scatter3A_1056 = tpu.memref_slice %arg7[%scatter3A_1053, %scatter3A_1054, %scatter3A_1055] : memref<3x64x128xf32, #tpu.memory_space<vmem>> -> memref<1x64x128xf32, #tpu.memory_space<vmem>>
        %scatter3A_1057 = tpu.memref_squeeze %scatter3A_1056 : memref<1x64x128xf32, #tpu.memory_space<vmem>> -> memref<64x128xf32, #tpu.memory_space<vmem>>
        tpu.vector_store_idx %scatter3A_1057[%and3A_1002, %add3A_703], %gather3A_1052 : memref<64x128xf32, #tpu.memory_space<vmem>>[vector<16xi32>, vector<16xi32>], vector<16xf32>,
        %gather3A_1058 = arith.constant 1 : i32
        %gather3A_1059 = arith.constant 0 : i32
        %gather3A_1060 = arith.constant 0 : i32
        %gather3A_1061 = tpu.memref_slice %arg6[%gather3A_1058, %gather3A_1059, %gather3A_1060] : memref<3x128x128xf32, #tpu.memory_space<vmem>> -> memref<1x128x128xf32, #tpu.memory_space<vmem>>
        %gather3A_1062 = tpu.memref_squeeze %gather3A_1061 : memref<1x128x128xf32, #tpu.memory_space<vmem>> -> memref<128x128xf32, #tpu.memory_space<vmem>>
        %gather3A_1063 = tpu.vector_load_idx %gather3A_1062[%add3A_706, %and3A_1002] : memref<128x128xf32, #tpu.memory_space<vmem>>[vector<16xi32>, vector<16xi32>], vector<16xf32>,
        %scatter3A_1064 = arith.constant 1 : i32
        %scatter3A_1065 = arith.constant 0 : i32
        %scatter3A_1066 = arith.constant 0 : i32
        %scatter3A_1067 = tpu.memref_slice %arg7[%scatter3A_1064, %scatter3A_1065, %scatter3A_1066] : memref<3x64x128xf32, #tpu.memory_space<vmem>> -> memref<1x64x128xf32, #tpu.memory_space<vmem>>
        %scatter3A_1068 = tpu.memref_squeeze %scatter3A_1067 : memref<1x64x128xf32, #tpu.memory_space<vmem>> -> memref<64x128xf32, #tpu.memory_space<vmem>>
        tpu.vector_store_idx %scatter3A_1068[%and3A_1002, %add3A_706], %gather3A_1063 : memref<64x128xf32, #tpu.memory_space<vmem>>[vector<16xi32>, vector<16xi32>], vector<16xf32>,
        %gather3A_1069 = arith.constant 1 : i32
        %gather3A_1070 = arith.constant 0 : i32
        %gather3A_1071 = arith.constant 0 : i32
        %gather3A_1072 = tpu.memref_slice %arg6[%gather3A_1069, %gather3A_1070, %gather3A_1071] : memref<3x128x128xf32, #tpu.memory_space<vmem>> -> memref<1x128x128xf32, #tpu.memory_space<vmem>>
        %gather3A_1073 = tpu.memref_squeeze %gather3A_1072 : memref<1x128x128xf32, #tpu.memory_space<vmem>> -> memref<128x128xf32, #tpu.memory_space<vmem>>
        %gather3A_1074 = tpu.vector_load_idx %gather3A_1073[%add3A_709, %and3A_1002] : memref<128x128xf32, #tpu.memory_space<vmem>>[vector<16xi32>, vector<16xi32>], vector<16xf32>,
        %scatter3A_1075 = arith.constant 1 : i32
        %scatter3A_1076 = arith.constant 0 : i32
        %scatter3A_1077 = arith.constant 0 : i32
        %scatter3A_1078 = tpu.memref_slice %arg7[%scatter3A_1075, %scatter3A_1076, %scatter3A_1077] : memref<3x64x128xf32, #tpu.memory_space<vmem>> -> memref<1x64x128xf32, #tpu.memory_space<vmem>>
        %scatter3A_1079 = tpu.memref_squeeze %scatter3A_1078 : memref<1x64x128xf32, #tpu.memory_space<vmem>> -> memref<64x128xf32, #tpu.memory_space<vmem>>
        tpu.vector_store_idx %scatter3A_1079[%and3A_1002, %add3A_709], %gather3A_1074 : memref<64x128xf32, #tpu.memory_space<vmem>>[vector<16xi32>, vector<16xi32>], vector<16xf32>,
        %gather3A_1080 = arith.constant 1 : i32
        %gather3A_1081 = arith.constant 0 : i32
        %gather3A_1082 = arith.constant 0 : i32
        %gather3A_1083 = tpu.memref_slice %arg6[%gather3A_1080, %gather3A_1081, %gather3A_1082] : memref<3x128x128xf32, #tpu.memory_space<vmem>> -> memref<1x128x128xf32, #tpu.memory_space<vmem>>
        %gather3A_1084 = tpu.memref_squeeze %gather3A_1083 : memref<1x128x128xf32, #tpu.memory_space<vmem>> -> memref<128x128xf32, #tpu.memory_space<vmem>>
        %gather3A_1085 = tpu.vector_load_idx %gather3A_1084[%add3A_712, %and3A_1002] : memref<128x128xf32, #tpu.memory_space<vmem>>[vector<16xi32>, vector<16xi32>], vector<16xf32>,
        %scatter3A_1086 = arith.constant 1 : i32
        %scatter3A_1087 = arith.constant 0 : i32
        %scatter3A_1088 = arith.constant 0 : i32
        %scatter3A_1089 = tpu.memref_slice %arg7[%scatter3A_1086, %scatter3A_1087, %scatter3A_1088] : memref<3x64x128xf32, #tpu.memory_space<vmem>> -> memref<1x64x128xf32, #tpu.memory_space<vmem>>
        %scatter3A_1090 = tpu.memref_squeeze %scatter3A_1089 : memref<1x64x128xf32, #tpu.memory_space<vmem>> -> memref<64x128xf32, #tpu.memory_space<vmem>>
        tpu.vector_store_idx %scatter3A_1090[%and3A_1002, %add3A_712], %gather3A_1085 : memref<64x128xf32, #tpu.memory_space<vmem>>[vector<16xi32>, vector<16xi32>], vector<16xf32>,
      }
      %scan3A_718 = arith.constant 64 : i32
      %mul3A_719 = arith.constant 128 : i32
      %mul3A_720 = arith.muli %select_n3A_670, %mul3A_719 : i32
      %dma_start3A_721 = arith.constant 1 : i32
      %dma_start3A_722 = arith.constant 0 : i32
      %dma_start3A_723 = arith.constant 0 : i32
      %dma_start3A_724 = tpu.memref_slice %arg7[%dma_start3A_721, %dma_start3A_722, %dma_start3A_723] : memref<3x64x128xf32, #tpu.memory_space<vmem>> -> memref<1x64x128xf32, #tpu.memory_space<vmem>>
      %dma_start3A_725 = tpu.memref_squeeze %dma_start3A_724 : memref<1x64x128xf32, #tpu.memory_space<vmem>> -> memref<64x128xf32, #tpu.memory_space<vmem>>
      %dma_start3A_726 = arith.constant 0 : i32
      %dma_start3A_727 = tpu.memref_slice %arg4[%select_n3A_654, %dma_start3A_726, %mul3A_720] : memref<50x64x4096xf32, #tpu.memory_space<hbm>> -> memref<1x64x128xf32, #tpu.memory_space<hbm>>
      %dma_start3A_728 = tpu.memref_squeeze %dma_start3A_727 : memref<1x64x128xf32, #tpu.memory_space<hbm>> -> memref<64x128xf32, #tpu.memory_space<hbm>>
      %dma_start3A_729 = arith.constant 0 : i32
      %dma_start3A_730 = tpu.memref_slice %arg4[%select_n3A_654, %dma_start3A_729, %mul3A_720] : memref<50x64x4096xf32, #tpu.memory_space<hbm>> -> memref<1x64x128xf32, #tpu.memory_space<hbm>>
      %dma_start3A_731 = tpu.memref_squeeze %dma_start3A_730 : memref<1x64x128xf32, #tpu.memory_space<hbm>> -> memref<64x128xf32, #tpu.memory_space<hbm>>
      %dma_start3A_732 = arith.constant 0 : i32
      %dma_start3A_733 = arith.constant 0 : i32
      %dma_start3A_734 = tpu.memref_slice %arg7[%dma_start3A_721, %dma_start3A_732, %dma_start3A_733] : memref<3x64x128xf32, #tpu.memory_space<vmem>> -> memref<1x64x128xf32, #tpu.memory_space<vmem>>
      %dma_start3A_735 = tpu.memref_squeeze %dma_start3A_734 : memref<1x64x128xf32, #tpu.memory_space<vmem>> -> memref<64x128xf32, #tpu.memory_space<vmem>>
      tpu.enqueue_dma source(%dma_start3A_735 : memref<64x128xf32, #tpu.memory_space<vmem>>) target(%dma_start3A_731 : memref<64x128xf32, #tpu.memory_space<hbm>>) target_semaphore(%arg12 : memref<!tpu.dma_semaphore, #tpu.memory_space<semaphore_mem>>)
      %mul3A_736 = arith.constant 3 : i32
      %mul3A_737 = arith.muli %mul3A_736, %scan3A_402 : i32
      %add3A_738 = arith.constant 2 : i32
      %add3A_739 = arith.addi %mul3A_737, %add3A_738 : i32
      %add3A_740 = arith.constant 2 : i32
      %add3A_741 = arith.addi %add3A_739, %add3A_740 : i32
      %add3A_742 = arith.addi %mul3A_2, %add3A_741 : i32
      %jit3A_743 = arith.constant 32 : i32
      %div3A_744 = arith.divsi %add3A_742, %jit3A_743 : i32
      %sign3A_745 = arith.constant 0 : i32
      %sign3A_746 = arith.cmpi sgt, %add3A_742, %sign3A_745 : i32
      %sign3A_747 = arith.extui %sign3A_746 : i1 to i32
      %sign3A_748 = arith.constant 0 : i32
      %sign3A_749 = arith.cmpi slt, %add3A_742, %sign3A_748 : i32
      %sign3A_750 = arith.extui %sign3A_749 : i1 to i32
      %sign3A_751 = arith.subi %sign3A_747, %sign3A_750 : i32
      %sign3A_752 = arith.constant 0 : i32
      %sign3A_753 = arith.cmpi sgt, %jit3A_743, %sign3A_752 : i32
      %sign3A_754 = arith.extui %sign3A_753 : i1 to i32
      %sign3A_755 = arith.constant 0 : i32
      %sign3A_756 = arith.cmpi slt, %jit3A_743, %sign3A_755 : i32
      %sign3A_757 = arith.extui %sign3A_756 : i1 to i32
      %sign3A_758 = arith.subi %sign3A_754, %sign3A_757 : i32
      %ne3A_759 = arith.cmpi ne, %sign3A_751, %sign3A_758 : i32
      %rem3A_760 = arith.remsi %add3A_742, %jit3A_743 : i32
      %ne3A_761 = arith.constant 0 : i32
      %ne3A_762 = arith.cmpi ne, %rem3A_760, %ne3A_761 : i32
      %and3A_763 = arith.andi %ne3A_759, %ne3A_762 : i1
      %sub3A_764 = arith.constant 1 : i32
      %sub3A_765 = arith.subi %div3A_744, %sub3A_764 : i32
      %select_n3A_766 = arith.select %and3A_763, %sub3A_765, %div3A_744 : i32
      %jit3A_767 = arith.constant 32 : i32
      %eq3A_768 = arith.constant 0 : i32
      %eq3A_769 = arith.cmpi eq, %jit3A_767, %eq3A_768 : i32
      %jit3A_770 = arith.constant 1 : i32
      %select_n3A_771 = arith.select %eq3A_769, %jit3A_770, %jit3A_767 : i32
      %rem3A_772 = arith.remsi %add3A_742, %select_n3A_771 : i32
      %ne3A_773 = arith.constant 0 : i32
      %ne3A_774 = arith.cmpi ne, %rem3A_772, %ne3A_773 : i32
      %lt3A_775 = arith.constant 0 : i32
      %lt3A_776 = arith.cmpi slt, %rem3A_772, %lt3A_775 : i32
      %lt3A_777 = arith.constant 0 : i32
      %lt3A_778 = arith.cmpi slt, %select_n3A_771, %lt3A_777 : i32
      %ne3A_779 = arith.xori %lt3A_776, %lt3A_778 : i1
      %and3A_780 = arith.andi %ne3A_779, %ne3A_774 : i1
      %add3A_781 = arith.addi %rem3A_772, %select_n3A_771 : i32
      %select_n3A_782 = arith.select %and3A_780, %add3A_781, %rem3A_772 : i32
      %mul3A_783 = arith.constant 128 : i32
      %mul3A_784 = arith.muli %select_n3A_782, %mul3A_783 : i32
      %run_scoped3A_785 = arith.constant 1 : i32
      "tpu.region"() ({
        %run_scoped3A_904 = tpu.sem_alloc : memref<!tpu.dma_semaphore, #tpu.memory_space<semaphore_mem>>
        %dma_start3A_905 = arith.constant 0 : i32
        %dma_start3A_906 = tpu.memref_slice %arg5[%run_scoped3A_785, %dma_start3A_905] : memref<3x128xi32, #tpu.memory_space<vmem>> -> memref<1x128xi32, #tpu.memory_space<vmem>>
        %dma_start3A_907 = tpu.memref_squeeze %dma_start3A_906 : memref<1x128xi32, #tpu.memory_space<vmem>> -> memref<128xi32, #tpu.memory_space<vmem>>
        %dma_start3A_908 = tpu.memref_slice %arg2[%select_n3A_766, %mul3A_784] : memref<50x4096xi32, #tpu.memory_space<hbm>> -> memref<1x128xi32, #tpu.memory_space<hbm>>
        %dma_start3A_909 = tpu.memref_squeeze %dma_start3A_908 : memref<1x128xi32, #tpu.memory_space<hbm>> -> memref<128xi32, #tpu.memory_space<hbm>>
        %dma_start3A_910 = arith.constant 0 : i32
        %dma_start3A_911 = tpu.memref_slice %arg5[%run_scoped3A_785, %dma_start3A_910] : memref<3x128xi32, #tpu.memory_space<vmem>> -> memref<1x128xi32, #tpu.memory_space<vmem>>
        %dma_start3A_912 = tpu.memref_squeeze %dma_start3A_911 : memref<1x128xi32, #tpu.memory_space<vmem>> -> memref<128xi32, #tpu.memory_space<vmem>>
        %dma_start3A_913 = tpu.memref_slice %arg2[%select_n3A_766, %mul3A_784] : memref<50x4096xi32, #tpu.memory_space<hbm>> -> memref<1x128xi32, #tpu.memory_space<hbm>>
        %dma_start3A_914 = tpu.memref_squeeze %dma_start3A_913 : memref<1x128xi32, #tpu.memory_space<hbm>> -> memref<128xi32, #tpu.memory_space<hbm>>
        tpu.enqueue_dma source(%dma_start3A_914 : memref<128xi32, #tpu.memory_space<hbm>>) target(%dma_start3A_912 : memref<128xi32, #tpu.memory_space<vmem>>) target_semaphore(%run_scoped3A_904 : memref<!tpu.dma_semaphore, #tpu.memory_space<semaphore_mem>>)
        %dma_wait3A_915 = arith.constant 0 : i32
        %dma_wait3A_916 = tpu.memref_slice %arg5[%run_scoped3A_785, %dma_wait3A_915] : memref<3x128xi32, #tpu.memory_space<vmem>> -> memref<1x128xi32, #tpu.memory_space<vmem>>
        %dma_wait3A_917 = tpu.memref_squeeze %dma_wait3A_916 : memref<1x128xi32, #tpu.memory_space<vmem>> -> memref<128xi32, #tpu.memory_space<vmem>>
        %dma_wait3A_918 = tpu.memref_slice %arg2[%select_n3A_766, %mul3A_784] : memref<50x4096xi32, #tpu.memory_space<hbm>> -> memref<1x128xi32, #tpu.memory_space<hbm>>
        %dma_wait3A_919 = tpu.memref_squeeze %dma_wait3A_918 : memref<1x128xi32, #tpu.memory_space<hbm>> -> memref<128xi32, #tpu.memory_space<hbm>>
        %dma_wait3A_920 = arith.constant 0 : i32
        %dma_wait3A_921 = tpu.memref_slice %arg5[%run_scoped3A_785, %dma_wait3A_920] : memref<3x128xi32, #tpu.memory_space<vmem>> -> memref<1x128xi32, #tpu.memory_space<vmem>>
        %dma_wait3A_922 = tpu.memref_squeeze %dma_wait3A_921 : memref<1x128xi32, #tpu.memory_space<vmem>> -> memref<128xi32, #tpu.memory_space<vmem>>
        %dma_wait3A_923 = tpu.memref_slice %arg2[%select_n3A_766, %mul3A_784] : memref<50x4096xi32, #tpu.memory_space<hbm>> -> memref<1x128xi32, #tpu.memory_space<hbm>>
        %dma_wait3A_924 = tpu.memref_squeeze %dma_wait3A_923 : memref<1x128xi32, #tpu.memory_space<hbm>> -> memref<128xi32, #tpu.memory_space<hbm>>
        tpu.wait_dma2 semaphore(%run_scoped3A_904 : memref<!tpu.dma_semaphore, #tpu.memory_space<semaphore_mem>>) src(%dma_wait3A_924 : memref<128xi32, #tpu.memory_space<hbm>>) dst(%dma_wait3A_922 : memref<128xi32, #tpu.memory_space<vmem>>)
        tpu.yield
      }) : () -> ()
      %dma_start3A_786 = arith.constant 1 : i32
      %dma_start3A_787 = arith.constant 1 : i32
      %dma_start3A_788 = arith.constant 0 : i32
      %dma_start3A_789 = arith.constant 0 : i32
      %dma_start3A_790 = tpu.memref_slice %arg6[%dma_start3A_787, %dma_start3A_788, %dma_start3A_789] : memref<3x128x128xf32, #tpu.memory_space<vmem>> -> memref<1x128x128xf32, #tpu.memory_space<vmem>>
      %dma_start3A_791 = tpu.memref_squeeze %dma_start3A_790 : memref<1x128x128xf32, #tpu.memory_space<vmem>> -> memref<128x128xf32, #tpu.memory_space<vmem>>
      %dma_start3A_792 = arith.constant 0 : i32
      %dma_start3A_793 = tpu.memref_slice %arg5[%dma_start3A_786, %dma_start3A_792] : memref<3x128xi32, #tpu.memory_space<vmem>> -> memref<1x128xi32, #tpu.memory_space<vmem>>
      %dma_start3A_794 = tpu.memref_squeeze %dma_start3A_793 : memref<1x128xi32, #tpu.memory_space<vmem>> -> memref<128xi32, #tpu.memory_space<vmem>>
      %dma_start3A_795 = arith.constant 0 : i32
      %dma_start3A_796 = arith.constant 0 : i32
      %dma_start3A_797 = tpu.memref_slice %arg3[%dma_start3A_795, %dma_start3A_796] : memref<1000000x128xf32, #tpu.memory_space<hbm>> -> memref<1000000x128xf32, #tpu.memory_space<hbm>>
      tpu.enqueue_indirect_dma source(%dma_start3A_797 : memref<1000000x128xf32, #tpu.memory_space<hbm>>) target(%dma_start3A_791 : memref<128x128xf32, #tpu.memory_space<vmem>>) offsets(%dma_start3A_794 : memref<128xi32, #tpu.memory_space<vmem>>) semaphore(%arg9 : memref<!tpu.dma_semaphore, #tpu.memory_space<semaphore_mem>>)
      %add3A_798 = arith.addi %mul3A_2, %add3A_739 : i32
      %jit3A_799 = arith.constant 32 : i32
      %div3A_800 = arith.divsi %add3A_798, %jit3A_799 : i32
      %sign3A_801 = arith.constant 0 : i32
      %sign3A_802 = arith.cmpi sgt, %add3A_798, %sign3A_801 : i32
      %sign3A_803 = arith.extui %sign3A_802 : i1 to i32
      %sign3A_804 = arith.constant 0 : i32
      %sign3A_805 = arith.cmpi slt, %add3A_798, %sign3A_804 : i32
      %sign3A_806 = arith.extui %sign3A_805 : i1 to i32
      %sign3A_807 = arith.subi %sign3A_803, %sign3A_806 : i32
      %sign3A_808 = arith.constant 0 : i32
      %sign3A_809 = arith.cmpi sgt, %jit3A_799, %sign3A_808 : i32
      %sign3A_810 = arith.extui %sign3A_809 : i1 to i32
      %sign3A_811 = arith.constant 0 : i32
      %sign3A_812 = arith.cmpi slt, %jit3A_799, %sign3A_811 : i32
      %sign3A_813 = arith.extui %sign3A_812 : i1 to i32
      %sign3A_814 = arith.subi %sign3A_810, %sign3A_813 : i32
      %ne3A_815 = arith.cmpi ne, %sign3A_807, %sign3A_814 : i32
      %rem3A_816 = arith.remsi %add3A_798, %jit3A_799 : i32
      %ne3A_817 = arith.constant 0 : i32
      %ne3A_818 = arith.cmpi ne, %rem3A_816, %ne3A_817 : i32
      %and3A_819 = arith.andi %ne3A_815, %ne3A_818 : i1
      %sub3A_820 = arith.constant 1 : i32
      %sub3A_821 = arith.subi %div3A_800, %sub3A_820 : i32
      %select_n3A_822 = arith.select %and3A_819, %sub3A_821, %div3A_800 : i32
      %jit3A_823 = arith.constant 32 : i32
      %eq3A_824 = arith.constant 0 : i32
      %eq3A_825 = arith.cmpi eq, %jit3A_823, %eq3A_824 : i32
      %jit3A_826 = arith.constant 1 : i32
      %select_n3A_827 = arith.select %eq3A_825, %jit3A_826, %jit3A_823 : i32
      %rem3A_828 = arith.remsi %add3A_798, %select_n3A_827 : i32
      %ne3A_829 = arith.constant 0 : i32
      %ne3A_830 = arith.cmpi ne, %rem3A_828, %ne3A_829 : i32
      %lt3A_831 = arith.constant 0 : i32
      %lt3A_832 = arith.cmpi slt, %rem3A_828, %lt3A_831 : i32
      %lt3A_833 = arith.constant 0 : i32
      %lt3A_834 = arith.cmpi slt, %select_n3A_827, %lt3A_833 : i32
      %ne3A_835 = arith.xori %lt3A_832, %lt3A_834 : i1
      %and3A_836 = arith.andi %ne3A_835, %ne3A_830 : i1
      %add3A_837 = arith.addi %rem3A_828, %select_n3A_827 : i32
      %select_n3A_838 = arith.select %and3A_836, %add3A_837, %rem3A_828 : i32
      %dma_wait3A_839 = arith.constant 2 : i32
      %dma_wait3A_840 = arith.constant 2 : i32
      %dma_wait3A_841 = arith.constant 0 : i32
      %dma_wait3A_842 = arith.constant 0 : i32
      %dma_wait3A_843 = tpu.memref_slice %arg6[%dma_wait3A_840, %dma_wait3A_841, %dma_wait3A_842] : memref<3x128x128xf32, #tpu.memory_space<vmem>> -> memref<1x128x128xf32, #tpu.memory_space<vmem>>
      %dma_wait3A_844 = tpu.memref_squeeze %dma_wait3A_843 : memref<1x128x128xf32, #tpu.memory_space<vmem>> -> memref<128x128xf32, #tpu.memory_space<vmem>>
      %dma_wait3A_845 = arith.constant 0 : i32
      %dma_wait3A_846 = tpu.memref_slice %arg5[%dma_wait3A_839, %dma_wait3A_845] : memref<3x128xi32, #tpu.memory_space<vmem>> -> memref<1x128xi32, #tpu.memory_space<vmem>>
      %dma_wait3A_847 = tpu.memref_squeeze %dma_wait3A_846 : memref<1x128xi32, #tpu.memory_space<vmem>> -> memref<128xi32, #tpu.memory_space<vmem>>
      %dma_wait3A_848 = arith.constant 0 : i32
      %dma_wait3A_849 = arith.constant 0 : i32
      %dma_wait3A_850 = tpu.memref_slice %arg3[%dma_wait3A_848, %dma_wait3A_849] : memref<1000000x128xf32, #tpu.memory_space<hbm>> -> memref<1000000x128xf32, #tpu.memory_space<hbm>>
      tpu.wait_indirect_dma semaphore(%arg10 : memref<!tpu.dma_semaphore, #tpu.memory_space<semaphore_mem>>) src(%dma_wait3A_850 : memref<1000000x128xf32, #tpu.memory_space<hbm>>) dst(%dma_wait3A_844 : memref<128x128xf32, #tpu.memory_space<vmem>>)
      %ge3A_851 = arith.constant 3 : i32
      %ge3A_852 = arith.cmpi sge, %add3A_739, %ge3A_851 : i32
      %convert_element_type3A_853 = arith.extui %ge3A_852 : i1 to i32
      %cond3A_854 = arith.constant 0 : i32
      %cond3A_855 = arith.cmpi ne, %convert_element_type3A_853, %cond3A_854 : i32
      scf.if %cond3A_855 {
        %dma_wait3A_904 = arith.constant 0 : i32
        %dma_wait3A_905 = arith.constant 2 : i32
        %dma_wait3A_906 = arith.constant 0 : i32
        %dma_wait3A_907 = arith.constant 0 : i32
        %dma_wait3A_908 = tpu.memref_slice %arg7[%dma_wait3A_905, %dma_wait3A_906, %dma_wait3A_907] : memref<3x64x128xf32, #tpu.memory_space<vmem>> -> memref<1x64x128xf32, #tpu.memory_space<vmem>>
        %dma_wait3A_909 = tpu.memref_squeeze %dma_wait3A_908 : memref<1x64x128xf32, #tpu.memory_space<vmem>> -> memref<64x128xf32, #tpu.memory_space<vmem>>
        %dma_wait3A_910 = arith.constant 0 : i32
        %dma_wait3A_911 = arith.constant 0 : i32
        %dma_wait3A_912 = tpu.memref_slice %arg4[%dma_wait3A_904, %dma_wait3A_910, %dma_wait3A_911] : memref<50x64x4096xf32, #tpu.memory_space<hbm>> -> memref<1x64x128xf32, #tpu.memory_space<hbm>>
        %dma_wait3A_913 = tpu.memref_squeeze %dma_wait3A_912 : memref<1x64x128xf32, #tpu.memory_space<hbm>> -> memref<64x128xf32, #tpu.memory_space<hbm>>
        %dma_wait3A_914 = arith.constant 0 : i32
        %dma_wait3A_915 = arith.constant 0 : i32
        %dma_wait3A_916 = tpu.memref_slice %arg7[%dma_wait3A_905, %dma_wait3A_914, %dma_wait3A_915] : memref<3x64x128xf32, #tpu.memory_space<vmem>> -> memref<1x64x128xf32, #tpu.memory_space<vmem>>
        %dma_wait3A_917 = tpu.memref_squeeze %dma_wait3A_916 : memref<1x64x128xf32, #tpu.memory_space<vmem>> -> memref<64x128xf32, #tpu.memory_space<vmem>>
        %dma_wait3A_918 = arith.constant 0 : i32
        %dma_wait3A_919 = arith.constant 0 : i32
        %dma_wait3A_920 = tpu.memref_slice %arg4[%dma_wait3A_904, %dma_wait3A_918, %dma_wait3A_919] : memref<50x64x4096xf32, #tpu.memory_space<hbm>> -> memref<1x64x128xf32, #tpu.memory_space<hbm>>
        %dma_wait3A_921 = tpu.memref_squeeze %dma_wait3A_920 : memref<1x64x128xf32, #tpu.memory_space<hbm>> -> memref<64x128xf32, #tpu.memory_space<hbm>>
        tpu.wait_dma2 semaphore(%arg13 : memref<!tpu.dma_semaphore, #tpu.memory_space<semaphore_mem>>) src(%dma_wait3A_921 : memref<64x128xf32, #tpu.memory_space<hbm>>) dst(%dma_wait3A_917 : memref<64x128xf32, #tpu.memory_space<vmem>>)
      } else {
      }
      %iota3A_856 = tpu.iota {dimensions = array<i32: 0>} : vector<16xi32>
      %add3A_857 = arith.constant 0 : i32
      %add3A_858 = vector.broadcast %add3A_857 : i32 to vector<16xi32>
      %add3A_859 = arith.addi %iota3A_856, %add3A_858 : vector<16xi32>
      %add3A_860 = arith.constant 16 : i32
      %add3A_861 = vector.broadcast %add3A_860 : i32 to vector<16xi32>
      %add3A_862 = arith.addi %iota3A_856, %add3A_861 : vector<16xi32>
      %add3A_863 = arith.constant 32 : i32
      %add3A_864 = vector.broadcast %add3A_863 : i32 to vector<16xi32>
      %add3A_865 = arith.addi %iota3A_856, %add3A_864 : vector<16xi32>
      %add3A_866 = arith.constant 48 : i32
      %add3A_867 = vector.broadcast %add3A_866 : i32 to vector<16xi32>
      %add3A_868 = arith.addi %iota3A_856, %add3A_867 : vector<16xi32>
      %add3A_869 = arith.constant 64 : i32
      %add3A_870 = vector.broadcast %add3A_869 : i32 to vector<16xi32>
      %add3A_871 = arith.addi %iota3A_856, %add3A_870 : vector<16xi32>
      %add3A_872 = arith.constant 80 : i32
      %add3A_873 = vector.broadcast %add3A_872 : i32 to vector<16xi32>
      %add3A_874 = arith.addi %iota3A_856, %add3A_873 : vector<16xi32>
      %add3A_875 = arith.constant 96 : i32
      %add3A_876 = vector.broadcast %add3A_875 : i32 to vector<16xi32>
      %add3A_877 = arith.addi %iota3A_856, %add3A_876 : vector<16xi32>
      %add3A_878 = arith.constant 112 : i32
      %add3A_879 = vector.broadcast %add3A_878 : i32 to vector<16xi32>
      %add3A_880 = arith.addi %iota3A_856, %add3A_879 : vector<16xi32>
      %scan3A_881 = arith.constant 0 : i32
      %scan3A_882 = arith.constant 0 : i32
      %scan3A_883 = arith.constant 64 : i32
      %scan3A_884 = arith.addi %scan3A_882, %scan3A_883 : i32
      %scan3A_885 = arith.constant 2 : i32
      scf.for %scan3A_904 = %scan3A_882 to %scan3A_884 step %scan3A_885  : i32 {
        %add3A_905 = vector.broadcast %scan3A_904 : i32 to vector<16xi32>
        %add3A_906 = arith.addi %add3A_905, %iota3A_856 : vector<16xi32>
        %and3A_907 = arith.constant 63 : i32
        %and3A_908 = vector.broadcast %and3A_907 : i32 to vector<16xi32>
        %and3A_909 = arith.andi %add3A_906, %and3A_908 : vector<16xi32>
        %gather3A = arith.constant 2 : i32
        %gather3A_910 = arith.constant 0 : i32
        %gather3A_911 = arith.constant 0 : i32
        %gather3A_912 = tpu.memref_slice %arg6[%gather3A, %gather3A_910, %gather3A_911] : memref<3x128x128xf32, #tpu.memory_space<vmem>> -> memref<1x128x128xf32, #tpu.memory_space<vmem>>
        %gather3A_913 = tpu.memref_squeeze %gather3A_912 : memref<1x128x128xf32, #tpu.memory_space<vmem>> -> memref<128x128xf32, #tpu.memory_space<vmem>>
        %gather3A_914 = tpu.vector_load_idx %gather3A_913[%add3A_859, %and3A_909] : memref<128x128xf32, #tpu.memory_space<vmem>>[vector<16xi32>, vector<16xi32>], vector<16xf32>,
        %scatter3A = arith.constant 2 : i32
        %scatter3A_915 = arith.constant 0 : i32
        %scatter3A_916 = arith.constant 0 : i32
        %scatter3A_917 = tpu.memref_slice %arg7[%scatter3A, %scatter3A_915, %scatter3A_916] : memref<3x64x128xf32, #tpu.memory_space<vmem>> -> memref<1x64x128xf32, #tpu.memory_space<vmem>>
        %scatter3A_918 = tpu.memref_squeeze %scatter3A_917 : memref<1x64x128xf32, #tpu.memory_space<vmem>> -> memref<64x128xf32, #tpu.memory_space<vmem>>
        tpu.vector_store_idx %scatter3A_918[%and3A_909, %add3A_859], %gather3A_914 : memref<64x128xf32, #tpu.memory_space<vmem>>[vector<16xi32>, vector<16xi32>], vector<16xf32>,
        %gather3A_919 = arith.constant 2 : i32
        %gather3A_920 = arith.constant 0 : i32
        %gather3A_921 = arith.constant 0 : i32
        %gather3A_922 = tpu.memref_slice %arg6[%gather3A_919, %gather3A_920, %gather3A_921] : memref<3x128x128xf32, #tpu.memory_space<vmem>> -> memref<1x128x128xf32, #tpu.memory_space<vmem>>
        %gather3A_923 = tpu.memref_squeeze %gather3A_922 : memref<1x128x128xf32, #tpu.memory_space<vmem>> -> memref<128x128xf32, #tpu.memory_space<vmem>>
        %gather3A_924 = tpu.vector_load_idx %gather3A_923[%add3A_862, %and3A_909] : memref<128x128xf32, #tpu.memory_space<vmem>>[vector<16xi32>, vector<16xi32>], vector<16xf32>,
        %scatter3A_925 = arith.constant 2 : i32
        %scatter3A_926 = arith.constant 0 : i32
        %scatter3A_927 = arith.constant 0 : i32
        %scatter3A_928 = tpu.memref_slice %arg7[%scatter3A_925, %scatter3A_926, %scatter3A_927] : memref<3x64x128xf32, #tpu.memory_space<vmem>> -> memref<1x64x128xf32, #tpu.memory_space<vmem>>
        %scatter3A_929 = tpu.memref_squeeze %scatter3A_928 : memref<1x64x128xf32, #tpu.memory_space<vmem>> -> memref<64x128xf32, #tpu.memory_space<vmem>>
        tpu.vector_store_idx %scatter3A_929[%and3A_909, %add3A_862], %gather3A_924 : memref<64x128xf32, #tpu.memory_space<vmem>>[vector<16xi32>, vector<16xi32>], vector<16xf32>,
        %gather3A_930 = arith.constant 2 : i32
        %gather3A_931 = arith.constant 0 : i32
        %gather3A_932 = arith.constant 0 : i32
        %gather3A_933 = tpu.memref_slice %arg6[%gather3A_930, %gather3A_931, %gather3A_932] : memref<3x128x128xf32, #tpu.memory_space<vmem>> -> memref<1x128x128xf32, #tpu.memory_space<vmem>>
        %gather3A_934 = tpu.memref_squeeze %gather3A_933 : memref<1x128x128xf32, #tpu.memory_space<vmem>> -> memref<128x128xf32, #tpu.memory_space<vmem>>
        %gather3A_935 = tpu.vector_load_idx %gather3A_934[%add3A_865, %and3A_909] : memref<128x128xf32, #tpu.memory_space<vmem>>[vector<16xi32>, vector<16xi32>], vector<16xf32>,
        %scatter3A_936 = arith.constant 2 : i32
        %scatter3A_937 = arith.constant 0 : i32
        %scatter3A_938 = arith.constant 0 : i32
        %scatter3A_939 = tpu.memref_slice %arg7[%scatter3A_936, %scatter3A_937, %scatter3A_938] : memref<3x64x128xf32, #tpu.memory_space<vmem>> -> memref<1x64x128xf32, #tpu.memory_space<vmem>>
        %scatter3A_940 = tpu.memref_squeeze %scatter3A_939 : memref<1x64x128xf32, #tpu.memory_space<vmem>> -> memref<64x128xf32, #tpu.memory_space<vmem>>
        tpu.vector_store_idx %scatter3A_940[%and3A_909, %add3A_865], %gather3A_935 : memref<64x128xf32, #tpu.memory_space<vmem>>[vector<16xi32>, vector<16xi32>], vector<16xf32>,
        %gather3A_941 = arith.constant 2 : i32
        %gather3A_942 = arith.constant 0 : i32
        %gather3A_943 = arith.constant 0 : i32
        %gather3A_944 = tpu.memref_slice %arg6[%gather3A_941, %gather3A_942, %gather3A_943] : memref<3x128x128xf32, #tpu.memory_space<vmem>> -> memref<1x128x128xf32, #tpu.memory_space<vmem>>
        %gather3A_945 = tpu.memref_squeeze %gather3A_944 : memref<1x128x128xf32, #tpu.memory_space<vmem>> -> memref<128x128xf32, #tpu.memory_space<vmem>>
        %gather3A_946 = tpu.vector_load_idx %gather3A_945[%add3A_868, %and3A_909] : memref<128x128xf32, #tpu.memory_space<vmem>>[vector<16xi32>, vector<16xi32>], vector<16xf32>,
        %scatter3A_947 = arith.constant 2 : i32
        %scatter3A_948 = arith.constant 0 : i32
        %scatter3A_949 = arith.constant 0 : i32
        %scatter3A_950 = tpu.memref_slice %arg7[%scatter3A_947, %scatter3A_948, %scatter3A_949] : memref<3x64x128xf32, #tpu.memory_space<vmem>> -> memref<1x64x128xf32, #tpu.memory_space<vmem>>
        %scatter3A_951 = tpu.memref_squeeze %scatter3A_950 : memref<1x64x128xf32, #tpu.memory_space<vmem>> -> memref<64x128xf32, #tpu.memory_space<vmem>>
        tpu.vector_store_idx %scatter3A_951[%and3A_909, %add3A_868], %gather3A_946 : memref<64x128xf32, #tpu.memory_space<vmem>>[vector<16xi32>, vector<16xi32>], vector<16xf32>,
        %gather3A_952 = arith.constant 2 : i32
        %gather3A_953 = arith.constant 0 : i32
        %gather3A_954 = arith.constant 0 : i32
        %gather3A_955 = tpu.memref_slice %arg6[%gather3A_952, %gather3A_953, %gather3A_954] : memref<3x128x128xf32, #tpu.memory_space<vmem>> -> memref<1x128x128xf32, #tpu.memory_space<vmem>>
        %gather3A_956 = tpu.memref_squeeze %gather3A_955 : memref<1x128x128xf32, #tpu.memory_space<vmem>> -> memref<128x128xf32, #tpu.memory_space<vmem>>
        %gather3A_957 = tpu.vector_load_idx %gather3A_956[%add3A_871, %and3A_909] : memref<128x128xf32, #tpu.memory_space<vmem>>[vector<16xi32>, vector<16xi32>], vector<16xf32>,
        %scatter3A_958 = arith.constant 2 : i32
        %scatter3A_959 = arith.constant 0 : i32
        %scatter3A_960 = arith.constant 0 : i32
        %scatter3A_961 = tpu.memref_slice %arg7[%scatter3A_958, %scatter3A_959, %scatter3A_960] : memref<3x64x128xf32, #tpu.memory_space<vmem>> -> memref<1x64x128xf32, #tpu.memory_space<vmem>>
        %scatter3A_962 = tpu.memref_squeeze %scatter3A_961 : memref<1x64x128xf32, #tpu.memory_space<vmem>> -> memref<64x128xf32, #tpu.memory_space<vmem>>
        tpu.vector_store_idx %scatter3A_962[%and3A_909, %add3A_871], %gather3A_957 : memref<64x128xf32, #tpu.memory_space<vmem>>[vector<16xi32>, vector<16xi32>], vector<16xf32>,
        %gather3A_963 = arith.constant 2 : i32
        %gather3A_964 = arith.constant 0 : i32
        %gather3A_965 = arith.constant 0 : i32
        %gather3A_966 = tpu.memref_slice %arg6[%gather3A_963, %gather3A_964, %gather3A_965] : memref<3x128x128xf32, #tpu.memory_space<vmem>> -> memref<1x128x128xf32, #tpu.memory_space<vmem>>
        %gather3A_967 = tpu.memref_squeeze %gather3A_966 : memref<1x128x128xf32, #tpu.memory_space<vmem>> -> memref<128x128xf32, #tpu.memory_space<vmem>>
        %gather3A_968 = tpu.vector_load_idx %gather3A_967[%add3A_874, %and3A_909] : memref<128x128xf32, #tpu.memory_space<vmem>>[vector<16xi32>, vector<16xi32>], vector<16xf32>,
        %scatter3A_969 = arith.constant 2 : i32
        %scatter3A_970 = arith.constant 0 : i32
        %scatter3A_971 = arith.constant 0 : i32
        %scatter3A_972 = tpu.memref_slice %arg7[%scatter3A_969, %scatter3A_970, %scatter3A_971] : memref<3x64x128xf32, #tpu.memory_space<vmem>> -> memref<1x64x128xf32, #tpu.memory_space<vmem>>
        %scatter3A_973 = tpu.memref_squeeze %scatter3A_972 : memref<1x64x128xf32, #tpu.memory_space<vmem>> -> memref<64x128xf32, #tpu.memory_space<vmem>>
        tpu.vector_store_idx %scatter3A_973[%and3A_909, %add3A_874], %gather3A_968 : memref<64x128xf32, #tpu.memory_space<vmem>>[vector<16xi32>, vector<16xi32>], vector<16xf32>,
        %gather3A_974 = arith.constant 2 : i32
        %gather3A_975 = arith.constant 0 : i32
        %gather3A_976 = arith.constant 0 : i32
        %gather3A_977 = tpu.memref_slice %arg6[%gather3A_974, %gather3A_975, %gather3A_976] : memref<3x128x128xf32, #tpu.memory_space<vmem>> -> memref<1x128x128xf32, #tpu.memory_space<vmem>>
        %gather3A_978 = tpu.memref_squeeze %gather3A_977 : memref<1x128x128xf32, #tpu.memory_space<vmem>> -> memref<128x128xf32, #tpu.memory_space<vmem>>
        %gather3A_979 = tpu.vector_load_idx %gather3A_978[%add3A_877, %and3A_909] : memref<128x128xf32, #tpu.memory_space<vmem>>[vector<16xi32>, vector<16xi32>], vector<16xf32>,
        %scatter3A_980 = arith.constant 2 : i32
        %scatter3A_981 = arith.constant 0 : i32
        %scatter3A_982 = arith.constant 0 : i32
        %scatter3A_983 = tpu.memref_slice %arg7[%scatter3A_980, %scatter3A_981, %scatter3A_982] : memref<3x64x128xf32, #tpu.memory_space<vmem>> -> memref<1x64x128xf32, #tpu.memory_space<vmem>>
        %scatter3A_984 = tpu.memref_squeeze %scatter3A_983 : memref<1x64x128xf32, #tpu.memory_space<vmem>> -> memref<64x128xf32, #tpu.memory_space<vmem>>
        tpu.vector_store_idx %scatter3A_984[%and3A_909, %add3A_877], %gather3A_979 : memref<64x128xf32, #tpu.memory_space<vmem>>[vector<16xi32>, vector<16xi32>], vector<16xf32>,
        %gather3A_985 = arith.constant 2 : i32
        %gather3A_986 = arith.constant 0 : i32
        %gather3A_987 = arith.constant 0 : i32
        %gather3A_988 = tpu.memref_slice %arg6[%gather3A_985, %gather3A_986, %gather3A_987] : memref<3x128x128xf32, #tpu.memory_space<vmem>> -> memref<1x128x128xf32, #tpu.memory_space<vmem>>
        %gather3A_989 = tpu.memref_squeeze %gather3A_988 : memref<1x128x128xf32, #tpu.memory_space<vmem>> -> memref<128x128xf32, #tpu.memory_space<vmem>>
        %gather3A_990 = tpu.vector_load_idx %gather3A_989[%add3A_880, %and3A_909] : memref<128x128xf32, #tpu.memory_space<vmem>>[vector<16xi32>, vector<16xi32>], vector<16xf32>,
        %scatter3A_991 = arith.constant 2 : i32
        %scatter3A_992 = arith.constant 0 : i32
        %scatter3A_993 = arith.constant 0 : i32
        %scatter3A_994 = tpu.memref_slice %arg7[%scatter3A_991, %scatter3A_992, %scatter3A_993] : memref<3x64x128xf32, #tpu.memory_space<vmem>> -> memref<1x64x128xf32, #tpu.memory_space<vmem>>
        %scatter3A_995 = tpu.memref_squeeze %scatter3A_994 : memref<1x64x128xf32, #tpu.memory_space<vmem>> -> memref<64x128xf32, #tpu.memory_space<vmem>>
        tpu.vector_store_idx %scatter3A_995[%and3A_909, %add3A_880], %gather3A_990 : memref<64x128xf32, #tpu.memory_space<vmem>>[vector<16xi32>, vector<16xi32>], vector<16xf32>,
        %scan3A_996 = arith.constant 1 : i32
        %scan3A_997 = arith.addi %scan3A_904, %scan3A_996 : i32
        %add3A_998 = vector.broadcast %scan3A_997 : i32 to vector<16xi32>
        %add3A_999 = arith.addi %add3A_998, %iota3A_856 : vector<16xi32>
        %and3A_1000 = arith.constant 63 : i32
        %and3A_1001 = vector.broadcast %and3A_1000 : i32 to vector<16xi32>
        %and3A_1002 = arith.andi %add3A_999, %and3A_1001 : vector<16xi32>
        %gather3A_1003 = arith.constant 2 : i32
        %gather3A_1004 = arith.constant 0 : i32
        %gather3A_1005 = arith.constant 0 : i32
        %gather3A_1006 = tpu.memref_slice %arg6[%gather3A_1003, %gather3A_1004, %gather3A_1005] : memref<3x128x128xf32, #tpu.memory_space<vmem>> -> memref<1x128x128xf32, #tpu.memory_space<vmem>>
        %gather3A_1007 = tpu.memref_squeeze %gather3A_1006 : memref<1x128x128xf32, #tpu.memory_space<vmem>> -> memref<128x128xf32, #tpu.memory_space<vmem>>
        %gather3A_1008 = tpu.vector_load_idx %gather3A_1007[%add3A_859, %and3A_1002] : memref<128x128xf32, #tpu.memory_space<vmem>>[vector<16xi32>, vector<16xi32>], vector<16xf32>,
        %scatter3A_1009 = arith.constant 2 : i32
        %scatter3A_1010 = arith.constant 0 : i32
        %scatter3A_1011 = arith.constant 0 : i32
        %scatter3A_1012 = tpu.memref_slice %arg7[%scatter3A_1009, %scatter3A_1010, %scatter3A_1011] : memref<3x64x128xf32, #tpu.memory_space<vmem>> -> memref<1x64x128xf32, #tpu.memory_space<vmem>>
        %scatter3A_1013 = tpu.memref_squeeze %scatter3A_1012 : memref<1x64x128xf32, #tpu.memory_space<vmem>> -> memref<64x128xf32, #tpu.memory_space<vmem>>
        tpu.vector_store_idx %scatter3A_1013[%and3A_1002, %add3A_859], %gather3A_1008 : memref<64x128xf32, #tpu.memory_space<vmem>>[vector<16xi32>, vector<16xi32>], vector<16xf32>,
        %gather3A_1014 = arith.constant 2 : i32
        %gather3A_1015 = arith.constant 0 : i32
        %gather3A_1016 = arith.constant 0 : i32
        %gather3A_1017 = tpu.memref_slice %arg6[%gather3A_1014, %gather3A_1015, %gather3A_1016] : memref<3x128x128xf32, #tpu.memory_space<vmem>> -> memref<1x128x128xf32, #tpu.memory_space<vmem>>
        %gather3A_1018 = tpu.memref_squeeze %gather3A_1017 : memref<1x128x128xf32, #tpu.memory_space<vmem>> -> memref<128x128xf32, #tpu.memory_space<vmem>>
        %gather3A_1019 = tpu.vector_load_idx %gather3A_1018[%add3A_862, %and3A_1002] : memref<128x128xf32, #tpu.memory_space<vmem>>[vector<16xi32>, vector<16xi32>], vector<16xf32>,
        %scatter3A_1020 = arith.constant 2 : i32
        %scatter3A_1021 = arith.constant 0 : i32
        %scatter3A_1022 = arith.constant 0 : i32
        %scatter3A_1023 = tpu.memref_slice %arg7[%scatter3A_1020, %scatter3A_1021, %scatter3A_1022] : memref<3x64x128xf32, #tpu.memory_space<vmem>> -> memref<1x64x128xf32, #tpu.memory_space<vmem>>
        %scatter3A_1024 = tpu.memref_squeeze %scatter3A_1023 : memref<1x64x128xf32, #tpu.memory_space<vmem>> -> memref<64x128xf32, #tpu.memory_space<vmem>>
        tpu.vector_store_idx %scatter3A_1024[%and3A_1002, %add3A_862], %gather3A_1019 : memref<64x128xf32, #tpu.memory_space<vmem>>[vector<16xi32>, vector<16xi32>], vector<16xf32>,
        %gather3A_1025 = arith.constant 2 : i32
        %gather3A_1026 = arith.constant 0 : i32
        %gather3A_1027 = arith.constant 0 : i32
        %gather3A_1028 = tpu.memref_slice %arg6[%gather3A_1025, %gather3A_1026, %gather3A_1027] : memref<3x128x128xf32, #tpu.memory_space<vmem>> -> memref<1x128x128xf32, #tpu.memory_space<vmem>>
        %gather3A_1029 = tpu.memref_squeeze %gather3A_1028 : memref<1x128x128xf32, #tpu.memory_space<vmem>> -> memref<128x128xf32, #tpu.memory_space<vmem>>
        %gather3A_1030 = tpu.vector_load_idx %gather3A_1029[%add3A_865, %and3A_1002] : memref<128x128xf32, #tpu.memory_space<vmem>>[vector<16xi32>, vector<16xi32>], vector<16xf32>,
        %scatter3A_1031 = arith.constant 2 : i32
        %scatter3A_1032 = arith.constant 0 : i32
        %scatter3A_1033 = arith.constant 0 : i32
        %scatter3A_1034 = tpu.memref_slice %arg7[%scatter3A_1031, %scatter3A_1032, %scatter3A_1033] : memref<3x64x128xf32, #tpu.memory_space<vmem>> -> memref<1x64x128xf32, #tpu.memory_space<vmem>>
        %scatter3A_1035 = tpu.memref_squeeze %scatter3A_1034 : memref<1x64x128xf32, #tpu.memory_space<vmem>> -> memref<64x128xf32, #tpu.memory_space<vmem>>
        tpu.vector_store_idx %scatter3A_1035[%and3A_1002, %add3A_865], %gather3A_1030 : memref<64x128xf32, #tpu.memory_space<vmem>>[vector<16xi32>, vector<16xi32>], vector<16xf32>,
        %gather3A_1036 = arith.constant 2 : i32
        %gather3A_1037 = arith.constant 0 : i32
        %gather3A_1038 = arith.constant 0 : i32
        %gather3A_1039 = tpu.memref_slice %arg6[%gather3A_1036, %gather3A_1037, %gather3A_1038] : memref<3x128x128xf32, #tpu.memory_space<vmem>> -> memref<1x128x128xf32, #tpu.memory_space<vmem>>
        %gather3A_1040 = tpu.memref_squeeze %gather3A_1039 : memref<1x128x128xf32, #tpu.memory_space<vmem>> -> memref<128x128xf32, #tpu.memory_space<vmem>>
        %gather3A_1041 = tpu.vector_load_idx %gather3A_1040[%add3A_868, %and3A_1002] : memref<128x128xf32, #tpu.memory_space<vmem>>[vector<16xi32>, vector<16xi32>], vector<16xf32>,
        %scatter3A_1042 = arith.constant 2 : i32
        %scatter3A_1043 = arith.constant 0 : i32
        %scatter3A_1044 = arith.constant 0 : i32
        %scatter3A_1045 = tpu.memref_slice %arg7[%scatter3A_1042, %scatter3A_1043, %scatter3A_1044] : memref<3x64x128xf32, #tpu.memory_space<vmem>> -> memref<1x64x128xf32, #tpu.memory_space<vmem>>
        %scatter3A_1046 = tpu.memref_squeeze %scatter3A_1045 : memref<1x64x128xf32, #tpu.memory_space<vmem>> -> memref<64x128xf32, #tpu.memory_space<vmem>>
        tpu.vector_store_idx %scatter3A_1046[%and3A_1002, %add3A_868], %gather3A_1041 : memref<64x128xf32, #tpu.memory_space<vmem>>[vector<16xi32>, vector<16xi32>], vector<16xf32>,
        %gather3A_1047 = arith.constant 2 : i32
        %gather3A_1048 = arith.constant 0 : i32
        %gather3A_1049 = arith.constant 0 : i32
        %gather3A_1050 = tpu.memref_slice %arg6[%gather3A_1047, %gather3A_1048, %gather3A_1049] : memref<3x128x128xf32, #tpu.memory_space<vmem>> -> memref<1x128x128xf32, #tpu.memory_space<vmem>>
        %gather3A_1051 = tpu.memref_squeeze %gather3A_1050 : memref<1x128x128xf32, #tpu.memory_space<vmem>> -> memref<128x128xf32, #tpu.memory_space<vmem>>
        %gather3A_1052 = tpu.vector_load_idx %gather3A_1051[%add3A_871, %and3A_1002] : memref<128x128xf32, #tpu.memory_space<vmem>>[vector<16xi32>, vector<16xi32>], vector<16xf32>,
        %scatter3A_1053 = arith.constant 2 : i32
        %scatter3A_1054 = arith.constant 0 : i32
        %scatter3A_1055 = arith.constant 0 : i32
        %scatter3A_1056 = tpu.memref_slice %arg7[%scatter3A_1053, %scatter3A_1054, %scatter3A_1055] : memref<3x64x128xf32, #tpu.memory_space<vmem>> -> memref<1x64x128xf32, #tpu.memory_space<vmem>>
        %scatter3A_1057 = tpu.memref_squeeze %scatter3A_1056 : memref<1x64x128xf32, #tpu.memory_space<vmem>> -> memref<64x128xf32, #tpu.memory_space<vmem>>
        tpu.vector_store_idx %scatter3A_1057[%and3A_1002, %add3A_871], %gather3A_1052 : memref<64x128xf32, #tpu.memory_space<vmem>>[vector<16xi32>, vector<16xi32>], vector<16xf32>,
        %gather3A_1058 = arith.constant 2 : i32
        %gather3A_1059 = arith.constant 0 : i32
        %gather3A_1060 = arith.constant 0 : i32
        %gather3A_1061 = tpu.memref_slice %arg6[%gather3A_1058, %gather3A_1059, %gather3A_1060] : memref<3x128x128xf32, #tpu.memory_space<vmem>> -> memref<1x128x128xf32, #tpu.memory_space<vmem>>
        %gather3A_1062 = tpu.memref_squeeze %gather3A_1061 : memref<1x128x128xf32, #tpu.memory_space<vmem>> -> memref<128x128xf32, #tpu.memory_space<vmem>>
        %gather3A_1063 = tpu.vector_load_idx %gather3A_1062[%add3A_874, %and3A_1002] : memref<128x128xf32, #tpu.memory_space<vmem>>[vector<16xi32>, vector<16xi32>], vector<16xf32>,
        %scatter3A_1064 = arith.constant 2 : i32
        %scatter3A_1065 = arith.constant 0 : i32
        %scatter3A_1066 = arith.constant 0 : i32
        %scatter3A_1067 = tpu.memref_slice %arg7[%scatter3A_1064, %scatter3A_1065, %scatter3A_1066] : memref<3x64x128xf32, #tpu.memory_space<vmem>> -> memref<1x64x128xf32, #tpu.memory_space<vmem>>
        %scatter3A_1068 = tpu.memref_squeeze %scatter3A_1067 : memref<1x64x128xf32, #tpu.memory_space<vmem>> -> memref<64x128xf32, #tpu.memory_space<vmem>>
        tpu.vector_store_idx %scatter3A_1068[%and3A_1002, %add3A_874], %gather3A_1063 : memref<64x128xf32, #tpu.memory_space<vmem>>[vector<16xi32>, vector<16xi32>], vector<16xf32>,
        %gather3A_1069 = arith.constant 2 : i32
        %gather3A_1070 = arith.constant 0 : i32
        %gather3A_1071 = arith.constant 0 : i32
        %gather3A_1072 = tpu.memref_slice %arg6[%gather3A_1069, %gather3A_1070, %gather3A_1071] : memref<3x128x128xf32, #tpu.memory_space<vmem>> -> memref<1x128x128xf32, #tpu.memory_space<vmem>>
        %gather3A_1073 = tpu.memref_squeeze %gather3A_1072 : memref<1x128x128xf32, #tpu.memory_space<vmem>> -> memref<128x128xf32, #tpu.memory_space<vmem>>
        %gather3A_1074 = tpu.vector_load_idx %gather3A_1073[%add3A_877, %and3A_1002] : memref<128x128xf32, #tpu.memory_space<vmem>>[vector<16xi32>, vector<16xi32>], vector<16xf32>,
        %scatter3A_1075 = arith.constant 2 : i32
        %scatter3A_1076 = arith.constant 0 : i32
        %scatter3A_1077 = arith.constant 0 : i32
        %scatter3A_1078 = tpu.memref_slice %arg7[%scatter3A_1075, %scatter3A_1076, %scatter3A_1077] : memref<3x64x128xf32, #tpu.memory_space<vmem>> -> memref<1x64x128xf32, #tpu.memory_space<vmem>>
        %scatter3A_1079 = tpu.memref_squeeze %scatter3A_1078 : memref<1x64x128xf32, #tpu.memory_space<vmem>> -> memref<64x128xf32, #tpu.memory_space<vmem>>
        tpu.vector_store_idx %scatter3A_1079[%and3A_1002, %add3A_877], %gather3A_1074 : memref<64x128xf32, #tpu.memory_space<vmem>>[vector<16xi32>, vector<16xi32>], vector<16xf32>,
        %gather3A_1080 = arith.constant 2 : i32
        %gather3A_1081 = arith.constant 0 : i32
        %gather3A_1082 = arith.constant 0 : i32
        %gather3A_1083 = tpu.memref_slice %arg6[%gather3A_1080, %gather3A_1081, %gather3A_1082] : memref<3x128x128xf32, #tpu.memory_space<vmem>> -> memref<1x128x128xf32, #tpu.memory_space<vmem>>
        %gather3A_1084 = tpu.memref_squeeze %gather3A_1083 : memref<1x128x128xf32, #tpu.memory_space<vmem>> -> memref<128x128xf32, #tpu.memory_space<vmem>>
        %gather3A_1085 = tpu.vector_load_idx %gather3A_1084[%add3A_880, %and3A_1002] : memref<128x128xf32, #tpu.memory_space<vmem>>[vector<16xi32>, vector<16xi32>], vector<16xf32>,
        %scatter3A_1086 = arith.constant 2 : i32
        %scatter3A_1087 = arith.constant 0 : i32
        %scatter3A_1088 = arith.constant 0 : i32
        %scatter3A_1089 = tpu.memref_slice %arg7[%scatter3A_1086, %scatter3A_1087, %scatter3A_1088] : memref<3x64x128xf32, #tpu.memory_space<vmem>> -> memref<1x64x128xf32, #tpu.memory_space<vmem>>
        %scatter3A_1090 = tpu.memref_squeeze %scatter3A_1089 : memref<1x64x128xf32, #tpu.memory_space<vmem>> -> memref<64x128xf32, #tpu.memory_space<vmem>>
        tpu.vector_store_idx %scatter3A_1090[%and3A_1002, %add3A_880], %gather3A_1085 : memref<64x128xf32, #tpu.memory_space<vmem>>[vector<16xi32>, vector<16xi32>], vector<16xf32>,
      }
      %scan3A_886 = arith.constant 64 : i32
      %mul3A_887 = arith.constant 128 : i32
      %mul3A_888 = arith.muli %select_n3A_838, %mul3A_887 : i32
      %dma_start3A_889 = arith.constant 2 : i32
      %dma_start3A_890 = arith.constant 0 : i32
      %dma_start3A_891 = arith.constant 0 : i32
      %dma_start3A_892 = tpu.memref_slice %arg7[%dma_start3A_889, %dma_start3A_890, %dma_start3A_891] : memref<3x64x128xf32, #tpu.memory_space<vmem>> -> memref<1x64x128xf32, #tpu.memory_space<vmem>>
      %dma_start3A_893 = tpu.memref_squeeze %dma_start3A_892 : memref<1x64x128xf32, #tpu.memory_space<vmem>> -> memref<64x128xf32, #tpu.memory_space<vmem>>
      %dma_start3A_894 = arith.constant 0 : i32
      %dma_start3A_895 = tpu.memref_slice %arg4[%select_n3A_822, %dma_start3A_894, %mul3A_888] : memref<50x64x4096xf32, #tpu.memory_space<hbm>> -> memref<1x64x128xf32, #tpu.memory_space<hbm>>
      %dma_start3A_896 = tpu.memref_squeeze %dma_start3A_895 : memref<1x64x128xf32, #tpu.memory_space<hbm>> -> memref<64x128xf32, #tpu.memory_space<hbm>>
      %dma_start3A_897 = arith.constant 0 : i32
      %dma_start3A_898 = tpu.memref_slice %arg4[%select_n3A_822, %dma_start3A_897, %mul3A_888] : memref<50x64x4096xf32, #tpu.memory_space<hbm>> -> memref<1x64x128xf32, #tpu.memory_space<hbm>>
      %dma_start3A_899 = tpu.memref_squeeze %dma_start3A_898 : memref<1x64x128xf32, #tpu.memory_space<hbm>> -> memref<64x128xf32, #tpu.memory_space<hbm>>
      %dma_start3A_900 = arith.constant 0 : i32
      %dma_start3A_901 = arith.constant 0 : i32
      %dma_start3A_902 = tpu.memref_slice %arg7[%dma_start3A_889, %dma_start3A_900, %dma_start3A_901] : memref<3x64x128xf32, #tpu.memory_space<vmem>> -> memref<1x64x128xf32, #tpu.memory_space<vmem>>
      %dma_start3A_903 = tpu.memref_squeeze %dma_start3A_902 : memref<1x64x128xf32, #tpu.memory_space<vmem>> -> memref<64x128xf32, #tpu.memory_space<vmem>>
      tpu.enqueue_dma source(%dma_start3A_903 : memref<64x128xf32, #tpu.memory_space<vmem>>) target(%dma_start3A_899 : memref<64x128xf32, #tpu.memory_space<hbm>>) target_semaphore(%arg13 : memref<!tpu.dma_semaphore, #tpu.memory_space<semaphore_mem>>)
    }
    %scan3A_109 = arith.constant 16 : i32
    %add3A_110 = arith.constant 48 : i32
    %add3A_111 = arith.addi %mul3A_2, %add3A_110 : i32
    %jit3A_112 = arith.constant 32 : i32
    %div3A_113 = arith.divsi %add3A_111, %jit3A_112 : i32
    %sign3A_114 = arith.constant 0 : i32
    %sign3A_115 = arith.cmpi sgt, %add3A_111, %sign3A_114 : i32
    %sign3A_116 = arith.extui %sign3A_115 : i1 to i32
    %sign3A_117 = arith.constant 0 : i32
    %sign3A_118 = arith.cmpi slt, %add3A_111, %sign3A_117 : i32
    %sign3A_119 = arith.extui %sign3A_118 : i1 to i32
    %sign3A_120 = arith.subi %sign3A_116, %sign3A_119 : i32
    %sign3A_121 = arith.constant 0 : i32
    %sign3A_122 = arith.cmpi sgt, %jit3A_112, %sign3A_121 : i32
    %sign3A_123 = arith.extui %sign3A_122 : i1 to i32
    %sign3A_124 = arith.constant 0 : i32
    %sign3A_125 = arith.cmpi slt, %jit3A_112, %sign3A_124 : i32
    %sign3A_126 = arith.extui %sign3A_125 : i1 to i32
    %sign3A_127 = arith.subi %sign3A_123, %sign3A_126 : i32
    %ne3A_128 = arith.cmpi ne, %sign3A_120, %sign3A_127 : i32
    %rem3A_129 = arith.remsi %add3A_111, %jit3A_112 : i32
    %ne3A_130 = arith.constant 0 : i32
    %ne3A_131 = arith.cmpi ne, %rem3A_129, %ne3A_130 : i32
    %and3A_132 = arith.andi %ne3A_128, %ne3A_131 : i1
    %sub3A_133 = arith.constant 1 : i32
    %sub3A_134 = arith.subi %div3A_113, %sub3A_133 : i32
    %select_n3A_135 = arith.select %and3A_132, %sub3A_134, %div3A_113 : i32
    %jit3A_136 = arith.constant 32 : i32
    %eq3A_137 = arith.constant 0 : i32
    %eq3A_138 = arith.cmpi eq, %jit3A_136, %eq3A_137 : i32
    %jit3A_139 = arith.constant 1 : i32
    %select_n3A_140 = arith.select %eq3A_138, %jit3A_139, %jit3A_136 : i32
    %rem3A_141 = arith.remsi %add3A_111, %select_n3A_140 : i32
    %ne3A_142 = arith.constant 0 : i32
    %ne3A_143 = arith.cmpi ne, %rem3A_141, %ne3A_142 : i32
    %lt3A_144 = arith.constant 0 : i32
    %lt3A_145 = arith.cmpi slt, %rem3A_141, %lt3A_144 : i32
    %lt3A_146 = arith.constant 0 : i32
    %lt3A_147 = arith.cmpi slt, %select_n3A_140, %lt3A_146 : i32
    %ne3A_148 = arith.xori %lt3A_145, %lt3A_147 : i1
    %and3A_149 = arith.andi %ne3A_148, %ne3A_143 : i1
    %add3A_150 = arith.addi %rem3A_141, %select_n3A_140 : i32
    %select_n3A_151 = arith.select %and3A_149, %add3A_150, %rem3A_141 : i32
    %dma_wait3A = arith.constant 0 : i32
    %dma_wait3A_152 = arith.constant 0 : i32
    %dma_wait3A_153 = arith.constant 0 : i32
    %dma_wait3A_154 = arith.constant 0 : i32
    %dma_wait3A_155 = tpu.memref_slice %arg6[%dma_wait3A_152, %dma_wait3A_153, %dma_wait3A_154] : memref<3x128x128xf32, #tpu.memory_space<vmem>> -> memref<1x128x128xf32, #tpu.memory_space<vmem>>
    %dma_wait3A_156 = tpu.memref_squeeze %dma_wait3A_155 : memref<1x128x128xf32, #tpu.memory_space<vmem>> -> memref<128x128xf32, #tpu.memory_space<vmem>>
    %dma_wait3A_157 = arith.constant 0 : i32
    %dma_wait3A_158 = tpu.memref_slice %arg5[%dma_wait3A, %dma_wait3A_157] : memref<3x128xi32, #tpu.memory_space<vmem>> -> memref<1x128xi32, #tpu.memory_space<vmem>>
    %dma_wait3A_159 = tpu.memref_squeeze %dma_wait3A_158 : memref<1x128xi32, #tpu.memory_space<vmem>> -> memref<128xi32, #tpu.memory_space<vmem>>
    %dma_wait3A_160 = arith.constant 0 : i32
    %dma_wait3A_161 = arith.constant 0 : i32
    %dma_wait3A_162 = tpu.memref_slice %arg3[%dma_wait3A_160, %dma_wait3A_161] : memref<1000000x128xf32, #tpu.memory_space<hbm>> -> memref<1000000x128xf32, #tpu.memory_space<hbm>>
    tpu.wait_indirect_dma semaphore(%arg8 : memref<!tpu.dma_semaphore, #tpu.memory_space<semaphore_mem>>) src(%dma_wait3A_162 : memref<1000000x128xf32, #tpu.memory_space<hbm>>) dst(%dma_wait3A_156 : memref<128x128xf32, #tpu.memory_space<vmem>>)
    %dma_wait3A_163 = arith.constant 0 : i32
    %dma_wait3A_164 = arith.constant 0 : i32
    %dma_wait3A_165 = arith.constant 0 : i32
    %dma_wait3A_166 = arith.constant 0 : i32
    %dma_wait3A_167 = tpu.memref_slice %arg7[%dma_wait3A_164, %dma_wait3A_165, %dma_wait3A_166] : memref<3x64x128xf32, #tpu.memory_space<vmem>> -> memref<1x64x128xf32, #tpu.memory_space<vmem>>
    %dma_wait3A_168 = tpu.memref_squeeze %dma_wait3A_167 : memref<1x64x128xf32, #tpu.memory_space<vmem>> -> memref<64x128xf32, #tpu.memory_space<vmem>>
    %dma_wait3A_169 = arith.constant 0 : i32
    %dma_wait3A_170 = arith.constant 0 : i32
    %dma_wait3A_171 = tpu.memref_slice %arg4[%dma_wait3A_163, %dma_wait3A_169, %dma_wait3A_170] : memref<50x64x4096xf32, #tpu.memory_space<hbm>> -> memref<1x64x128xf32, #tpu.memory_space<hbm>>
    %dma_wait3A_172 = tpu.memref_squeeze %dma_wait3A_171 : memref<1x64x128xf32, #tpu.memory_space<hbm>> -> memref<64x128xf32, #tpu.memory_space<hbm>>
    %dma_wait3A_173 = arith.constant 0 : i32
    %dma_wait3A_174 = arith.constant 0 : i32
    %dma_wait3A_175 = tpu.memref_slice %arg7[%dma_wait3A_164, %dma_wait3A_173, %dma_wait3A_174] : memref<3x64x128xf32, #tpu.memory_space<vmem>> -> memref<1x64x128xf32, #tpu.memory_space<vmem>>
    %dma_wait3A_176 = tpu.memref_squeeze %dma_wait3A_175 : memref<1x64x128xf32, #tpu.memory_space<vmem>> -> memref<64x128xf32, #tpu.memory_space<vmem>>
    %dma_wait3A_177 = arith.constant 0 : i32
    %dma_wait3A_178 = arith.constant 0 : i32
    %dma_wait3A_179 = tpu.memref_slice %arg4[%dma_wait3A_163, %dma_wait3A_177, %dma_wait3A_178] : memref<50x64x4096xf32, #tpu.memory_space<hbm>> -> memref<1x64x128xf32, #tpu.memory_space<hbm>>
    %dma_wait3A_180 = tpu.memref_squeeze %dma_wait3A_179 : memref<1x64x128xf32, #tpu.memory_space<hbm>> -> memref<64x128xf32, #tpu.memory_space<hbm>>
    tpu.wait_dma2 semaphore(%arg11 : memref<!tpu.dma_semaphore, #tpu.memory_space<semaphore_mem>>) src(%dma_wait3A_180 : memref<64x128xf32, #tpu.memory_space<hbm>>) dst(%dma_wait3A_176 : memref<64x128xf32, #tpu.memory_space<vmem>>)
    %iota3A = tpu.iota {dimensions = array<i32: 0>} : vector<16xi32>
    %add3A_181 = arith.constant 0 : i32
    %add3A_182 = vector.broadcast %add3A_181 : i32 to vector<16xi32>
    %add3A_183 = arith.addi %iota3A, %add3A_182 : vector<16xi32>
    %add3A_184 = arith.constant 16 : i32
    %add3A_185 = vector.broadcast %add3A_184 : i32 to vector<16xi32>
    %add3A_186 = arith.addi %iota3A, %add3A_185 : vector<16xi32>
    %add3A_187 = arith.constant 32 : i32
    %add3A_188 = vector.broadcast %add3A_187 : i32 to vector<16xi32>
    %add3A_189 = arith.addi %iota3A, %add3A_188 : vector<16xi32>
    %add3A_190 = arith.constant 48 : i32
    %add3A_191 = vector.broadcast %add3A_190 : i32 to vector<16xi32>
    %add3A_192 = arith.addi %iota3A, %add3A_191 : vector<16xi32>
    %add3A_193 = arith.constant 64 : i32
    %add3A_194 = vector.broadcast %add3A_193 : i32 to vector<16xi32>
    %add3A_195 = arith.addi %iota3A, %add3A_194 : vector<16xi32>
    %add3A_196 = arith.constant 80 : i32
    %add3A_197 = vector.broadcast %add3A_196 : i32 to vector<16xi32>
    %add3A_198 = arith.addi %iota3A, %add3A_197 : vector<16xi32>
    %add3A_199 = arith.constant 96 : i32
    %add3A_200 = vector.broadcast %add3A_199 : i32 to vector<16xi32>
    %add3A_201 = arith.addi %iota3A, %add3A_200 : vector<16xi32>
    %add3A_202 = arith.constant 112 : i32
    %add3A_203 = vector.broadcast %add3A_202 : i32 to vector<16xi32>
    %add3A_204 = arith.addi %iota3A, %add3A_203 : vector<16xi32>
    %scan3A_205 = arith.constant 0 : i32
    %scan3A_206 = arith.constant 0 : i32
    %scan3A_207 = arith.constant 64 : i32
    %scan3A_208 = arith.addi %scan3A_206, %scan3A_207 : i32
    %scan3A_209 = arith.constant 2 : i32
    scf.for %scan3A_402 = %scan3A_206 to %scan3A_208 step %scan3A_209  : i32 {
      %add3A_403 = vector.broadcast %scan3A_402 : i32 to vector<16xi32>
      %add3A_404 = arith.addi %add3A_403, %iota3A : vector<16xi32>
      %and3A_405 = arith.constant 63 : i32
      %and3A_406 = vector.broadcast %and3A_405 : i32 to vector<16xi32>
      %and3A_407 = arith.andi %add3A_404, %and3A_406 : vector<16xi32>
      %gather3A = arith.constant 0 : i32
      %gather3A_408 = arith.constant 0 : i32
      %gather3A_409 = arith.constant 0 : i32
      %gather3A_410 = tpu.memref_slice %arg6[%gather3A, %gather3A_408, %gather3A_409] : memref<3x128x128xf32, #tpu.memory_space<vmem>> -> memref<1x128x128xf32, #tpu.memory_space<vmem>>
      %gather3A_411 = tpu.memref_squeeze %gather3A_410 : memref<1x128x128xf32, #tpu.memory_space<vmem>> -> memref<128x128xf32, #tpu.memory_space<vmem>>
      %gather3A_412 = tpu.vector_load_idx %gather3A_411[%add3A_183, %and3A_407] : memref<128x128xf32, #tpu.memory_space<vmem>>[vector<16xi32>, vector<16xi32>], vector<16xf32>,
      %scatter3A = arith.constant 0 : i32
      %scatter3A_413 = arith.constant 0 : i32
      %scatter3A_414 = arith.constant 0 : i32
      %scatter3A_415 = tpu.memref_slice %arg7[%scatter3A, %scatter3A_413, %scatter3A_414] : memref<3x64x128xf32, #tpu.memory_space<vmem>> -> memref<1x64x128xf32, #tpu.memory_space<vmem>>
      %scatter3A_416 = tpu.memref_squeeze %scatter3A_415 : memref<1x64x128xf32, #tpu.memory_space<vmem>> -> memref<64x128xf32, #tpu.memory_space<vmem>>
      tpu.vector_store_idx %scatter3A_416[%and3A_407, %add3A_183], %gather3A_412 : memref<64x128xf32, #tpu.memory_space<vmem>>[vector<16xi32>, vector<16xi32>], vector<16xf32>,
      %gather3A_417 = arith.constant 0 : i32
      %gather3A_418 = arith.constant 0 : i32
      %gather3A_419 = arith.constant 0 : i32
      %gather3A_420 = tpu.memref_slice %arg6[%gather3A_417, %gather3A_418, %gather3A_419] : memref<3x128x128xf32, #tpu.memory_space<vmem>> -> memref<1x128x128xf32, #tpu.memory_space<vmem>>
      %gather3A_421 = tpu.memref_squeeze %gather3A_420 : memref<1x128x128xf32, #tpu.memory_space<vmem>> -> memref<128x128xf32, #tpu.memory_space<vmem>>
      %gather3A_422 = tpu.vector_load_idx %gather3A_421[%add3A_186, %and3A_407] : memref<128x128xf32, #tpu.memory_space<vmem>>[vector<16xi32>, vector<16xi32>], vector<16xf32>,
      %scatter3A_423 = arith.constant 0 : i32
      %scatter3A_424 = arith.constant 0 : i32
      %scatter3A_425 = arith.constant 0 : i32
      %scatter3A_426 = tpu.memref_slice %arg7[%scatter3A_423, %scatter3A_424, %scatter3A_425] : memref<3x64x128xf32, #tpu.memory_space<vmem>> -> memref<1x64x128xf32, #tpu.memory_space<vmem>>
      %scatter3A_427 = tpu.memref_squeeze %scatter3A_426 : memref<1x64x128xf32, #tpu.memory_space<vmem>> -> memref<64x128xf32, #tpu.memory_space<vmem>>
      tpu.vector_store_idx %scatter3A_427[%and3A_407, %add3A_186], %gather3A_422 : memref<64x128xf32, #tpu.memory_space<vmem>>[vector<16xi32>, vector<16xi32>], vector<16xf32>,
      %gather3A_428 = arith.constant 0 : i32
      %gather3A_429 = arith.constant 0 : i32
      %gather3A_430 = arith.constant 0 : i32
      %gather3A_431 = tpu.memref_slice %arg6[%gather3A_428, %gather3A_429, %gather3A_430] : memref<3x128x128xf32, #tpu.memory_space<vmem>> -> memref<1x128x128xf32, #tpu.memory_space<vmem>>
      %gather3A_432 = tpu.memref_squeeze %gather3A_431 : memref<1x128x128xf32, #tpu.memory_space<vmem>> -> memref<128x128xf32, #tpu.memory_space<vmem>>
      %gather3A_433 = tpu.vector_load_idx %gather3A_432[%add3A_189, %and3A_407] : memref<128x128xf32, #tpu.memory_space<vmem>>[vector<16xi32>, vector<16xi32>], vector<16xf32>,
      %scatter3A_434 = arith.constant 0 : i32
      %scatter3A_435 = arith.constant 0 : i32
      %scatter3A_436 = arith.constant 0 : i32
      %scatter3A_437 = tpu.memref_slice %arg7[%scatter3A_434, %scatter3A_435, %scatter3A_436] : memref<3x64x128xf32, #tpu.memory_space<vmem>> -> memref<1x64x128xf32, #tpu.memory_space<vmem>>
      %scatter3A_438 = tpu.memref_squeeze %scatter3A_437 : memref<1x64x128xf32, #tpu.memory_space<vmem>> -> memref<64x128xf32, #tpu.memory_space<vmem>>
      tpu.vector_store_idx %scatter3A_438[%and3A_407, %add3A_189], %gather3A_433 : memref<64x128xf32, #tpu.memory_space<vmem>>[vector<16xi32>, vector<16xi32>], vector<16xf32>,
      %gather3A_439 = arith.constant 0 : i32
      %gather3A_440 = arith.constant 0 : i32
      %gather3A_441 = arith.constant 0 : i32
      %gather3A_442 = tpu.memref_slice %arg6[%gather3A_439, %gather3A_440, %gather3A_441] : memref<3x128x128xf32, #tpu.memory_space<vmem>> -> memref<1x128x128xf32, #tpu.memory_space<vmem>>
      %gather3A_443 = tpu.memref_squeeze %gather3A_442 : memref<1x128x128xf32, #tpu.memory_space<vmem>> -> memref<128x128xf32, #tpu.memory_space<vmem>>
      %gather3A_444 = tpu.vector_load_idx %gather3A_443[%add3A_192, %and3A_407] : memref<128x128xf32, #tpu.memory_space<vmem>>[vector<16xi32>, vector<16xi32>], vector<16xf32>,
      %scatter3A_445 = arith.constant 0 : i32
      %scatter3A_446 = arith.constant 0 : i32
      %scatter3A_447 = arith.constant 0 : i32
      %scatter3A_448 = tpu.memref_slice %arg7[%scatter3A_445, %scatter3A_446, %scatter3A_447] : memref<3x64x128xf32, #tpu.memory_space<vmem>> -> memref<1x64x128xf32, #tpu.memory_space<vmem>>
      %scatter3A_449 = tpu.memref_squeeze %scatter3A_448 : memref<1x64x128xf32, #tpu.memory_space<vmem>> -> memref<64x128xf32, #tpu.memory_space<vmem>>
      tpu.vector_store_idx %scatter3A_449[%and3A_407, %add3A_192], %gather3A_444 : memref<64x128xf32, #tpu.memory_space<vmem>>[vector<16xi32>, vector<16xi32>], vector<16xf32>,
      %gather3A_450 = arith.constant 0 : i32
      %gather3A_451 = arith.constant 0 : i32
      %gather3A_452 = arith.constant 0 : i32
      %gather3A_453 = tpu.memref_slice %arg6[%gather3A_450, %gather3A_451, %gather3A_452] : memref<3x128x128xf32, #tpu.memory_space<vmem>> -> memref<1x128x128xf32, #tpu.memory_space<vmem>>
      %gather3A_454 = tpu.memref_squeeze %gather3A_453 : memref<1x128x128xf32, #tpu.memory_space<vmem>> -> memref<128x128xf32, #tpu.memory_space<vmem>>
      %gather3A_455 = tpu.vector_load_idx %gather3A_454[%add3A_195, %and3A_407] : memref<128x128xf32, #tpu.memory_space<vmem>>[vector<16xi32>, vector<16xi32>], vector<16xf32>,
      %scatter3A_456 = arith.constant 0 : i32
      %scatter3A_457 = arith.constant 0 : i32
      %scatter3A_458 = arith.constant 0 : i32
      %scatter3A_459 = tpu.memref_slice %arg7[%scatter3A_456, %scatter3A_457, %scatter3A_458] : memref<3x64x128xf32, #tpu.memory_space<vmem>> -> memref<1x64x128xf32, #tpu.memory_space<vmem>>
      %scatter3A_460 = tpu.memref_squeeze %scatter3A_459 : memref<1x64x128xf32, #tpu.memory_space<vmem>> -> memref<64x128xf32, #tpu.memory_space<vmem>>
      tpu.vector_store_idx %scatter3A_460[%and3A_407, %add3A_195], %gather3A_455 : memref<64x128xf32, #tpu.memory_space<vmem>>[vector<16xi32>, vector<16xi32>], vector<16xf32>,
      %gather3A_461 = arith.constant 0 : i32
      %gather3A_462 = arith.constant 0 : i32
      %gather3A_463 = arith.constant 0 : i32
      %gather3A_464 = tpu.memref_slice %arg6[%gather3A_461, %gather3A_462, %gather3A_463] : memref<3x128x128xf32, #tpu.memory_space<vmem>> -> memref<1x128x128xf32, #tpu.memory_space<vmem>>
      %gather3A_465 = tpu.memref_squeeze %gather3A_464 : memref<1x128x128xf32, #tpu.memory_space<vmem>> -> memref<128x128xf32, #tpu.memory_space<vmem>>
      %gather3A_466 = tpu.vector_load_idx %gather3A_465[%add3A_198, %and3A_407] : memref<128x128xf32, #tpu.memory_space<vmem>>[vector<16xi32>, vector<16xi32>], vector<16xf32>,
      %scatter3A_467 = arith.constant 0 : i32
      %scatter3A_468 = arith.constant 0 : i32
      %scatter3A_469 = arith.constant 0 : i32
      %scatter3A_470 = tpu.memref_slice %arg7[%scatter3A_467, %scatter3A_468, %scatter3A_469] : memref<3x64x128xf32, #tpu.memory_space<vmem>> -> memref<1x64x128xf32, #tpu.memory_space<vmem>>
      %scatter3A_471 = tpu.memref_squeeze %scatter3A_470 : memref<1x64x128xf32, #tpu.memory_space<vmem>> -> memref<64x128xf32, #tpu.memory_space<vmem>>
      tpu.vector_store_idx %scatter3A_471[%and3A_407, %add3A_198], %gather3A_466 : memref<64x128xf32, #tpu.memory_space<vmem>>[vector<16xi32>, vector<16xi32>], vector<16xf32>,
      %gather3A_472 = arith.constant 0 : i32
      %gather3A_473 = arith.constant 0 : i32
      %gather3A_474 = arith.constant 0 : i32
      %gather3A_475 = tpu.memref_slice %arg6[%gather3A_472, %gather3A_473, %gather3A_474] : memref<3x128x128xf32, #tpu.memory_space<vmem>> -> memref<1x128x128xf32, #tpu.memory_space<vmem>>
      %gather3A_476 = tpu.memref_squeeze %gather3A_475 : memref<1x128x128xf32, #tpu.memory_space<vmem>> -> memref<128x128xf32, #tpu.memory_space<vmem>>
      %gather3A_477 = tpu.vector_load_idx %gather3A_476[%add3A_201, %and3A_407] : memref<128x128xf32, #tpu.memory_space<vmem>>[vector<16xi32>, vector<16xi32>], vector<16xf32>,
      %scatter3A_478 = arith.constant 0 : i32
      %scatter3A_479 = arith.constant 0 : i32
      %scatter3A_480 = arith.constant 0 : i32
      %scatter3A_481 = tpu.memref_slice %arg7[%scatter3A_478, %scatter3A_479, %scatter3A_480] : memref<3x64x128xf32, #tpu.memory_space<vmem>> -> memref<1x64x128xf32, #tpu.memory_space<vmem>>
      %scatter3A_482 = tpu.memref_squeeze %scatter3A_481 : memref<1x64x128xf32, #tpu.memory_space<vmem>> -> memref<64x128xf32, #tpu.memory_space<vmem>>
      tpu.vector_store_idx %scatter3A_482[%and3A_407, %add3A_201], %gather3A_477 : memref<64x128xf32, #tpu.memory_space<vmem>>[vector<16xi32>, vector<16xi32>], vector<16xf32>,
      %gather3A_483 = arith.constant 0 : i32
      %gather3A_484 = arith.constant 0 : i32
      %gather3A_485 = arith.constant 0 : i32
      %gather3A_486 = tpu.memref_slice %arg6[%gather3A_483, %gather3A_484, %gather3A_485] : memref<3x128x128xf32, #tpu.memory_space<vmem>> -> memref<1x128x128xf32, #tpu.memory_space<vmem>>
      %gather3A_487 = tpu.memref_squeeze %gather3A_486 : memref<1x128x128xf32, #tpu.memory_space<vmem>> -> memref<128x128xf32, #tpu.memory_space<vmem>>
      %gather3A_488 = tpu.vector_load_idx %gather3A_487[%add3A_204, %and3A_407] : memref<128x128xf32, #tpu.memory_space<vmem>>[vector<16xi32>, vector<16xi32>], vector<16xf32>,
      %scatter3A_489 = arith.constant 0 : i32
      %scatter3A_490 = arith.constant 0 : i32
      %scatter3A_491 = arith.constant 0 : i32
      %scatter3A_492 = tpu.memref_slice %arg7[%scatter3A_489, %scatter3A_490, %scatter3A_491] : memref<3x64x128xf32, #tpu.memory_space<vmem>> -> memref<1x64x128xf32, #tpu.memory_space<vmem>>
      %scatter3A_493 = tpu.memref_squeeze %scatter3A_492 : memref<1x64x128xf32, #tpu.memory_space<vmem>> -> memref<64x128xf32, #tpu.memory_space<vmem>>
      tpu.vector_store_idx %scatter3A_493[%and3A_407, %add3A_204], %gather3A_488 : memref<64x128xf32, #tpu.memory_space<vmem>>[vector<16xi32>, vector<16xi32>], vector<16xf32>,
      %scan3A_494 = arith.constant 1 : i32
      %scan3A_495 = arith.addi %scan3A_402, %scan3A_494 : i32
      %add3A_496 = vector.broadcast %scan3A_495 : i32 to vector<16xi32>
      %add3A_497 = arith.addi %add3A_496, %iota3A : vector<16xi32>
      %and3A_498 = arith.constant 63 : i32
      %and3A_499 = vector.broadcast %and3A_498 : i32 to vector<16xi32>
      %and3A_500 = arith.andi %add3A_497, %and3A_499 : vector<16xi32>
      %gather3A_501 = arith.constant 0 : i32
      %gather3A_502 = arith.constant 0 : i32
      %gather3A_503 = arith.constant 0 : i32
      %gather3A_504 = tpu.memref_slice %arg6[%gather3A_501, %gather3A_502, %gather3A_503] : memref<3x128x128xf32, #tpu.memory_space<vmem>> -> memref<1x128x128xf32, #tpu.memory_space<vmem>>
      %gather3A_505 = tpu.memref_squeeze %gather3A_504 : memref<1x128x128xf32, #tpu.memory_space<vmem>> -> memref<128x128xf32, #tpu.memory_space<vmem>>
      %gather3A_506 = tpu.vector_load_idx %gather3A_505[%add3A_183, %and3A_500] : memref<128x128xf32, #tpu.memory_space<vmem>>[vector<16xi32>, vector<16xi32>], vector<16xf32>,
      %scatter3A_507 = arith.constant 0 : i32
      %scatter3A_508 = arith.constant 0 : i32
      %scatter3A_509 = arith.constant 0 : i32
      %scatter3A_510 = tpu.memref_slice %arg7[%scatter3A_507, %scatter3A_508, %scatter3A_509] : memref<3x64x128xf32, #tpu.memory_space<vmem>> -> memref<1x64x128xf32, #tpu.memory_space<vmem>>
      %scatter3A_511 = tpu.memref_squeeze %scatter3A_510 : memref<1x64x128xf32, #tpu.memory_space<vmem>> -> memref<64x128xf32, #tpu.memory_space<vmem>>
      tpu.vector_store_idx %scatter3A_511[%and3A_500, %add3A_183], %gather3A_506 : memref<64x128xf32, #tpu.memory_space<vmem>>[vector<16xi32>, vector<16xi32>], vector<16xf32>,
      %gather3A_512 = arith.constant 0 : i32
      %gather3A_513 = arith.constant 0 : i32
      %gather3A_514 = arith.constant 0 : i32
      %gather3A_515 = tpu.memref_slice %arg6[%gather3A_512, %gather3A_513, %gather3A_514] : memref<3x128x128xf32, #tpu.memory_space<vmem>> -> memref<1x128x128xf32, #tpu.memory_space<vmem>>
      %gather3A_516 = tpu.memref_squeeze %gather3A_515 : memref<1x128x128xf32, #tpu.memory_space<vmem>> -> memref<128x128xf32, #tpu.memory_space<vmem>>
      %gather3A_517 = tpu.vector_load_idx %gather3A_516[%add3A_186, %and3A_500] : memref<128x128xf32, #tpu.memory_space<vmem>>[vector<16xi32>, vector<16xi32>], vector<16xf32>,
      %scatter3A_518 = arith.constant 0 : i32
      %scatter3A_519 = arith.constant 0 : i32
      %scatter3A_520 = arith.constant 0 : i32
      %scatter3A_521 = tpu.memref_slice %arg7[%scatter3A_518, %scatter3A_519, %scatter3A_520] : memref<3x64x128xf32, #tpu.memory_space<vmem>> -> memref<1x64x128xf32, #tpu.memory_space<vmem>>
      %scatter3A_522 = tpu.memref_squeeze %scatter3A_521 : memref<1x64x128xf32, #tpu.memory_space<vmem>> -> memref<64x128xf32, #tpu.memory_space<vmem>>
      tpu.vector_store_idx %scatter3A_522[%and3A_500, %add3A_186], %gather3A_517 : memref<64x128xf32, #tpu.memory_space<vmem>>[vector<16xi32>, vector<16xi32>], vector<16xf32>,
      %gather3A_523 = arith.constant 0 : i32
      %gather3A_524 = arith.constant 0 : i32
      %gather3A_525 = arith.constant 0 : i32
      %gather3A_526 = tpu.memref_slice %arg6[%gather3A_523, %gather3A_524, %gather3A_525] : memref<3x128x128xf32, #tpu.memory_space<vmem>> -> memref<1x128x128xf32, #tpu.memory_space<vmem>>
      %gather3A_527 = tpu.memref_squeeze %gather3A_526 : memref<1x128x128xf32, #tpu.memory_space<vmem>> -> memref<128x128xf32, #tpu.memory_space<vmem>>
      %gather3A_528 = tpu.vector_load_idx %gather3A_527[%add3A_189, %and3A_500] : memref<128x128xf32, #tpu.memory_space<vmem>>[vector<16xi32>, vector<16xi32>], vector<16xf32>,
      %scatter3A_529 = arith.constant 0 : i32
      %scatter3A_530 = arith.constant 0 : i32
      %scatter3A_531 = arith.constant 0 : i32
      %scatter3A_532 = tpu.memref_slice %arg7[%scatter3A_529, %scatter3A_530, %scatter3A_531] : memref<3x64x128xf32, #tpu.memory_space<vmem>> -> memref<1x64x128xf32, #tpu.memory_space<vmem>>
      %scatter3A_533 = tpu.memref_squeeze %scatter3A_532 : memref<1x64x128xf32, #tpu.memory_space<vmem>> -> memref<64x128xf32, #tpu.memory_space<vmem>>
      tpu.vector_store_idx %scatter3A_533[%and3A_500, %add3A_189], %gather3A_528 : memref<64x128xf32, #tpu.memory_space<vmem>>[vector<16xi32>, vector<16xi32>], vector<16xf32>,
      %gather3A_534 = arith.constant 0 : i32
      %gather3A_535 = arith.constant 0 : i32
      %gather3A_536 = arith.constant 0 : i32
      %gather3A_537 = tpu.memref_slice %arg6[%gather3A_534, %gather3A_535, %gather3A_536] : memref<3x128x128xf32, #tpu.memory_space<vmem>> -> memref<1x128x128xf32, #tpu.memory_space<vmem>>
      %gather3A_538 = tpu.memref_squeeze %gather3A_537 : memref<1x128x128xf32, #tpu.memory_space<vmem>> -> memref<128x128xf32, #tpu.memory_space<vmem>>
      %gather3A_539 = tpu.vector_load_idx %gather3A_538[%add3A_192, %and3A_500] : memref<128x128xf32, #tpu.memory_space<vmem>>[vector<16xi32>, vector<16xi32>], vector<16xf32>,
      %scatter3A_540 = arith.constant 0 : i32
      %scatter3A_541 = arith.constant 0 : i32
      %scatter3A_542 = arith.constant 0 : i32
      %scatter3A_543 = tpu.memref_slice %arg7[%scatter3A_540, %scatter3A_541, %scatter3A_542] : memref<3x64x128xf32, #tpu.memory_space<vmem>> -> memref<1x64x128xf32, #tpu.memory_space<vmem>>
      %scatter3A_544 = tpu.memref_squeeze %scatter3A_543 : memref<1x64x128xf32, #tpu.memory_space<vmem>> -> memref<64x128xf32, #tpu.memory_space<vmem>>
      tpu.vector_store_idx %scatter3A_544[%and3A_500, %add3A_192], %gather3A_539 : memref<64x128xf32, #tpu.memory_space<vmem>>[vector<16xi32>, vector<16xi32>], vector<16xf32>,
      %gather3A_545 = arith.constant 0 : i32
      %gather3A_546 = arith.constant 0 : i32
      %gather3A_547 = arith.constant 0 : i32
      %gather3A_548 = tpu.memref_slice %arg6[%gather3A_545, %gather3A_546, %gather3A_547] : memref<3x128x128xf32, #tpu.memory_space<vmem>> -> memref<1x128x128xf32, #tpu.memory_space<vmem>>
      %gather3A_549 = tpu.memref_squeeze %gather3A_548 : memref<1x128x128xf32, #tpu.memory_space<vmem>> -> memref<128x128xf32, #tpu.memory_space<vmem>>
      %gather3A_550 = tpu.vector_load_idx %gather3A_549[%add3A_195, %and3A_500] : memref<128x128xf32, #tpu.memory_space<vmem>>[vector<16xi32>, vector<16xi32>], vector<16xf32>,
      %scatter3A_551 = arith.constant 0 : i32
      %scatter3A_552 = arith.constant 0 : i32
      %scatter3A_553 = arith.constant 0 : i32
      %scatter3A_554 = tpu.memref_slice %arg7[%scatter3A_551, %scatter3A_552, %scatter3A_553] : memref<3x64x128xf32, #tpu.memory_space<vmem>> -> memref<1x64x128xf32, #tpu.memory_space<vmem>>
      %scatter3A_555 = tpu.memref_squeeze %scatter3A_554 : memref<1x64x128xf32, #tpu.memory_space<vmem>> -> memref<64x128xf32, #tpu.memory_space<vmem>>
      tpu.vector_store_idx %scatter3A_555[%and3A_500, %add3A_195], %gather3A_550 : memref<64x128xf32, #tpu.memory_space<vmem>>[vector<16xi32>, vector<16xi32>], vector<16xf32>,
      %gather3A_556 = arith.constant 0 : i32
      %gather3A_557 = arith.constant 0 : i32
      %gather3A_558 = arith.constant 0 : i32
      %gather3A_559 = tpu.memref_slice %arg6[%gather3A_556, %gather3A_557, %gather3A_558] : memref<3x128x128xf32, #tpu.memory_space<vmem>> -> memref<1x128x128xf32, #tpu.memory_space<vmem>>
      %gather3A_560 = tpu.memref_squeeze %gather3A_559 : memref<1x128x128xf32, #tpu.memory_space<vmem>> -> memref<128x128xf32, #tpu.memory_space<vmem>>
      %gather3A_561 = tpu.vector_load_idx %gather3A_560[%add3A_198, %and3A_500] : memref<128x128xf32, #tpu.memory_space<vmem>>[vector<16xi32>, vector<16xi32>], vector<16xf32>,
      %scatter3A_562 = arith.constant 0 : i32
      %scatter3A_563 = arith.constant 0 : i32
      %scatter3A_564 = arith.constant 0 : i32
      %scatter3A_565 = tpu.memref_slice %arg7[%scatter3A_562, %scatter3A_563, %scatter3A_564] : memref<3x64x128xf32, #tpu.memory_space<vmem>> -> memref<1x64x128xf32, #tpu.memory_space<vmem>>
      %scatter3A_566 = tpu.memref_squeeze %scatter3A_565 : memref<1x64x128xf32, #tpu.memory_space<vmem>> -> memref<64x128xf32, #tpu.memory_space<vmem>>
      tpu.vector_store_idx %scatter3A_566[%and3A_500, %add3A_198], %gather3A_561 : memref<64x128xf32, #tpu.memory_space<vmem>>[vector<16xi32>, vector<16xi32>], vector<16xf32>,
      %gather3A_567 = arith.constant 0 : i32
      %gather3A_568 = arith.constant 0 : i32
      %gather3A_569 = arith.constant 0 : i32
      %gather3A_570 = tpu.memref_slice %arg6[%gather3A_567, %gather3A_568, %gather3A_569] : memref<3x128x128xf32, #tpu.memory_space<vmem>> -> memref<1x128x128xf32, #tpu.memory_space<vmem>>
      %gather3A_571 = tpu.memref_squeeze %gather3A_570 : memref<1x128x128xf32, #tpu.memory_space<vmem>> -> memref<128x128xf32, #tpu.memory_space<vmem>>
      %gather3A_572 = tpu.vector_load_idx %gather3A_571[%add3A_201, %and3A_500] : memref<128x128xf32, #tpu.memory_space<vmem>>[vector<16xi32>, vector<16xi32>], vector<16xf32>,
      %scatter3A_573 = arith.constant 0 : i32
      %scatter3A_574 = arith.constant 0 : i32
      %scatter3A_575 = arith.constant 0 : i32
      %scatter3A_576 = tpu.memref_slice %arg7[%scatter3A_573, %scatter3A_574, %scatter3A_575] : memref<3x64x128xf32, #tpu.memory_space<vmem>> -> memref<1x64x128xf32, #tpu.memory_space<vmem>>
      %scatter3A_577 = tpu.memref_squeeze %scatter3A_576 : memref<1x64x128xf32, #tpu.memory_space<vmem>> -> memref<64x128xf32, #tpu.memory_space<vmem>>
      tpu.vector_store_idx %scatter3A_577[%and3A_500, %add3A_201], %gather3A_572 : memref<64x128xf32, #tpu.memory_space<vmem>>[vector<16xi32>, vector<16xi32>], vector<16xf32>,
      %gather3A_578 = arith.constant 0 : i32
      %gather3A_579 = arith.constant 0 : i32
      %gather3A_580 = arith.constant 0 : i32
      %gather3A_581 = tpu.memref_slice %arg6[%gather3A_578, %gather3A_579, %gather3A_580] : memref<3x128x128xf32, #tpu.memory_space<vmem>> -> memref<1x128x128xf32, #tpu.memory_space<vmem>>
      %gather3A_582 = tpu.memref_squeeze %gather3A_581 : memref<1x128x128xf32, #tpu.memory_space<vmem>> -> memref<128x128xf32, #tpu.memory_space<vmem>>
      %gather3A_583 = tpu.vector_load_idx %gather3A_582[%add3A_204, %and3A_500] : memref<128x128xf32, #tpu.memory_space<vmem>>[vector<16xi32>, vector<16xi32>], vector<16xf32>,
      %scatter3A_584 = arith.constant 0 : i32
      %scatter3A_585 = arith.constant 0 : i32
      %scatter3A_586 = arith.constant 0 : i32
      %scatter3A_587 = tpu.memref_slice %arg7[%scatter3A_584, %scatter3A_585, %scatter3A_586] : memref<3x64x128xf32, #tpu.memory_space<vmem>> -> memref<1x64x128xf32, #tpu.memory_space<vmem>>
      %scatter3A_588 = tpu.memref_squeeze %scatter3A_587 : memref<1x64x128xf32, #tpu.memory_space<vmem>> -> memref<64x128xf32, #tpu.memory_space<vmem>>
      tpu.vector_store_idx %scatter3A_588[%and3A_500, %add3A_204], %gather3A_583 : memref<64x128xf32, #tpu.memory_space<vmem>>[vector<16xi32>, vector<16xi32>], vector<16xf32>,
    }
    %scan3A_210 = arith.constant 64 : i32
    %mul3A_211 = arith.constant 128 : i32
    %mul3A_212 = arith.muli %select_n3A_151, %mul3A_211 : i32
    %dma_start3A_213 = arith.constant 0 : i32
    %dma_start3A_214 = arith.constant 0 : i32
    %dma_start3A_215 = arith.constant 0 : i32
    %dma_start3A_216 = tpu.memref_slice %arg7[%dma_start3A_213, %dma_start3A_214, %dma_start3A_215] : memref<3x64x128xf32, #tpu.memory_space<vmem>> -> memref<1x64x128xf32, #tpu.memory_space<vmem>>
    %dma_start3A_217 = tpu.memref_squeeze %dma_start3A_216 : memref<1x64x128xf32, #tpu.memory_space<vmem>> -> memref<64x128xf32, #tpu.memory_space<vmem>>
    %dma_start3A_218 = arith.constant 0 : i32
    %dma_start3A_219 = tpu.memref_slice %arg4[%select_n3A_135, %dma_start3A_218, %mul3A_212] : memref<50x64x4096xf32, #tpu.memory_space<hbm>> -> memref<1x64x128xf32, #tpu.memory_space<hbm>>
    %dma_start3A_220 = tpu.memref_squeeze %dma_start3A_219 : memref<1x64x128xf32, #tpu.memory_space<hbm>> -> memref<64x128xf32, #tpu.memory_space<hbm>>
    %dma_start3A_221 = arith.constant 0 : i32
    %dma_start3A_222 = tpu.memref_slice %arg4[%select_n3A_135, %dma_start3A_221, %mul3A_212] : memref<50x64x4096xf32, #tpu.memory_space<hbm>> -> memref<1x64x128xf32, #tpu.memory_space<hbm>>
    %dma_start3A_223 = tpu.memref_squeeze %dma_start3A_222 : memref<1x64x128xf32, #tpu.memory_space<hbm>> -> memref<64x128xf32, #tpu.memory_space<hbm>>
    %dma_start3A_224 = arith.constant 0 : i32
    %dma_start3A_225 = arith.constant 0 : i32
    %dma_start3A_226 = tpu.memref_slice %arg7[%dma_start3A_213, %dma_start3A_224, %dma_start3A_225] : memref<3x64x128xf32, #tpu.memory_space<vmem>> -> memref<1x64x128xf32, #tpu.memory_space<vmem>>
    %dma_start3A_227 = tpu.memref_squeeze %dma_start3A_226 : memref<1x64x128xf32, #tpu.memory_space<vmem>> -> memref<64x128xf32, #tpu.memory_space<vmem>>
    tpu.enqueue_dma source(%dma_start3A_227 : memref<64x128xf32, #tpu.memory_space<vmem>>) target(%dma_start3A_223 : memref<64x128xf32, #tpu.memory_space<hbm>>) target_semaphore(%arg11 : memref<!tpu.dma_semaphore, #tpu.memory_space<semaphore_mem>>)
    %add3A_228 = arith.constant 49 : i32
    %add3A_229 = arith.addi %mul3A_2, %add3A_228 : i32
    %jit3A_230 = arith.constant 32 : i32
    %div3A_231 = arith.divsi %add3A_229, %jit3A_230 : i32
    %sign3A_232 = arith.constant 0 : i32
    %sign3A_233 = arith.cmpi sgt, %add3A_229, %sign3A_232 : i32
    %sign3A_234 = arith.extui %sign3A_233 : i1 to i32
    %sign3A_235 = arith.constant 0 : i32
    %sign3A_236 = arith.cmpi slt, %add3A_229, %sign3A_235 : i32
    %sign3A_237 = arith.extui %sign3A_236 : i1 to i32
    %sign3A_238 = arith.subi %sign3A_234, %sign3A_237 : i32
    %sign3A_239 = arith.constant 0 : i32
    %sign3A_240 = arith.cmpi sgt, %jit3A_230, %sign3A_239 : i32
    %sign3A_241 = arith.extui %sign3A_240 : i1 to i32
    %sign3A_242 = arith.constant 0 : i32
    %sign3A_243 = arith.cmpi slt, %jit3A_230, %sign3A_242 : i32
    %sign3A_244 = arith.extui %sign3A_243 : i1 to i32
    %sign3A_245 = arith.subi %sign3A_241, %sign3A_244 : i32
    %ne3A_246 = arith.cmpi ne, %sign3A_238, %sign3A_245 : i32
    %rem3A_247 = arith.remsi %add3A_229, %jit3A_230 : i32
    %ne3A_248 = arith.constant 0 : i32
    %ne3A_249 = arith.cmpi ne, %rem3A_247, %ne3A_248 : i32
    %and3A_250 = arith.andi %ne3A_246, %ne3A_249 : i1
    %sub3A_251 = arith.constant 1 : i32
    %sub3A_252 = arith.subi %div3A_231, %sub3A_251 : i32
    %select_n3A_253 = arith.select %and3A_250, %sub3A_252, %div3A_231 : i32
    %jit3A_254 = arith.constant 32 : i32
    %eq3A_255 = arith.constant 0 : i32
    %eq3A_256 = arith.cmpi eq, %jit3A_254, %eq3A_255 : i32
    %jit3A_257 = arith.constant 1 : i32
    %select_n3A_258 = arith.select %eq3A_256, %jit3A_257, %jit3A_254 : i32
    %rem3A_259 = arith.remsi %add3A_229, %select_n3A_258 : i32
    %ne3A_260 = arith.constant 0 : i32
    %ne3A_261 = arith.cmpi ne, %rem3A_259, %ne3A_260 : i32
    %lt3A_262 = arith.constant 0 : i32
    %lt3A_263 = arith.cmpi slt, %rem3A_259, %lt3A_262 : i32
    %lt3A_264 = arith.constant 0 : i32
    %lt3A_265 = arith.cmpi slt, %select_n3A_258, %lt3A_264 : i32
    %ne3A_266 = arith.xori %lt3A_263, %lt3A_265 : i1
    %and3A_267 = arith.andi %ne3A_266, %ne3A_261 : i1
    %add3A_268 = arith.addi %rem3A_259, %select_n3A_258 : i32
    %select_n3A_269 = arith.select %and3A_267, %add3A_268, %rem3A_259 : i32
    %dma_wait3A_270 = arith.constant 1 : i32
    %dma_wait3A_271 = arith.constant 1 : i32
    %dma_wait3A_272 = arith.constant 0 : i32
    %dma_wait3A_273 = arith.constant 0 : i32
    %dma_wait3A_274 = tpu.memref_slice %arg6[%dma_wait3A_271, %dma_wait3A_272, %dma_wait3A_273] : memref<3x128x128xf32, #tpu.memory_space<vmem>> -> memref<1x128x128xf32, #tpu.memory_space<vmem>>
    %dma_wait3A_275 = tpu.memref_squeeze %dma_wait3A_274 : memref<1x128x128xf32, #tpu.memory_space<vmem>> -> memref<128x128xf32, #tpu.memory_space<vmem>>
    %dma_wait3A_276 = arith.constant 0 : i32
    %dma_wait3A_277 = tpu.memref_slice %arg5[%dma_wait3A_270, %dma_wait3A_276] : memref<3x128xi32, #tpu.memory_space<vmem>> -> memref<1x128xi32, #tpu.memory_space<vmem>>
    %dma_wait3A_278 = tpu.memref_squeeze %dma_wait3A_277 : memref<1x128xi32, #tpu.memory_space<vmem>> -> memref<128xi32, #tpu.memory_space<vmem>>
    %dma_wait3A_279 = arith.constant 0 : i32
    %dma_wait3A_280 = arith.constant 0 : i32
    %dma_wait3A_281 = tpu.memref_slice %arg3[%dma_wait3A_279, %dma_wait3A_280] : memref<1000000x128xf32, #tpu.memory_space<hbm>> -> memref<1000000x128xf32, #tpu.memory_space<hbm>>
    tpu.wait_indirect_dma semaphore(%arg9 : memref<!tpu.dma_semaphore, #tpu.memory_space<semaphore_mem>>) src(%dma_wait3A_281 : memref<1000000x128xf32, #tpu.memory_space<hbm>>) dst(%dma_wait3A_275 : memref<128x128xf32, #tpu.memory_space<vmem>>)
    %dma_wait3A_282 = arith.constant 0 : i32
    %dma_wait3A_283 = arith.constant 1 : i32
    %dma_wait3A_284 = arith.constant 0 : i32
    %dma_wait3A_285 = arith.constant 0 : i32
    %dma_wait3A_286 = tpu.memref_slice %arg7[%dma_wait3A_283, %dma_wait3A_284, %dma_wait3A_285] : memref<3x64x128xf32, #tpu.memory_space<vmem>> -> memref<1x64x128xf32, #tpu.memory_space<vmem>>
    %dma_wait3A_287 = tpu.memref_squeeze %dma_wait3A_286 : memref<1x64x128xf32, #tpu.memory_space<vmem>> -> memref<64x128xf32, #tpu.memory_space<vmem>>
    %dma_wait3A_288 = arith.constant 0 : i32
    %dma_wait3A_289 = arith.constant 0 : i32
    %dma_wait3A_290 = tpu.memref_slice %arg4[%dma_wait3A_282, %dma_wait3A_288, %dma_wait3A_289] : memref<50x64x4096xf32, #tpu.memory_space<hbm>> -> memref<1x64x128xf32, #tpu.memory_space<hbm>>
    %dma_wait3A_291 = tpu.memref_squeeze %dma_wait3A_290 : memref<1x64x128xf32, #tpu.memory_space<hbm>> -> memref<64x128xf32, #tpu.memory_space<hbm>>
    %dma_wait3A_292 = arith.constant 0 : i32
    %dma_wait3A_293 = arith.constant 0 : i32
    %dma_wait3A_294 = tpu.memref_slice %arg7[%dma_wait3A_283, %dma_wait3A_292, %dma_wait3A_293] : memref<3x64x128xf32, #tpu.memory_space<vmem>> -> memref<1x64x128xf32, #tpu.memory_space<vmem>>
    %dma_wait3A_295 = tpu.memref_squeeze %dma_wait3A_294 : memref<1x64x128xf32, #tpu.memory_space<vmem>> -> memref<64x128xf32, #tpu.memory_space<vmem>>
    %dma_wait3A_296 = arith.constant 0 : i32
    %dma_wait3A_297 = arith.constant 0 : i32
    %dma_wait3A_298 = tpu.memref_slice %arg4[%dma_wait3A_282, %dma_wait3A_296, %dma_wait3A_297] : memref<50x64x4096xf32, #tpu.memory_space<hbm>> -> memref<1x64x128xf32, #tpu.memory_space<hbm>>
    %dma_wait3A_299 = tpu.memref_squeeze %dma_wait3A_298 : memref<1x64x128xf32, #tpu.memory_space<hbm>> -> memref<64x128xf32, #tpu.memory_space<hbm>>
    tpu.wait_dma2 semaphore(%arg12 : memref<!tpu.dma_semaphore, #tpu.memory_space<semaphore_mem>>) src(%dma_wait3A_299 : memref<64x128xf32, #tpu.memory_space<hbm>>) dst(%dma_wait3A_295 : memref<64x128xf32, #tpu.memory_space<vmem>>)
    %iota3A_300 = tpu.iota {dimensions = array<i32: 0>} : vector<16xi32>
    %add3A_301 = arith.constant 0 : i32
    %add3A_302 = vector.broadcast %add3A_301 : i32 to vector<16xi32>
    %add3A_303 = arith.addi %iota3A_300, %add3A_302 : vector<16xi32>
    %add3A_304 = arith.constant 16 : i32
    %add3A_305 = vector.broadcast %add3A_304 : i32 to vector<16xi32>
    %add3A_306 = arith.addi %iota3A_300, %add3A_305 : vector<16xi32>
    %add3A_307 = arith.constant 32 : i32
    %add3A_308 = vector.broadcast %add3A_307 : i32 to vector<16xi32>
    %add3A_309 = arith.addi %iota3A_300, %add3A_308 : vector<16xi32>
    %add3A_310 = arith.constant 48 : i32
    %add3A_311 = vector.broadcast %add3A_310 : i32 to vector<16xi32>
    %add3A_312 = arith.addi %iota3A_300, %add3A_311 : vector<16xi32>
    %add3A_313 = arith.constant 64 : i32
    %add3A_314 = vector.broadcast %add3A_313 : i32 to vector<16xi32>
    %add3A_315 = arith.addi %iota3A_300, %add3A_314 : vector<16xi32>
    %add3A_316 = arith.constant 80 : i32
    %add3A_317 = vector.broadcast %add3A_316 : i32 to vector<16xi32>
    %add3A_318 = arith.addi %iota3A_300, %add3A_317 : vector<16xi32>
    %add3A_319 = arith.constant 96 : i32
    %add3A_320 = vector.broadcast %add3A_319 : i32 to vector<16xi32>
    %add3A_321 = arith.addi %iota3A_300, %add3A_320 : vector<16xi32>
    %add3A_322 = arith.constant 112 : i32
    %add3A_323 = vector.broadcast %add3A_322 : i32 to vector<16xi32>
    %add3A_324 = arith.addi %iota3A_300, %add3A_323 : vector<16xi32>
    %scan3A_325 = arith.constant 0 : i32
    %scan3A_326 = arith.constant 0 : i32
    %scan3A_327 = arith.constant 64 : i32
    %scan3A_328 = arith.addi %scan3A_326, %scan3A_327 : i32
    %scan3A_329 = arith.constant 2 : i32
    scf.for %scan3A_402 = %scan3A_326 to %scan3A_328 step %scan3A_329  : i32 {
      %add3A_403 = vector.broadcast %scan3A_402 : i32 to vector<16xi32>
      %add3A_404 = arith.addi %add3A_403, %iota3A_300 : vector<16xi32>
      %and3A_405 = arith.constant 63 : i32
      %and3A_406 = vector.broadcast %and3A_405 : i32 to vector<16xi32>
      %and3A_407 = arith.andi %add3A_404, %and3A_406 : vector<16xi32>
      %gather3A = arith.constant 1 : i32
      %gather3A_408 = arith.constant 0 : i32
      %gather3A_409 = arith.constant 0 : i32
      %gather3A_410 = tpu.memref_slice %arg6[%gather3A, %gather3A_408, %gather3A_409] : memref<3x128x128xf32, #tpu.memory_space<vmem>> -> memref<1x128x128xf32, #tpu.memory_space<vmem>>
      %gather3A_411 = tpu.memref_squeeze %gather3A_410 : memref<1x128x128xf32, #tpu.memory_space<vmem>> -> memref<128x128xf32, #tpu.memory_space<vmem>>
      %gather3A_412 = tpu.vector_load_idx %gather3A_411[%add3A_303, %and3A_407] : memref<128x128xf32, #tpu.memory_space<vmem>>[vector<16xi32>, vector<16xi32>], vector<16xf32>,
      %scatter3A = arith.constant 1 : i32
      %scatter3A_413 = arith.constant 0 : i32
      %scatter3A_414 = arith.constant 0 : i32
      %scatter3A_415 = tpu.memref_slice %arg7[%scatter3A, %scatter3A_413, %scatter3A_414] : memref<3x64x128xf32, #tpu.memory_space<vmem>> -> memref<1x64x128xf32, #tpu.memory_space<vmem>>
      %scatter3A_416 = tpu.memref_squeeze %scatter3A_415 : memref<1x64x128xf32, #tpu.memory_space<vmem>> -> memref<64x128xf32, #tpu.memory_space<vmem>>
      tpu.vector_store_idx %scatter3A_416[%and3A_407, %add3A_303], %gather3A_412 : memref<64x128xf32, #tpu.memory_space<vmem>>[vector<16xi32>, vector<16xi32>], vector<16xf32>,
      %gather3A_417 = arith.constant 1 : i32
      %gather3A_418 = arith.constant 0 : i32
      %gather3A_419 = arith.constant 0 : i32
      %gather3A_420 = tpu.memref_slice %arg6[%gather3A_417, %gather3A_418, %gather3A_419] : memref<3x128x128xf32, #tpu.memory_space<vmem>> -> memref<1x128x128xf32, #tpu.memory_space<vmem>>
      %gather3A_421 = tpu.memref_squeeze %gather3A_420 : memref<1x128x128xf32, #tpu.memory_space<vmem>> -> memref<128x128xf32, #tpu.memory_space<vmem>>
      %gather3A_422 = tpu.vector_load_idx %gather3A_421[%add3A_306, %and3A_407] : memref<128x128xf32, #tpu.memory_space<vmem>>[vector<16xi32>, vector<16xi32>], vector<16xf32>,
      %scatter3A_423 = arith.constant 1 : i32
      %scatter3A_424 = arith.constant 0 : i32
      %scatter3A_425 = arith.constant 0 : i32
      %scatter3A_426 = tpu.memref_slice %arg7[%scatter3A_423, %scatter3A_424, %scatter3A_425] : memref<3x64x128xf32, #tpu.memory_space<vmem>> -> memref<1x64x128xf32, #tpu.memory_space<vmem>>
      %scatter3A_427 = tpu.memref_squeeze %scatter3A_426 : memref<1x64x128xf32, #tpu.memory_space<vmem>> -> memref<64x128xf32, #tpu.memory_space<vmem>>
      tpu.vector_store_idx %scatter3A_427[%and3A_407, %add3A_306], %gather3A_422 : memref<64x128xf32, #tpu.memory_space<vmem>>[vector<16xi32>, vector<16xi32>], vector<16xf32>,
      %gather3A_428 = arith.constant 1 : i32
      %gather3A_429 = arith.constant 0 : i32
      %gather3A_430 = arith.constant 0 : i32
      %gather3A_431 = tpu.memref_slice %arg6[%gather3A_428, %gather3A_429, %gather3A_430] : memref<3x128x128xf32, #tpu.memory_space<vmem>> -> memref<1x128x128xf32, #tpu.memory_space<vmem>>
      %gather3A_432 = tpu.memref_squeeze %gather3A_431 : memref<1x128x128xf32, #tpu.memory_space<vmem>> -> memref<128x128xf32, #tpu.memory_space<vmem>>
      %gather3A_433 = tpu.vector_load_idx %gather3A_432[%add3A_309, %and3A_407] : memref<128x128xf32, #tpu.memory_space<vmem>>[vector<16xi32>, vector<16xi32>], vector<16xf32>,
      %scatter3A_434 = arith.constant 1 : i32
      %scatter3A_435 = arith.constant 0 : i32
      %scatter3A_436 = arith.constant 0 : i32
      %scatter3A_437 = tpu.memref_slice %arg7[%scatter3A_434, %scatter3A_435, %scatter3A_436] : memref<3x64x128xf32, #tpu.memory_space<vmem>> -> memref<1x64x128xf32, #tpu.memory_space<vmem>>
      %scatter3A_438 = tpu.memref_squeeze %scatter3A_437 : memref<1x64x128xf32, #tpu.memory_space<vmem>> -> memref<64x128xf32, #tpu.memory_space<vmem>>
      tpu.vector_store_idx %scatter3A_438[%and3A_407, %add3A_309], %gather3A_433 : memref<64x128xf32, #tpu.memory_space<vmem>>[vector<16xi32>, vector<16xi32>], vector<16xf32>,
      %gather3A_439 = arith.constant 1 : i32
      %gather3A_440 = arith.constant 0 : i32
      %gather3A_441 = arith.constant 0 : i32
      %gather3A_442 = tpu.memref_slice %arg6[%gather3A_439, %gather3A_440, %gather3A_441] : memref<3x128x128xf32, #tpu.memory_space<vmem>> -> memref<1x128x128xf32, #tpu.memory_space<vmem>>
      %gather3A_443 = tpu.memref_squeeze %gather3A_442 : memref<1x128x128xf32, #tpu.memory_space<vmem>> -> memref<128x128xf32, #tpu.memory_space<vmem>>
      %gather3A_444 = tpu.vector_load_idx %gather3A_443[%add3A_312, %and3A_407] : memref<128x128xf32, #tpu.memory_space<vmem>>[vector<16xi32>, vector<16xi32>], vector<16xf32>,
      %scatter3A_445 = arith.constant 1 : i32
      %scatter3A_446 = arith.constant 0 : i32
      %scatter3A_447 = arith.constant 0 : i32
      %scatter3A_448 = tpu.memref_slice %arg7[%scatter3A_445, %scatter3A_446, %scatter3A_447] : memref<3x64x128xf32, #tpu.memory_space<vmem>> -> memref<1x64x128xf32, #tpu.memory_space<vmem>>
      %scatter3A_449 = tpu.memref_squeeze %scatter3A_448 : memref<1x64x128xf32, #tpu.memory_space<vmem>> -> memref<64x128xf32, #tpu.memory_space<vmem>>
      tpu.vector_store_idx %scatter3A_449[%and3A_407, %add3A_312], %gather3A_444 : memref<64x128xf32, #tpu.memory_space<vmem>>[vector<16xi32>, vector<16xi32>], vector<16xf32>,
      %gather3A_450 = arith.constant 1 : i32
      %gather3A_451 = arith.constant 0 : i32
      %gather3A_452 = arith.constant 0 : i32
      %gather3A_453 = tpu.memref_slice %arg6[%gather3A_450, %gather3A_451, %gather3A_452] : memref<3x128x128xf32, #tpu.memory_space<vmem>> -> memref<1x128x128xf32, #tpu.memory_space<vmem>>
      %gather3A_454 = tpu.memref_squeeze %gather3A_453 : memref<1x128x128xf32, #tpu.memory_space<vmem>> -> memref<128x128xf32, #tpu.memory_space<vmem>>
      %gather3A_455 = tpu.vector_load_idx %gather3A_454[%add3A_315, %and3A_407] : memref<128x128xf32, #tpu.memory_space<vmem>>[vector<16xi32>, vector<16xi32>], vector<16xf32>,
      %scatter3A_456 = arith.constant 1 : i32
      %scatter3A_457 = arith.constant 0 : i32
      %scatter3A_458 = arith.constant 0 : i32
      %scatter3A_459 = tpu.memref_slice %arg7[%scatter3A_456, %scatter3A_457, %scatter3A_458] : memref<3x64x128xf32, #tpu.memory_space<vmem>> -> memref<1x64x128xf32, #tpu.memory_space<vmem>>
      %scatter3A_460 = tpu.memref_squeeze %scatter3A_459 : memref<1x64x128xf32, #tpu.memory_space<vmem>> -> memref<64x128xf32, #tpu.memory_space<vmem>>
      tpu.vector_store_idx %scatter3A_460[%and3A_407, %add3A_315], %gather3A_455 : memref<64x128xf32, #tpu.memory_space<vmem>>[vector<16xi32>, vector<16xi32>], vector<16xf32>,
      %gather3A_461 = arith.constant 1 : i32
      %gather3A_462 = arith.constant 0 : i32
      %gather3A_463 = arith.constant 0 : i32
      %gather3A_464 = tpu.memref_slice %arg6[%gather3A_461, %gather3A_462, %gather3A_463] : memref<3x128x128xf32, #tpu.memory_space<vmem>> -> memref<1x128x128xf32, #tpu.memory_space<vmem>>
      %gather3A_465 = tpu.memref_squeeze %gather3A_464 : memref<1x128x128xf32, #tpu.memory_space<vmem>> -> memref<128x128xf32, #tpu.memory_space<vmem>>
      %gather3A_466 = tpu.vector_load_idx %gather3A_465[%add3A_318, %and3A_407] : memref<128x128xf32, #tpu.memory_space<vmem>>[vector<16xi32>, vector<16xi32>], vector<16xf32>,
      %scatter3A_467 = arith.constant 1 : i32
      %scatter3A_468 = arith.constant 0 : i32
      %scatter3A_469 = arith.constant 0 : i32
      %scatter3A_470 = tpu.memref_slice %arg7[%scatter3A_467, %scatter3A_468, %scatter3A_469] : memref<3x64x128xf32, #tpu.memory_space<vmem>> -> memref<1x64x128xf32, #tpu.memory_space<vmem>>
      %scatter3A_471 = tpu.memref_squeeze %scatter3A_470 : memref<1x64x128xf32, #tpu.memory_space<vmem>> -> memref<64x128xf32, #tpu.memory_space<vmem>>
      tpu.vector_store_idx %scatter3A_471[%and3A_407, %add3A_318], %gather3A_466 : memref<64x128xf32, #tpu.memory_space<vmem>>[vector<16xi32>, vector<16xi32>], vector<16xf32>,
      %gather3A_472 = arith.constant 1 : i32
      %gather3A_473 = arith.constant 0 : i32
      %gather3A_474 = arith.constant 0 : i32
      %gather3A_475 = tpu.memref_slice %arg6[%gather3A_472, %gather3A_473, %gather3A_474] : memref<3x128x128xf32, #tpu.memory_space<vmem>> -> memref<1x128x128xf32, #tpu.memory_space<vmem>>
      %gather3A_476 = tpu.memref_squeeze %gather3A_475 : memref<1x128x128xf32, #tpu.memory_space<vmem>> -> memref<128x128xf32, #tpu.memory_space<vmem>>
      %gather3A_477 = tpu.vector_load_idx %gather3A_476[%add3A_321, %and3A_407] : memref<128x128xf32, #tpu.memory_space<vmem>>[vector<16xi32>, vector<16xi32>], vector<16xf32>,
      %scatter3A_478 = arith.constant 1 : i32
      %scatter3A_479 = arith.constant 0 : i32
      %scatter3A_480 = arith.constant 0 : i32
      %scatter3A_481 = tpu.memref_slice %arg7[%scatter3A_478, %scatter3A_479, %scatter3A_480] : memref<3x64x128xf32, #tpu.memory_space<vmem>> -> memref<1x64x128xf32, #tpu.memory_space<vmem>>
      %scatter3A_482 = tpu.memref_squeeze %scatter3A_481 : memref<1x64x128xf32, #tpu.memory_space<vmem>> -> memref<64x128xf32, #tpu.memory_space<vmem>>
      tpu.vector_store_idx %scatter3A_482[%and3A_407, %add3A_321], %gather3A_477 : memref<64x128xf32, #tpu.memory_space<vmem>>[vector<16xi32>, vector<16xi32>], vector<16xf32>,
      %gather3A_483 = arith.constant 1 : i32
      %gather3A_484 = arith.constant 0 : i32
      %gather3A_485 = arith.constant 0 : i32
      %gather3A_486 = tpu.memref_slice %arg6[%gather3A_483, %gather3A_484, %gather3A_485] : memref<3x128x128xf32, #tpu.memory_space<vmem>> -> memref<1x128x128xf32, #tpu.memory_space<vmem>>
      %gather3A_487 = tpu.memref_squeeze %gather3A_486 : memref<1x128x128xf32, #tpu.memory_space<vmem>> -> memref<128x128xf32, #tpu.memory_space<vmem>>
      %gather3A_488 = tpu.vector_load_idx %gather3A_487[%add3A_324, %and3A_407] : memref<128x128xf32, #tpu.memory_space<vmem>>[vector<16xi32>, vector<16xi32>], vector<16xf32>,
      %scatter3A_489 = arith.constant 1 : i32
      %scatter3A_490 = arith.constant 0 : i32
      %scatter3A_491 = arith.constant 0 : i32
      %scatter3A_492 = tpu.memref_slice %arg7[%scatter3A_489, %scatter3A_490, %scatter3A_491] : memref<3x64x128xf32, #tpu.memory_space<vmem>> -> memref<1x64x128xf32, #tpu.memory_space<vmem>>
      %scatter3A_493 = tpu.memref_squeeze %scatter3A_492 : memref<1x64x128xf32, #tpu.memory_space<vmem>> -> memref<64x128xf32, #tpu.memory_space<vmem>>
      tpu.vector_store_idx %scatter3A_493[%and3A_407, %add3A_324], %gather3A_488 : memref<64x128xf32, #tpu.memory_space<vmem>>[vector<16xi32>, vector<16xi32>], vector<16xf32>,
      %scan3A_494 = arith.constant 1 : i32
      %scan3A_495 = arith.addi %scan3A_402, %scan3A_494 : i32
      %add3A_496 = vector.broadcast %scan3A_495 : i32 to vector<16xi32>
      %add3A_497 = arith.addi %add3A_496, %iota3A_300 : vector<16xi32>
      %and3A_498 = arith.constant 63 : i32
      %and3A_499 = vector.broadcast %and3A_498 : i32 to vector<16xi32>
      %and3A_500 = arith.andi %add3A_497, %and3A_499 : vector<16xi32>
      %gather3A_501 = arith.constant 1 : i32
      %gather3A_502 = arith.constant 0 : i32
      %gather3A_503 = arith.constant 0 : i32
      %gather3A_504 = tpu.memref_slice %arg6[%gather3A_501, %gather3A_502, %gather3A_503] : memref<3x128x128xf32, #tpu.memory_space<vmem>> -> memref<1x128x128xf32, #tpu.memory_space<vmem>>
      %gather3A_505 = tpu.memref_squeeze %gather3A_504 : memref<1x128x128xf32, #tpu.memory_space<vmem>> -> memref<128x128xf32, #tpu.memory_space<vmem>>
      %gather3A_506 = tpu.vector_load_idx %gather3A_505[%add3A_303, %and3A_500] : memref<128x128xf32, #tpu.memory_space<vmem>>[vector<16xi32>, vector<16xi32>], vector<16xf32>,
      %scatter3A_507 = arith.constant 1 : i32
      %scatter3A_508 = arith.constant 0 : i32
      %scatter3A_509 = arith.constant 0 : i32
      %scatter3A_510 = tpu.memref_slice %arg7[%scatter3A_507, %scatter3A_508, %scatter3A_509] : memref<3x64x128xf32, #tpu.memory_space<vmem>> -> memref<1x64x128xf32, #tpu.memory_space<vmem>>
      %scatter3A_511 = tpu.memref_squeeze %scatter3A_510 : memref<1x64x128xf32, #tpu.memory_space<vmem>> -> memref<64x128xf32, #tpu.memory_space<vmem>>
      tpu.vector_store_idx %scatter3A_511[%and3A_500, %add3A_303], %gather3A_506 : memref<64x128xf32, #tpu.memory_space<vmem>>[vector<16xi32>, vector<16xi32>], vector<16xf32>,
      %gather3A_512 = arith.constant 1 : i32
      %gather3A_513 = arith.constant 0 : i32
      %gather3A_514 = arith.constant 0 : i32
      %gather3A_515 = tpu.memref_slice %arg6[%gather3A_512, %gather3A_513, %gather3A_514] : memref<3x128x128xf32, #tpu.memory_space<vmem>> -> memref<1x128x128xf32, #tpu.memory_space<vmem>>
      %gather3A_516 = tpu.memref_squeeze %gather3A_515 : memref<1x128x128xf32, #tpu.memory_space<vmem>> -> memref<128x128xf32, #tpu.memory_space<vmem>>
      %gather3A_517 = tpu.vector_load_idx %gather3A_516[%add3A_306, %and3A_500] : memref<128x128xf32, #tpu.memory_space<vmem>>[vector<16xi32>, vector<16xi32>], vector<16xf32>,
      %scatter3A_518 = arith.constant 1 : i32
      %scatter3A_519 = arith.constant 0 : i32
      %scatter3A_520 = arith.constant 0 : i32
      %scatter3A_521 = tpu.memref_slice %arg7[%scatter3A_518, %scatter3A_519, %scatter3A_520] : memref<3x64x128xf32, #tpu.memory_space<vmem>> -> memref<1x64x128xf32, #tpu.memory_space<vmem>>
      %scatter3A_522 = tpu.memref_squeeze %scatter3A_521 : memref<1x64x128xf32, #tpu.memory_space<vmem>> -> memref<64x128xf32, #tpu.memory_space<vmem>>
      tpu.vector_store_idx %scatter3A_522[%and3A_500, %add3A_306], %gather3A_517 : memref<64x128xf32, #tpu.memory_space<vmem>>[vector<16xi32>, vector<16xi32>], vector<16xf32>,
      %gather3A_523 = arith.constant 1 : i32
      %gather3A_524 = arith.constant 0 : i32
      %gather3A_525 = arith.constant 0 : i32
      %gather3A_526 = tpu.memref_slice %arg6[%gather3A_523, %gather3A_524, %gather3A_525] : memref<3x128x128xf32, #tpu.memory_space<vmem>> -> memref<1x128x128xf32, #tpu.memory_space<vmem>>
      %gather3A_527 = tpu.memref_squeeze %gather3A_526 : memref<1x128x128xf32, #tpu.memory_space<vmem>> -> memref<128x128xf32, #tpu.memory_space<vmem>>
      %gather3A_528 = tpu.vector_load_idx %gather3A_527[%add3A_309, %and3A_500] : memref<128x128xf32, #tpu.memory_space<vmem>>[vector<16xi32>, vector<16xi32>], vector<16xf32>,
      %scatter3A_529 = arith.constant 1 : i32
      %scatter3A_530 = arith.constant 0 : i32
      %scatter3A_531 = arith.constant 0 : i32
      %scatter3A_532 = tpu.memref_slice %arg7[%scatter3A_529, %scatter3A_530, %scatter3A_531] : memref<3x64x128xf32, #tpu.memory_space<vmem>> -> memref<1x64x128xf32, #tpu.memory_space<vmem>>
      %scatter3A_533 = tpu.memref_squeeze %scatter3A_532 : memref<1x64x128xf32, #tpu.memory_space<vmem>> -> memref<64x128xf32, #tpu.memory_space<vmem>>
      tpu.vector_store_idx %scatter3A_533[%and3A_500, %add3A_309], %gather3A_528 : memref<64x128xf32, #tpu.memory_space<vmem>>[vector<16xi32>, vector<16xi32>], vector<16xf32>,
      %gather3A_534 = arith.constant 1 : i32
      %gather3A_535 = arith.constant 0 : i32
      %gather3A_536 = arith.constant 0 : i32
      %gather3A_537 = tpu.memref_slice %arg6[%gather3A_534, %gather3A_535, %gather3A_536] : memref<3x128x128xf32, #tpu.memory_space<vmem>> -> memref<1x128x128xf32, #tpu.memory_space<vmem>>
      %gather3A_538 = tpu.memref_squeeze %gather3A_537 : memref<1x128x128xf32, #tpu.memory_space<vmem>> -> memref<128x128xf32, #tpu.memory_space<vmem>>
      %gather3A_539 = tpu.vector_load_idx %gather3A_538[%add3A_312, %and3A_500] : memref<128x128xf32, #tpu.memory_space<vmem>>[vector<16xi32>, vector<16xi32>], vector<16xf32>,
      %scatter3A_540 = arith.constant 1 : i32
      %scatter3A_541 = arith.constant 0 : i32
      %scatter3A_542 = arith.constant 0 : i32
      %scatter3A_543 = tpu.memref_slice %arg7[%scatter3A_540, %scatter3A_541, %scatter3A_542] : memref<3x64x128xf32, #tpu.memory_space<vmem>> -> memref<1x64x128xf32, #tpu.memory_space<vmem>>
      %scatter3A_544 = tpu.memref_squeeze %scatter3A_543 : memref<1x64x128xf32, #tpu.memory_space<vmem>> -> memref<64x128xf32, #tpu.memory_space<vmem>>
      tpu.vector_store_idx %scatter3A_544[%and3A_500, %add3A_312], %gather3A_539 : memref<64x128xf32, #tpu.memory_space<vmem>>[vector<16xi32>, vector<16xi32>], vector<16xf32>,
      %gather3A_545 = arith.constant 1 : i32
      %gather3A_546 = arith.constant 0 : i32
      %gather3A_547 = arith.constant 0 : i32
      %gather3A_548 = tpu.memref_slice %arg6[%gather3A_545, %gather3A_546, %gather3A_547] : memref<3x128x128xf32, #tpu.memory_space<vmem>> -> memref<1x128x128xf32, #tpu.memory_space<vmem>>
      %gather3A_549 = tpu.memref_squeeze %gather3A_548 : memref<1x128x128xf32, #tpu.memory_space<vmem>> -> memref<128x128xf32, #tpu.memory_space<vmem>>
      %gather3A_550 = tpu.vector_load_idx %gather3A_549[%add3A_315, %and3A_500] : memref<128x128xf32, #tpu.memory_space<vmem>>[vector<16xi32>, vector<16xi32>], vector<16xf32>,
      %scatter3A_551 = arith.constant 1 : i32
      %scatter3A_552 = arith.constant 0 : i32
      %scatter3A_553 = arith.constant 0 : i32
      %scatter3A_554 = tpu.memref_slice %arg7[%scatter3A_551, %scatter3A_552, %scatter3A_553] : memref<3x64x128xf32, #tpu.memory_space<vmem>> -> memref<1x64x128xf32, #tpu.memory_space<vmem>>
      %scatter3A_555 = tpu.memref_squeeze %scatter3A_554 : memref<1x64x128xf32, #tpu.memory_space<vmem>> -> memref<64x128xf32, #tpu.memory_space<vmem>>
      tpu.vector_store_idx %scatter3A_555[%and3A_500, %add3A_315], %gather3A_550 : memref<64x128xf32, #tpu.memory_space<vmem>>[vector<16xi32>, vector<16xi32>], vector<16xf32>,
      %gather3A_556 = arith.constant 1 : i32
      %gather3A_557 = arith.constant 0 : i32
      %gather3A_558 = arith.constant 0 : i32
      %gather3A_559 = tpu.memref_slice %arg6[%gather3A_556, %gather3A_557, %gather3A_558] : memref<3x128x128xf32, #tpu.memory_space<vmem>> -> memref<1x128x128xf32, #tpu.memory_space<vmem>>
      %gather3A_560 = tpu.memref_squeeze %gather3A_559 : memref<1x128x128xf32, #tpu.memory_space<vmem>> -> memref<128x128xf32, #tpu.memory_space<vmem>>
      %gather3A_561 = tpu.vector_load_idx %gather3A_560[%add3A_318, %and3A_500] : memref<128x128xf32, #tpu.memory_space<vmem>>[vector<16xi32>, vector<16xi32>], vector<16xf32>,
      %scatter3A_562 = arith.constant 1 : i32
      %scatter3A_563 = arith.constant 0 : i32
      %scatter3A_564 = arith.constant 0 : i32
      %scatter3A_565 = tpu.memref_slice %arg7[%scatter3A_562, %scatter3A_563, %scatter3A_564] : memref<3x64x128xf32, #tpu.memory_space<vmem>> -> memref<1x64x128xf32, #tpu.memory_space<vmem>>
      %scatter3A_566 = tpu.memref_squeeze %scatter3A_565 : memref<1x64x128xf32, #tpu.memory_space<vmem>> -> memref<64x128xf32, #tpu.memory_space<vmem>>
      tpu.vector_store_idx %scatter3A_566[%and3A_500, %add3A_318], %gather3A_561 : memref<64x128xf32, #tpu.memory_space<vmem>>[vector<16xi32>, vector<16xi32>], vector<16xf32>,
      %gather3A_567 = arith.constant 1 : i32
      %gather3A_568 = arith.constant 0 : i32
      %gather3A_569 = arith.constant 0 : i32
      %gather3A_570 = tpu.memref_slice %arg6[%gather3A_567, %gather3A_568, %gather3A_569] : memref<3x128x128xf32, #tpu.memory_space<vmem>> -> memref<1x128x128xf32, #tpu.memory_space<vmem>>
      %gather3A_571 = tpu.memref_squeeze %gather3A_570 : memref<1x128x128xf32, #tpu.memory_space<vmem>> -> memref<128x128xf32, #tpu.memory_space<vmem>>
      %gather3A_572 = tpu.vector_load_idx %gather3A_571[%add3A_321, %and3A_500] : memref<128x128xf32, #tpu.memory_space<vmem>>[vector<16xi32>, vector<16xi32>], vector<16xf32>,
      %scatter3A_573 = arith.constant 1 : i32
      %scatter3A_574 = arith.constant 0 : i32
      %scatter3A_575 = arith.constant 0 : i32
      %scatter3A_576 = tpu.memref_slice %arg7[%scatter3A_573, %scatter3A_574, %scatter3A_575] : memref<3x64x128xf32, #tpu.memory_space<vmem>> -> memref<1x64x128xf32, #tpu.memory_space<vmem>>
      %scatter3A_577 = tpu.memref_squeeze %scatter3A_576 : memref<1x64x128xf32, #tpu.memory_space<vmem>> -> memref<64x128xf32, #tpu.memory_space<vmem>>
      tpu.vector_store_idx %scatter3A_577[%and3A_500, %add3A_321], %gather3A_572 : memref<64x128xf32, #tpu.memory_space<vmem>>[vector<16xi32>, vector<16xi32>], vector<16xf32>,
      %gather3A_578 = arith.constant 1 : i32
      %gather3A_579 = arith.constant 0 : i32
      %gather3A_580 = arith.constant 0 : i32
      %gather3A_581 = tpu.memref_slice %arg6[%gather3A_578, %gather3A_579, %gather3A_580] : memref<3x128x128xf32, #tpu.memory_space<vmem>> -> memref<1x128x128xf32, #tpu.memory_space<vmem>>
      %gather3A_582 = tpu.memref_squeeze %gather3A_581 : memref<1x128x128xf32, #tpu.memory_space<vmem>> -> memref<128x128xf32, #tpu.memory_space<vmem>>
      %gather3A_583 = tpu.vector_load_idx %gather3A_582[%add3A_324, %and3A_500] : memref<128x128xf32, #tpu.memory_space<vmem>>[vector<16xi32>, vector<16xi32>], vector<16xf32>,
      %scatter3A_584 = arith.constant 1 : i32
      %scatter3A_585 = arith.constant 0 : i32
      %scatter3A_586 = arith.constant 0 : i32
      %scatter3A_587 = tpu.memref_slice %arg7[%scatter3A_584, %scatter3A_585, %scatter3A_586] : memref<3x64x128xf32, #tpu.memory_space<vmem>> -> memref<1x64x128xf32, #tpu.memory_space<vmem>>
      %scatter3A_588 = tpu.memref_squeeze %scatter3A_587 : memref<1x64x128xf32, #tpu.memory_space<vmem>> -> memref<64x128xf32, #tpu.memory_space<vmem>>
      tpu.vector_store_idx %scatter3A_588[%and3A_500, %add3A_324], %gather3A_583 : memref<64x128xf32, #tpu.memory_space<vmem>>[vector<16xi32>, vector<16xi32>], vector<16xf32>,
    }
    %scan3A_330 = arith.constant 64 : i32
    %mul3A_331 = arith.constant 128 : i32
    %mul3A_332 = arith.muli %select_n3A_269, %mul3A_331 : i32
    %dma_start3A_333 = arith.constant 1 : i32
    %dma_start3A_334 = arith.constant 0 : i32
    %dma_start3A_335 = arith.constant 0 : i32
    %dma_start3A_336 = tpu.memref_slice %arg7[%dma_start3A_333, %dma_start3A_334, %dma_start3A_335] : memref<3x64x128xf32, #tpu.memory_space<vmem>> -> memref<1x64x128xf32, #tpu.memory_space<vmem>>
    %dma_start3A_337 = tpu.memref_squeeze %dma_start3A_336 : memref<1x64x128xf32, #tpu.memory_space<vmem>> -> memref<64x128xf32, #tpu.memory_space<vmem>>
    %dma_start3A_338 = arith.constant 0 : i32
    %dma_start3A_339 = tpu.memref_slice %arg4[%select_n3A_253, %dma_start3A_338, %mul3A_332] : memref<50x64x4096xf32, #tpu.memory_space<hbm>> -> memref<1x64x128xf32, #tpu.memory_space<hbm>>
    %dma_start3A_340 = tpu.memref_squeeze %dma_start3A_339 : memref<1x64x128xf32, #tpu.memory_space<hbm>> -> memref<64x128xf32, #tpu.memory_space<hbm>>
    %dma_start3A_341 = arith.constant 0 : i32
    %dma_start3A_342 = tpu.memref_slice %arg4[%select_n3A_253, %dma_start3A_341, %mul3A_332] : memref<50x64x4096xf32, #tpu.memory_space<hbm>> -> memref<1x64x128xf32, #tpu.memory_space<hbm>>
    %dma_start3A_343 = tpu.memref_squeeze %dma_start3A_342 : memref<1x64x128xf32, #tpu.memory_space<hbm>> -> memref<64x128xf32, #tpu.memory_space<hbm>>
    %dma_start3A_344 = arith.constant 0 : i32
    %dma_start3A_345 = arith.constant 0 : i32
    %dma_start3A_346 = tpu.memref_slice %arg7[%dma_start3A_333, %dma_start3A_344, %dma_start3A_345] : memref<3x64x128xf32, #tpu.memory_space<vmem>> -> memref<1x64x128xf32, #tpu.memory_space<vmem>>
    %dma_start3A_347 = tpu.memref_squeeze %dma_start3A_346 : memref<1x64x128xf32, #tpu.memory_space<vmem>> -> memref<64x128xf32, #tpu.memory_space<vmem>>
    tpu.enqueue_dma source(%dma_start3A_347 : memref<64x128xf32, #tpu.memory_space<vmem>>) target(%dma_start3A_343 : memref<64x128xf32, #tpu.memory_space<hbm>>) target_semaphore(%arg12 : memref<!tpu.dma_semaphore, #tpu.memory_space<semaphore_mem>>)
    %dma_wait3A_348 = arith.constant 0 : i32
    %dma_wait3A_349 = arith.constant 0 : i32
    %dma_wait3A_350 = arith.constant 0 : i32
    %dma_wait3A_351 = arith.constant 0 : i32
    %dma_wait3A_352 = tpu.memref_slice %arg7[%dma_wait3A_349, %dma_wait3A_350, %dma_wait3A_351] : memref<3x64x128xf32, #tpu.memory_space<vmem>> -> memref<1x64x128xf32, #tpu.memory_space<vmem>>
    %dma_wait3A_353 = tpu.memref_squeeze %dma_wait3A_352 : memref<1x64x128xf32, #tpu.memory_space<vmem>> -> memref<64x128xf32, #tpu.memory_space<vmem>>
    %dma_wait3A_354 = arith.constant 0 : i32
    %dma_wait3A_355 = arith.constant 0 : i32
    %dma_wait3A_356 = tpu.memref_slice %arg4[%dma_wait3A_348, %dma_wait3A_354, %dma_wait3A_355] : memref<50x64x4096xf32, #tpu.memory_space<hbm>> -> memref<1x64x128xf32, #tpu.memory_space<hbm>>
    %dma_wait3A_357 = tpu.memref_squeeze %dma_wait3A_356 : memref<1x64x128xf32, #tpu.memory_space<hbm>> -> memref<64x128xf32, #tpu.memory_space<hbm>>
    %dma_wait3A_358 = arith.constant 0 : i32
    %dma_wait3A_359 = arith.constant 0 : i32
    %dma_wait3A_360 = tpu.memref_slice %arg7[%dma_wait3A_349, %dma_wait3A_358, %dma_wait3A_359] : memref<3x64x128xf32, #tpu.memory_space<vmem>> -> memref<1x64x128xf32, #tpu.memory_space<vmem>>
    %dma_wait3A_361 = tpu.memref_squeeze %dma_wait3A_360 : memref<1x64x128xf32, #tpu.memory_space<vmem>> -> memref<64x128xf32, #tpu.memory_space<vmem>>
    %dma_wait3A_362 = arith.constant 0 : i32
    %dma_wait3A_363 = arith.constant 0 : i32
    %dma_wait3A_364 = tpu.memref_slice %arg4[%dma_wait3A_348, %dma_wait3A_362, %dma_wait3A_363] : memref<50x64x4096xf32, #tpu.memory_space<hbm>> -> memref<1x64x128xf32, #tpu.memory_space<hbm>>
    %dma_wait3A_365 = tpu.memref_squeeze %dma_wait3A_364 : memref<1x64x128xf32, #tpu.memory_space<hbm>> -> memref<64x128xf32, #tpu.memory_space<hbm>>
    tpu.wait_dma2 semaphore(%arg11 : memref<!tpu.dma_semaphore, #tpu.memory_space<semaphore_mem>>) src(%dma_wait3A_365 : memref<64x128xf32, #tpu.memory_space<hbm>>) dst(%dma_wait3A_361 : memref<64x128xf32, #tpu.memory_space<vmem>>)
    %dma_wait3A_366 = arith.constant 0 : i32
    %dma_wait3A_367 = arith.constant 1 : i32
    %dma_wait3A_368 = arith.constant 0 : i32
    %dma_wait3A_369 = arith.constant 0 : i32
    %dma_wait3A_370 = tpu.memref_slice %arg7[%dma_wait3A_367, %dma_wait3A_368, %dma_wait3A_369] : memref<3x64x128xf32, #tpu.memory_space<vmem>> -> memref<1x64x128xf32, #tpu.memory_space<vmem>>
    %dma_wait3A_371 = tpu.memref_squeeze %dma_wait3A_370 : memref<1x64x128xf32, #tpu.memory_space<vmem>> -> memref<64x128xf32, #tpu.memory_space<vmem>>
    %dma_wait3A_372 = arith.constant 0 : i32
    %dma_wait3A_373 = arith.constant 0 : i32
    %dma_wait3A_374 = tpu.memref_slice %arg4[%dma_wait3A_366, %dma_wait3A_372, %dma_wait3A_373] : memref<50x64x4096xf32, #tpu.memory_space<hbm>> -> memref<1x64x128xf32, #tpu.memory_space<hbm>>
    %dma_wait3A_375 = tpu.memref_squeeze %dma_wait3A_374 : memref<1x64x128xf32, #tpu.memory_space<hbm>> -> memref<64x128xf32, #tpu.memory_space<hbm>>
    %dma_wait3A_376 = arith.constant 0 : i32
    %dma_wait3A_377 = arith.constant 0 : i32
    %dma_wait3A_378 = tpu.memref_slice %arg7[%dma_wait3A_367, %dma_wait3A_376, %dma_wait3A_377] : memref<3x64x128xf32, #tpu.memory_space<vmem>> -> memref<1x64x128xf32, #tpu.memory_space<vmem>>
    %dma_wait3A_379 = tpu.memref_squeeze %dma_wait3A_378 : memref<1x64x128xf32, #tpu.memory_space<vmem>> -> memref<64x128xf32, #tpu.memory_space<vmem>>
    %dma_wait3A_380 = arith.constant 0 : i32
    %dma_wait3A_381 = arith.constant 0 : i32
    %dma_wait3A_382 = tpu.memref_slice %arg4[%dma_wait3A_366, %dma_wait3A_380, %dma_wait3A_381] : memref<50x64x4096xf32, #tpu.memory_space<hbm>> -> memref<1x64x128xf32, #tpu.memory_space<hbm>>
    %dma_wait3A_383 = tpu.memref_squeeze %dma_wait3A_382 : memref<1x64x128xf32, #tpu.memory_space<hbm>> -> memref<64x128xf32, #tpu.memory_space<hbm>>
    tpu.wait_dma2 semaphore(%arg12 : memref<!tpu.dma_semaphore, #tpu.memory_space<semaphore_mem>>) src(%dma_wait3A_383 : memref<64x128xf32, #tpu.memory_space<hbm>>) dst(%dma_wait3A_379 : memref<64x128xf32, #tpu.memory_space<vmem>>)
    %dma_wait3A_384 = arith.constant 0 : i32
    %dma_wait3A_385 = arith.constant 2 : i32
    %dma_wait3A_386 = arith.constant 0 : i32
    %dma_wait3A_387 = arith.constant 0 : i32
    %dma_wait3A_388 = tpu.memref_slice %arg7[%dma_wait3A_385, %dma_wait3A_386, %dma_wait3A_387] : memref<3x64x128xf32, #tpu.memory_space<vmem>> -> memref<1x64x128xf32, #tpu.memory_space<vmem>>
    %dma_wait3A_389 = tpu.memref_squeeze %dma_wait3A_388 : memref<1x64x128xf32, #tpu.memory_space<vmem>> -> memref<64x128xf32, #tpu.memory_space<vmem>>
    %dma_wait3A_390 = arith.constant 0 : i32
    %dma_wait3A_391 = arith.constant 0 : i32
    %dma_wait3A_392 = tpu.memref_slice %arg4[%dma_wait3A_384, %dma_wait3A_390, %dma_wait3A_391] : memref<50x64x4096xf32, #tpu.memory_space<hbm>> -> memref<1x64x128xf32, #tpu.memory_space<hbm>>
    %dma_wait3A_393 = tpu.memref_squeeze %dma_wait3A_392 : memref<1x64x128xf32, #tpu.memory_space<hbm>> -> memref<64x128xf32, #tpu.memory_space<hbm>>
    %dma_wait3A_394 = arith.constant 0 : i32
    %dma_wait3A_395 = arith.constant 0 : i32
    %dma_wait3A_396 = tpu.memref_slice %arg7[%dma_wait3A_385, %dma_wait3A_394, %dma_wait3A_395] : memref<3x64x128xf32, #tpu.memory_space<vmem>> -> memref<1x64x128xf32, #tpu.memory_space<vmem>>
    %dma_wait3A_397 = tpu.memref_squeeze %dma_wait3A_396 : memref<1x64x128xf32, #tpu.memory_space<vmem>> -> memref<64x128xf32, #tpu.memory_space<vmem>>
    %dma_wait3A_398 = arith.constant 0 : i32
    %dma_wait3A_399 = arith.constant 0 : i32
    %dma_wait3A_400 = tpu.memref_slice %arg4[%dma_wait3A_384, %dma_wait3A_398, %dma_wait3A_399] : memref<50x64x4096xf32, #tpu.memory_space<hbm>> -> memref<1x64x128xf32, #tpu.memory_space<hbm>>
    %dma_wait3A_401 = tpu.memref_squeeze %dma_wait3A_400 : memref<1x64x128xf32, #tpu.memory_space<hbm>> -> memref<64x128xf32, #tpu.memory_space<hbm>>
    tpu.wait_dma2 semaphore(%arg13 : memref<!tpu.dma_semaphore, #tpu.memory_space<semaphore_mem>>) src(%dma_wait3A_401 : memref<64x128xf32, #tpu.memory_space<hbm>>) dst(%dma_wait3A_397 : memref<64x128xf32, #tpu.memory_space<vmem>>)
    return
  }
}

</mosaic_0001>

<sc_bundles>
// kernel: kernel.3.cloned.1.call-start
scs
__scs_entry_jumppad:
0x0: {  	(pc) =	sbr.rel $0x88, $3  }
0x1: {  	(tag) =	ssettag $0x0;
	lr =	simm.s32 $0x1  }
0x2: {  	[smem:$0x3F9F] =	sst lr;
	_ =	strace $0xD0000000  }
0x3: {  	_ = 	snop  }
0x4: {  	_ = 	snop  }
0x5: {  	_ = 	snop  }
0x6: {  	_ = 	snop  }
0x7: {  	_ = 	snop  }
__scs_overlays_trampoline_lowered:
0x8: {  	[smem:$0x3FAE] =	sst s0  }
0x9: {  	[smem:$0x3FAF] =	sst s1  }
0xa: {  	[smem:$0x3FB0] =	sst s2  }
0xb: {  	[smem:$0x3FB1] =	sst s3  }
0xc: {  	[smem:$0x3FB2] =	sst s4  }
0xd: {  	[smem:$0x3FB3] =	sst s5  }
0xe: {  	[smem:$0x3FB4] =	sst s6  }
0xf: {  	[smem:$0x3FB5] =	sst s7  }
0x10: {  	[smem:$0x3FB6] =	sst s8  }
0x11: {  	[smem:$0x3FB7] =	sst s9;
	s0 =	simm.s32 @!p0 $0x0  }
0x12: {  	s1 =	sld [smem:$0x3F9D];
	s0 =	simm.s32 @p0 $0x1  }
0x13: {  	[smem:$0x3FB8] =	sst s0;
	s0 =	simm.s32 @!p1 $0x0  }
0x14: {  	s2 =	sld [smem:$0x3F9C];
	s0 =	simm.s32 @p1 $0x1  }
0x15: {  	[smem:$0x3FB9] =	sst s0;
	s0 =	simm.s32 @!p2 $0x0  }
0x16: {  	s3 =	sld [smem:$0x3FDB];
	s0 =	simm.s32 @p2 $0x1  }
0x17: {  	s4 =	simm.s32 $0x1BF5;
	[smem:$0x3FBB] =	sst s0  }
0x18: {  	s0 =	sld [smem:$0x3F9E];
	_ =	swait.ge [sflag:s4], $0x0  }
0x19: {  	s7 =	sld [smem:$0x3F9F]  }
0x1a: {  	s8 =	sadd.s32 $0xFFFFE003, lr  }
0x1b: {  	s9 =	sadd.s32 $0xFFFFFEF7, lr;
	s5 =	simm.s32 $0xFFFFFFFF;
	p2 =	slt.u32 s8, $0xFFFFF086  }
0x1c: {  	p1 =	slt.u32 s9, $0xF7A;
	s5 =	simm.s32 @!p2 $0x0  }
0x1d: {  	s5 =	simm.s32 @p1 $0x1;
	p0 =	seq.s32 s7, s2  }
0x1e: {  	s7 =	smul.u32 @!p0 $0xF7A, s2;
	p2 =	seq.s32 @!p0 s5, $0x0  }
0x1f: {  	s9 =	smul.u32 $0xF7A, s1;
	s8 =	simm.s32 @!p0 $0x1BF5;
	p2 =	por !p2, p0  }
0x20: {  	[sflag:s8] =	ssyncset.s32 @!p0 $0xFFFFF086;
	s6 =	sadd.s32 @!p0 s3, s7;
	s7 =	simm.s32 @!p0 $0x108  }
0x21: {  	s3 =	sadd.s32 s3, s9;
	s6 =	sadd.s32 @!p0 $0x88, s6;
	s7 =	simm.s32 @p2 $0x1082  }
0x22: {  	[simem:s7], [sflag:s8] =	dma.local @!p0 [hbm:s6], $0xF7A  }
0x23: {  	s9 =	sor.u32 $0xD0000000, s2;
	s6 =	simm.s32 $0x108;
	_ =	swait.ge @!p0 [sflag:s8], $0x0  }
0x24: {  	s3 =	sadd.s32 $0x88, s3;
	s6 =	simm.s32 @!p1 $0x1082;
	[sflag:s4] =	ssyncset.s32 $0xFFFFF086  }
0x25: {  	[simem:s6], [sflag:s4] =	dma.local [hbm:s3], $0xF7A  }
0x26: {  	[smem:$0x3F9F] =	sst s1;
	(tag) =	ssettag s2;
	_ =	strace s9  }
0x27: {  	s1 =	sld [smem:$0x3FAF]  }
0x28: {  	s2 =	sld [smem:$0x3FB0]  }
0x29: {  	s4 =	sld [smem:$0x3FB2]  }
0x2a: {  	p0 =	seq.s32 s5, $0x0;
	s5 =	sld [smem:$0x3FB3]  }
0x2b: {  	s6 =	sld [smem:$0x3FB4]  }
0x2c: {  	s7 =	sld [smem:$0x3FB5]  }
0x2d: {  	s3 =	simm.s32 $0x108;
	s8 =	sld [smem:$0x3FB6]  }
0x2e: {  	s3 =	simm.s32 @!p0 $0x1082;
	s9 =	sld [smem:$0x3FB7]  }
0x2f: {  	lr =	sadd.s32 s0, s3;
	s0 =	sld [smem:$0x3FAE]  }
0x30: {  	s3 =	sld [smem:$0x3FB1]  }
0x31: {  	[smem:$0x3FBA] =	sst s10  }
0x32: {  	s10 =	sld [smem:$0x3FB8];
	_ =	sdelay $0x3  }
0x33: {  	p0 =	seq.s32 s10, $0x1;
	s10 =	sld [smem:$0x3FBA];
	_ =	sdelay $0x3  }
0x34: {  	[smem:$0x3FBA] =	sst s10  }
0x35: {  	s10 =	sld [smem:$0x3FB9];
	_ =	sdelay $0x3  }
0x36: {  	p1 =	seq.s32 s10, $0x1;
	s10 =	sld [smem:$0x3FBA];
	_ =	sdelay $0x3  }
0x37: {  	[smem:$0x3FBA] =	sst s10  }
0x38: {  	s10 =	sld [smem:$0x3FBB]  }
0x39: {  	_ = 	snop;
	(pc) =	sbr.ind lr, $3  }
0x3a: {  	_ = 	snop  }
0x3b: {  	_ = 	snop  }
0x3c: {  	p2 =	seq.s32 s10, $0x1;
	s10 =	sld [smem:$0x3FBA]  }
0x3d: {  	_ =	shalt  }
0x3e: {  	_ =	shalt  }
0x3f: {  	_ =	shalt  }
0x40: {  	_ =	shalt  }
0x41: {  	_ =	shalt  }
0x42: {  	_ =	shalt  }
0x43: {  	_ =	shalt  }
0x44: {  	_ =	shalt  }
0x45: {  	_ =	shalt  }
0x46: {  	_ =	shalt  }
0x47: {  	_ =	shalt  }
0x48: {  	_ =	shalt  }
0x49: {  	_ =	shalt  }
0x4a: {  	_ =	shalt  }
0x4b: {  	_ =	shalt  }
0x4c: {  	_ =	shalt  }
0x4d: {  	_ =	shalt  }
0x4e: {  	_ =	shalt  }
0x4f: {  	_ =	shalt  }
0x50: {  	_ =	shalt  }
0x51: {  	_ =	shalt  }
0x52: {  	_ =	shalt  }
0x53: {  	_ =	shalt  }
0x54: {  	_ =	shalt  }
0x55: {  	_ =	shalt  }
0x56: {  	_ =	shalt  }
0x57: {  	_ =	shalt  }
0x58: {  	_ =	shalt  }
0x59: {  	_ =	shalt  }
0x5a: {  	_ =	shalt  }
0x5b: {  	_ =	shalt  }
0x5c: {  	_ =	shalt  }
0x5d: {  	_ =	shalt  }
0x5e: {  	_ =	shalt  }
0x5f: {  	_ =	shalt  }
0x60: {  	_ =	shalt  }
0x61: {  	_ =	shalt  }
0x62: {  	_ =	shalt  }
0x63: {  	_ =	shalt  }
0x64: {  	_ =	shalt  }
0x65: {  	_ =	shalt  }
0x66: {  	_ =	shalt  }
0x67: {  	_ =	shalt  }
0x68: {  	_ =	shalt  }
0x69: {  	_ =	shalt  }
0x6a: {  	_ =	shalt  }
0x6b: {  	_ =	shalt  }
0x6c: {  	_ =	shalt  }
0x6d: {  	_ =	shalt  }
0x6e: {  	_ =	shalt  }
0x6f: {  	_ =	shalt  }
0x70: {  	_ =	shalt  }
0x71: {  	_ =	shalt  }
0x72: {  	_ =	shalt  }
0x73: {  	_ =	shalt  }
0x74: {  	_ =	shalt  }
0x75: {  	_ =	shalt  }
0x76: {  	_ =	shalt  }
0x77: {  	_ =	shalt  }
0x78: {  	_ =	shalt  }
0x79: {  	_ =	shalt  }
0x7a: {  	_ =	shalt  }
0x7b: {  	_ =	shalt  }
0x7c: {  	_ =	shalt  }
0x7d: {  	_ =	shalt  }
0x7e: {  	_ =	shalt  }
0x7f: {  	_ =	shalt  }
0x80: {  	_ =	shalt  }
0x81: {  	_ =	shalt  }
0x82: {  	_ =	shalt  }
0x83: {  	_ =	shalt  }
0x84: {  	_ =	shalt  }
0x85: {  	_ =	shalt  }
0x86: {  	_ =	shalt  }
0x87: {  	_ =	shalt  }
.Lfunc_end0:
.L_simem_size_0:
called_computation_lowered:
.L_overlay_start_0:
0x88: {  	s2 =	sld [smem:$0x3FD9]  }
0x89: {  	s3 =	sld [smem:$0x3FFE];
	_ =	sdelay $0x1  }
0x8a: {  	s1 =	srdreg.scid  }
0x8b: {  	s0 =	sand.u32 $0x1, s1  }
0x8c: {  	s17 =	sshll.u32 s0, $0xA;
	s2 =	sadd.s32 s3, s2  }
0x8d: {  	s2 =	sadd.s32 s2, s17  }
0x8e: {  	[smem:$0x3FC6] =	sst s2  }
0x8f: {  	_ = 	snop  }
0x90: {  	s2 =	sld [smem:$0x3FC9]  }
0x91: {  	s18 =	sld [smem:$0x3FD0];
	(tm) =	ssettm $0x1  }
0x92: {  	s4 =	sld [smem:$0x3FFB];
	_ =	sdelay $0x3  }
0x93: {  	_ =	strace s4  }
0x94: {  	s4 =	sld [smem:$0x3FFC];
	_ =	sdelay $0x3  }
0x95: {  	_ =	strace s4  }
0x96: {  	s4 =	sld [smem:$0x3FFD];
	_ =	sdelay $0x3  }
0x97: {  	_ =	strace s4  }
0x98: {  	_ =	strace $0x8FFFFFFF  }
0x99: {  	s19 =	sld [smem:$0x3FDB];
	_ =	sdelay $0x1  }
0x9a: {  	s5 =	simm.s32 $_scs_section_size  }
0x9b: {  	s6 =	simm.s32 $_size__tile_overlayer_lowered;
	s7 =	simm.s32 $_tile_overlayer_lowered  }
0x9c: {  	s22 =	simm.s32 $0x1BFF;
	s21 =	sshll.u32 s7, $0x1;
	s4 =	sadd.s32 s5, s19  }
0x9d: {  	s8 =	simm.s32 $0x0;
	s20 =	sshll.u32 s6, $0x1;
	s6 =	sadd.s32 s21, s4  }
0x9e: {  	[timem:s8], [sflag:s22] =	dma.local [hbm:s6], s20  }
0x9f: {  	_ =	swait.ge [sflag:s22], s20  }
0xa0: {  	s5 =	ssub.s32 $0x0, s20;
	[sflag:s22] =	ssyncset.done $0x0  }
0xa1: {  	[sflag:s22] =	ssyncadd.s32 s5;
	_ =	sdelay $0x1  }
0xa2: {  	s23 =	simm.s32 $0x1B8B  }
0xa3: {  	_ =	swait.ge [sflag:s23], $0x1  }
0xa4: {  	[sflag:s23] =	ssyncset.done $0x0  }
0xa5: {  	s25 =	simm.s32 $0x1B8E;
	s24 =	sld [smem:$0x3FFE];
	[sflag:s23] =	ssyncadd.s32 $0xFFFFFFFF  }
0xa6: {  	s26 =	simm.s32 $execute0_lowered;
	[smem:$0x3FD2] =	sst s25  }
0xa7: {  	s6 =	sshll.u32 s26, $0x1;
	_ =	strace $0x80000046;
	[dreg:$0x1] =	wrdreg $0xFFFFFFFF  }
0xa8: {  	s28 =	simm.s32 $_size_execute0_lowered;
	s4 =	sadd.s32 s4, s6;
	[dreg:$0x0] =	wrdreg $0x0  }
0xa9: {  	s6 =	sshll.u32 s28, $0x1;
	[dreg:$0x2] =	wrdreg s4  }
0xaa: {  	[dreg:$0x3] =	wrdreg s6  }
0xab: {  	[dreg:$0x4] =	wrdreg $0xC0  }
0xac: {  	_ =	task [dreg:s8], $0x5FFFF  }
0xad: {  	[dreg:$0x1] =	wrdreg $0xFFFFFFFF  }
0xae: {  	[dreg:$0x0] =	wrdreg $0x60  }
0xaf: {  	[dreg:$0x2] =	wrdreg s2  }
0xb0: {  	[dreg:$0x3] =	wrdreg s24  }
0xb1: {  	[dreg:$0x4] =	wrdreg s18  }
0xb2: {  	[dreg:$0x5] =	wrdreg $0x9  }
0xb3: {  	_ =	task.clear_ibuf [dreg:s8], $0x6FFFF;
	_ =	strace $0x90000046  }
0xb4: {  	s29 =	simm.s32 $0x9;
	_ =	strace $0x80000048  }
0xb5: {  	_ =	swait.ge [sflag:s29], $0x1  }
0xb6: {  	[sflag:s29] =	ssyncadd.s32 $0xFFFFFFFF  }
0xb7: {  	_ =	strace $0x90000048  }
0xb8: {  	_ =	sfence  }
0xb9: {  	s30 =	sld [smem:$0x0];
	_ =	sdelay $0x2  }
0xba: {  	s31 =	sshll.u32 s1, $0xD;
	s1 =	sshrl.u32 s1, $0x2  }
0xbb: {  	s3 =	sand.u32 $0x4000, s31;
	s1 =	sadd.s32 s1, s30  }
0xbc: {  	s0 =	sor.u32 s3, s0;
	s1 =	sshll.u32 s1, $0x11  }
0xbd: {  	s0 =	sor.u32 s1, s0  }
0xbe: {  	s0 =	sadd.s32 $0x8F2B, s0  }
0xbf: {  	[sflag:s0] =	ssyncadd.remote.s32 $0x1  }
0xc0: {  	_ =	sfence.sel $0xFFFF  }
0xc1: {  	[dreg:$0x0] =	wrdreg $0xFFFFFFFF;
	(pc) =	sbr.abs _section_cstart, $3  }
0xc2: {  	[dreg:$0x1] =	wrdreg $0xFFFFFFFF  }
0xc3: {  	_ =	task.clear_ibuf [dreg:s8], $0x2FFFF;
	_ =	strace $0x9FFFFFFF  }
0xc4: {  	(tm) =	ssettm $0x7FFFFFFF  }
0xc5: {  	_ =	shalt  }
tec
execute0_lowered:
.L_overlay_start_1:
0x0: {  	(tag) =	ssettag $0x1  }
0x1: {  	s2 =	rddreg [dreg:$0x0]  }
0x2: {  	s0 =	srdreg.scid;
	s6 =	rddreg [dreg:$0x1]  }
0x3: {  	s1 =	stileid.u32;
	s4 =	rddreg [dreg:$0x2];
	s16 =	simm.s32 $0x7  }
0x4: {  	s17 =	simm.s32 $0x80;
	s18 =	simm.s32 $0x200;
	s19 =	simm.s32 $0x4200  }
0x5: {  	s20 =	simm.s32 $0x100;
	s0 =	sand.u32 $0x1, s0;
	s1 =	sshll.u32 s1, $0x1  }
0x6: {  	s21 =	simm.s32 $0x8200;
	s28 =	simm.s32 $0xE200;
	s1 =	sor.u32 s0, s1  }
0x7: {  	s29 =	simm.s32 $0x3;
	s0 =	ssub.s32 $0x2, s0;
	s3 =	smul.u32 $0x32, s1  }
0x8: {  	s30 =	simm.s32 $0x10200;
	s1 =	smul.u32 $0x4800, s1;
	s23 =	sshrl.u32 s0, $0x1  }
0x9: {  	s6 =	sadd.s32 $0xF42800, s6;
	s0 =	ssub.s32 s0, s23;
	s23 =	simm.s32 $0xC200  }
0xa: {  	s5 =	sshll.u32 s3, $0x7;
	s1 =	sand.u32 $0x7800, s1;
	s8 =	sshll.u32 s3, $0x2  }
0xb: {  	s9 =	sadd.s32 $0x2, s3;
	s10 =	sadd.s32 $0x3, s3;
	s11 =	sor.u32 $0x1, s3  }
0xc: {  	s24 =	sadd.s32 $0x30, s3;
	s12 =	sadd.s32 $0x4, s3;
	s26 =	sadd.s32 $0x31, s3  }
0xd: {  	s0 =	smax.u32 s0, $0x1;
	s7 =	sand.u32 $0x38000, s5;
	s5 =	simm.s32 $0x0  }
0xe: {  	s22 =	sand.u32 $0x380, s8;
	s25 =	sshll.u32 s24, $0xA;
	s1 =	sor.u32 s1, s7  }
0xf: {  	s13 =	sshll.u32 s26, $0x7;
	s8 =	sshll.u32 s26, $0xA;
	s1 =	sor.u32 s22, s1  }
0x10: {  	s26 =	simm.s32 $0x2;
	[smem:$0x7FF] =	sst s5;
	s1 =	sshrl.u32 s1, $0x3  }
0x11: {  	s7 =	sand.u32 $0x3F8000, s25;
	s13 =	sand.u32 $0xF80, s13;
	s1 =	sadd.s32 s2, s1  }
0x12: {  	v0 =	vlaneseq.u32;
	_ =	strace $0x80000047;
	[dreg:$0x4] =	wrdreg s1;
	s1 =	sadd.s32 $0x80, s1  }
0x13: {  	v1 =	vmul.u32 $0x80, v0;
	v3 =	vor.u32 $0x10, v0;
	v5 =	vor.u32 $0x20, v0;
	s8 =	sand.u32 $0x3F8000, s8;
	[dreg:$0x5] =	wrdreg s1;
	s1 =	sshll.u32 s24, $0x7  }
0x14: {  	v7 =	vor.u32 $0x30, v0;
	v9 =	vor.u32 $0x40, v0;
	v11 =	vor.u32 $0x50, v0;
	s25 =	simm.s32 $0x8000;
	s13 =	sadd.s32 s4, s13;
	s1 =	sand.u32 $0xF00, s1  }
0x15: {  	v13 =	vor.u32 $0x60, v0;
	v15 =	vor.u32 $0x70, v0;
	v2 =	vor.u32 $0x800, v1;
	[dreg:$0x8] =	wrdreg s0;
	s31 =	sadd.s32 s8, s13;
	s1 =	sadd.s32 s4, s1  }
0x16: {  	v4 =	vor.u32 $0x1000, v1;
	v6 =	vor.u32 $0x1800, v1;
	v8 =	vor.u32 $0x2000, v1;
	s22 =	simm.s32 $0x1;
	[dreg:$0x7] =	wrdreg s31;
	s1 =	sadd.s32 s7, s1  }
0x17: {  	v10 =	vor.u32 $0x2800, v1;
	v12 =	vor.u32 $0x3000, v1;
	v14 =	vor.u32 $0x3800, v1;
	s24 =	simm.s32 $0x400;
	s7 =	simm.s32 $0x0;
	[dreg:$0x6] =	wrdreg s1  }
.LBB2_1:
0x18: {  	[dreg:$0x9] =	wrdreg s7  }
0x19: {  	s0 =	rddreg [dreg:$0x4]  }
0x1a: {  	[tilespmem:s5], [sflag:$0x7] =	stream.linear.gather [hbm4b:s0+s5], $0x80, $0x38;
	[tilespmem:$0x12200] =	vst v63  }
0x1b: {  	_ =	swait.ge [sflag:s16], $0x80  }
0x1c: {  	[sflag:s16] =	ssyncset.done $0x0  }
0x1d: {  	[sflag:s16] =	ssyncadd.s32 $0xFFFFFF80  }
0x1e: {  	[tilespmem:s18], [sflag:$0x1] =	stream.indirect.gather [hbm4b:s6+s17], $0x80, s5, s17, $0xb8;
	[tilespmem:$0x12200] =	vst v63  }
0x1f: {  	s31 =	rddreg [dreg:$0x5]  }
0x20: {  	[tilespmem:s17], [sflag:$0x7] =	stream.linear.gather [hbm4b:s31+s5], $0x80, $0x38;
	[tilespmem:$0x12200] =	vst v63  }
0x21: {  	_ =	swait.ge [sflag:s16], $0x80  }
0x22: {  	[sflag:s16] =	ssyncset.done $0x0  }
0x23: {  	s13 =	simm.s32 $0x0;
	[sflag:s16] =	ssyncadd.s32 $0xFFFFFF80  }
0x24: {  	[tilespmem:s19], [sflag:$0x2] =	stream.indirect.gather [hbm4b:s6+s17], $0x80, s17, s17, $0xb8;
	[tilespmem:$0x12200] =	vst v63  }
.LBB2_2:
0x25: {  	s7 =	smul.u32 $0x3, s13;
	_ =	sdelay $0x1  }
0x26: {  	s0 =	sadd.s32 s7, s9  }
0x27: {  	s1 =	sshll.u32 s0, $0x7;
	s14 =	sshll.u32 s0, $0x2  }
0x28: {  	s15 =	sshll.u32 s0, $0xA;
	s1 =	sand.u32 $0x7FFF8000, s1;
	s31 =	sand.u32 $0x380, s14  }
0x29: {  	s14 =	sand.u32 $0x7C00, s15;
	s1 =	sor.u32 s1, s31  }
0x2a: {  	s1 =	sor.u32 s14, s1  }
0x2b: {  	s1 =	sshrl.u32 s1, $0x3  }
0x2c: {  	s1 =	sadd.s32 s2, s1  }
0x2d: {  	[tilespmem:s20], [sflag:$0x7] =	stream.linear.gather [hbm4b:s1+s5], $0x80, $0x38;
	[tilespmem:$0x12200] =	vst v63  }
0x2e: {  	_ =	swait.ge [sflag:s16], $0x80  }
0x2f: {  	[sflag:s16] =	ssyncset.done $0x0  }
0x30: {  	s8 =	simm.s32 $0x0;
	[sflag:s16] =	ssyncadd.s32 $0xFFFFFF80  }
0x31: {  	v16 =	vadd.s32 s8, v0;
	[tilespmem:s21], [sflag:$0x3] =	stream.indirect.gather [hbm4b:s6+s17], $0x80, s20, s17, $0xb8;
	[tilespmem:$0x12200] =	vst v63  }
0x32: {  	v16 =	vand.u32 $0x3F, v16;
	_ =	swait.ge [sflag:s22], $0x4000  }
0x33: {  	p0 =	seq.s32 s13, $0x0;
	v17 =	vor.u32 v1, v16;
	[sflag:s22] =	ssyncset.done $0x0  }
0x34: {  	s1 =	simm.s32 @!p0 $0x4;
	[sflag:s22] =	ssyncadd.s32 $0xFFFFC000  }
0x35: {  	_ =	swait.ge @!p0 [sflag:s1], $0x2000  }
0x36: {  	[sflag:s1] =	ssyncset.done @!p0 $0x0  }
0x37: {  	v18 =	vshll.u32 v16, $0x7;
	[sflag:s1] =	ssyncadd.s32 @!p0 $0xFFFFE000  }
0x38: {  	v19 =	vor.u32 v0, v18;
	v17 =	vld.idx.msk [tilespmem:v17+s18+$0x0], $0xffff  }
0x39: {  	v20 =	vor.u32 v2, v16;
	_ =	sdelay $0x3  }
0x3a: {  	[tilespmem:v19+s23+$0x0] =	vst.idx.msk $0xffff, v17  }
0x3b: {  	v19 =	vor.u32 v3, v18;
	v17 =	vld.idx.msk [tilespmem:v20+s18+$0x0], $0xffff  }
0x3c: {  	v20 =	vor.u32 v4, v16;
	_ =	sdelay $0x3  }
0x3d: {  	[tilespmem:v19+s23+$0x0] =	vst.idx.msk $0xffff, v17  }
0x3e: {  	v19 =	vor.u32 v5, v18;
	v17 =	vld.idx.msk [tilespmem:v20+s18+$0x0], $0xffff  }
0x3f: {  	v20 =	vor.u32 v6, v16;
	_ =	sdelay $0x3  }
0x40: {  	[tilespmem:v19+s23+$0x0] =	vst.idx.msk $0xffff, v17  }
0x41: {  	v19 =	vor.u32 v7, v18;
	v17 =	vld.idx.msk [tilespmem:v20+s18+$0x0], $0xffff  }
0x42: {  	v20 =	vor.u32 v8, v16;
	_ =	sdelay $0x3  }
0x43: {  	[tilespmem:v19+s23+$0x0] =	vst.idx.msk $0xffff, v17  }
0x44: {  	v19 =	vor.u32 v9, v18;
	v17 =	vld.idx.msk [tilespmem:v20+s18+$0x0], $0xffff  }
0x45: {  	v20 =	vor.u32 v10, v16;
	_ =	sdelay $0x3  }
0x46: {  	[tilespmem:v19+s23+$0x0] =	vst.idx.msk $0xffff, v17  }
0x47: {  	v19 =	vor.u32 v11, v18;
	v17 =	vld.idx.msk [tilespmem:v20+s18+$0x0], $0xffff  }
0x48: {  	v20 =	vor.u32 v12, v16;
	_ =	sdelay $0x3  }
0x49: {  	[tilespmem:v19+s23+$0x0] =	vst.idx.msk $0xffff, v17  }
0x4a: {  	v19 =	vor.u32 v13, v18;
	v17 =	vld.idx.msk [tilespmem:v20+s18+$0x0], $0xffff  }
0x4b: {  	v16 =	vor.u32 v14, v16;
	_ =	sdelay $0x2  }
0x4c: {  	s15 =	simm.s32 $0x1  }
0x4d: {  	[tilespmem:v19+s23+$0x0] =	vst.idx.msk $0xffff, v17;
	v17 =	vadd.s32 s15, v0  }
0x4e: {  	v18 =	vor.u32 v15, v18;
	v16 =	vld.idx.msk [tilespmem:v16+s18+$0x0], $0xffff;
	v17 =	vand.u32 $0x3F, v17  }
0x4f: {  	v19 =	vor.u32 v1, v17;
	_ =	sdelay $0x3  }
0x50: {  	[tilespmem:v18+s23+$0x0] =	vst.idx.msk $0xffff, v16;
	v16 =	vshll.u32 v17, $0x7  }
0x51: {  	v18 =	vld.idx.msk [tilespmem:v19+s18+$0x0], $0xffff;
	v19 =	vor.u32 v0, v16  }
0x52: {  	v20 =	vor.u32 v2, v17;
	_ =	sdelay $0x3  }
0x53: {  	[tilespmem:v19+s23+$0x0] =	vst.idx.msk $0xffff, v18  }
0x54: {  	v19 =	vor.u32 v3, v16;
	v18 =	vld.idx.msk [tilespmem:v20+s18+$0x0], $0xffff  }
0x55: {  	v20 =	vor.u32 v4, v17;
	_ =	sdelay $0x3  }
0x56: {  	[tilespmem:v19+s23+$0x0] =	vst.idx.msk $0xffff, v18  }
0x57: {  	v19 =	vor.u32 v5, v16;
	v18 =	vld.idx.msk [tilespmem:v20+s18+$0x0], $0xffff  }
0x58: {  	v20 =	vor.u32 v6, v17;
	_ =	sdelay $0x3  }
0x59: {  	[tilespmem:v19+s23+$0x0] =	vst.idx.msk $0xffff, v18  }
0x5a: {  	v19 =	vor.u32 v7, v16;
	v18 =	vld.idx.msk [tilespmem:v20+s18+$0x0], $0xffff  }
0x5b: {  	v20 =	vor.u32 v8, v17;
	_ =	sdelay $0x3  }
0x5c: {  	[tilespmem:v19+s23+$0x0] =	vst.idx.msk $0xffff, v18  }
0x5d: {  	v19 =	vor.u32 v9, v16;
	v18 =	vld.idx.msk [tilespmem:v20+s18+$0x0], $0xffff  }
0x5e: {  	v20 =	vor.u32 v10, v17;
	_ =	sdelay $0x3  }
0x5f: {  	[tilespmem:v19+s23+$0x0] =	vst.idx.msk $0xffff, v18  }
0x60: {  	v19 =	vor.u32 v11, v16;
	v18 =	vld.idx.msk [tilespmem:v20+s18+$0x0], $0xffff  }
0x61: {  	v20 =	vor.u32 v12, v17;
	_ =	sdelay $0x3  }
0x62: {  	[tilespmem:v19+s23+$0x0] =	vst.idx.msk $0xffff, v18  }
0x63: {  	v19 =	vor.u32 v13, v16;
	v18 =	vld.idx.msk [tilespmem:v20+s18+$0x0], $0xffff  }
0x64: {  	v17 =	vor.u32 v14, v17;
	_ =	sdelay $0x3  }
0x65: {  	s31 =	simm.s32 $0x2;
	[tilespmem:v19+s23+$0x0] =	vst.idx.msk $0xffff, v18  }
0x66: {  	s1 =	simm.s32 $0x4;
	s15 =	sshrl.u32 s0, $0x5;
	s0 =	sadd.s32 s3, s7;
	v18 =	vadd.s32 s31, v0;
	v17 =	vld.idx.msk [tilespmem:v17+s18+$0x0], $0xffff  }
.LBB2_3:
0x67: {  	p1 =	slt.u32 s1, $0x3E;
	v18 =	vand.u32 $0x3F, v18;
	v16 =	vor.u32 v15, v16  }
0x68: {  	v19 =	vor.u32 v1, v18;
	_ =	sdelay $0x3  }
0x69: {  	[tilespmem:v16+s23+$0x0] =	vst.idx.msk $0xffff, v17  }
0x6a: {  	v17 =	vshll.u32 v18, $0x7;
	v16 =	vld.idx.msk [tilespmem:v19+s18+$0x0], $0xffff  }
0x6b: {  	v19 =	vor.u32 v0, v17  }
0x6c: {  	v20 =	vor.u32 v2, v18;
	_ =	sdelay $0x3  }
0x6d: {  	[tilespmem:v19+s23+$0x0] =	vst.idx.msk $0xffff, v16  }
0x6e: {  	v16 =	vld.idx.msk [tilespmem:v20+s18+$0x0], $0xffff  }
0x6f: {  	v19 =	vor.u32 v3, v17  }
0x70: {  	v20 =	vor.u32 v4, v18;
	_ =	sdelay $0x3  }
0x71: {  	[tilespmem:v19+s23+$0x0] =	vst.idx.msk $0xffff, v16  }
0x72: {  	v16 =	vld.idx.msk [tilespmem:v20+s18+$0x0], $0xffff  }
0x73: {  	v19 =	vor.u32 v5, v17  }
0x74: {  	v20 =	vor.u32 v6, v18;
	_ =	sdelay $0x3  }
0x75: {  	[tilespmem:v19+s23+$0x0] =	vst.idx.msk $0xffff, v16  }
0x76: {  	v16 =	vld.idx.msk [tilespmem:v20+s18+$0x0], $0xffff  }
0x77: {  	v19 =	vor.u32 v7, v17  }
0x78: {  	v20 =	vor.u32 v8, v18;
	_ =	sdelay $0x3  }
0x79: {  	[tilespmem:v19+s23+$0x0] =	vst.idx.msk $0xffff, v16  }
0x7a: {  	v16 =	vld.idx.msk [tilespmem:v20+s18+$0x0], $0xffff  }
0x7b: {  	v19 =	vor.u32 v9, v17  }
0x7c: {  	v20 =	vor.u32 v10, v18;
	_ =	sdelay $0x3  }
0x7d: {  	[tilespmem:v19+s23+$0x0] =	vst.idx.msk $0xffff, v16  }
0x7e: {  	v16 =	vld.idx.msk [tilespmem:v20+s18+$0x0], $0xffff  }
0x7f: {  	v19 =	vor.u32 v11, v17  }
0x80: {  	v20 =	vor.u32 v12, v18;
	_ =	sdelay $0x3  }
0x81: {  	[tilespmem:v19+s23+$0x0] =	vst.idx.msk $0xffff, v16  }
0x82: {  	v16 =	vld.idx.msk [tilespmem:v20+s18+$0x0], $0xffff  }
0x83: {  	v19 =	vor.u32 v13, v17  }
0x84: {  	v18 =	vor.u32 v14, v18;
	_ =	sdelay $0x3  }
0x85: {  	s8 =	sadd.s32 $0x1, s31;
	s31 =	smov.u32 s1;
	[tilespmem:v19+s23+$0x0] =	vst.idx.msk $0xffff, v16  }
0x86: {  	v16 =	vld.idx.msk [tilespmem:v18+s18+$0x0], $0xffff;
	v18 =	vadd.s32 s8, v0  }
0x87: {  	v17 =	vor.u32 v15, v17;
	v18 =	vand.u32 $0x3F, v18  }
0x88: {  	v19 =	vor.u32 v1, v18;
	_ =	sdelay $0x3  }
0x89: {  	[tilespmem:v17+s23+$0x0] =	vst.idx.msk $0xffff, v16  }
0x8a: {  	v16 =	vshll.u32 v18, $0x7;
	v17 =	vld.idx.msk [tilespmem:v19+s18+$0x0], $0xffff  }
0x8b: {  	v19 =	vor.u32 v0, v16  }
0x8c: {  	v20 =	vor.u32 v2, v18;
	_ =	sdelay $0x3  }
0x8d: {  	[tilespmem:v19+s23+$0x0] =	vst.idx.msk $0xffff, v17  }
0x8e: {  	v17 =	vld.idx.msk [tilespmem:v20+s18+$0x0], $0xffff  }
0x8f: {  	v19 =	vor.u32 v3, v16  }
0x90: {  	v20 =	vor.u32 v4, v18;
	_ =	sdelay $0x3  }
0x91: {  	[tilespmem:v19+s23+$0x0] =	vst.idx.msk $0xffff, v17  }
0x92: {  	v17 =	vld.idx.msk [tilespmem:v20+s18+$0x0], $0xffff  }
0x93: {  	v19 =	vor.u32 v5, v16  }
0x94: {  	v20 =	vor.u32 v6, v18;
	_ =	sdelay $0x3  }
0x95: {  	[tilespmem:v19+s23+$0x0] =	vst.idx.msk $0xffff, v17  }
0x96: {  	v17 =	vld.idx.msk [tilespmem:v20+s18+$0x0], $0xffff  }
0x97: {  	v19 =	vor.u32 v7, v16  }
0x98: {  	v20 =	vor.u32 v8, v18;
	_ =	sdelay $0x3  }
0x99: {  	[tilespmem:v19+s23+$0x0] =	vst.idx.msk $0xffff, v17  }
0x9a: {  	v17 =	vld.idx.msk [tilespmem:v20+s18+$0x0], $0xffff  }
0x9b: {  	v19 =	vor.u32 v9, v16  }
0x9c: {  	v20 =	vor.u32 v10, v18;
	_ =	sdelay $0x3  }
0x9d: {  	[tilespmem:v19+s23+$0x0] =	vst.idx.msk $0xffff, v17  }
0x9e: {  	v17 =	vld.idx.msk [tilespmem:v20+s18+$0x0], $0xffff  }
0x9f: {  	v19 =	vor.u32 v11, v16  }
0xa0: {  	v20 =	vor.u32 v12, v18;
	_ =	sdelay $0x3  }
0xa1: {  	[tilespmem:v19+s23+$0x0] =	vst.idx.msk $0xffff, v17  }
0xa2: {  	v17 =	vld.idx.msk [tilespmem:v20+s18+$0x0], $0xffff  }
0xa3: {  	v19 =	vor.u32 v13, v16  }
0xa4: {  	v20 =	vor.u32 v14, v18  }
.Ltmp0:
0xa5: {  	(pc) =	sbr.rel @p1 .LBB2_3-.Ltmp0, $3  }
0xa6: {  	_ =	sdelay $0x1  }
0xa7: {  	[tilespmem:v19+s23+$0x0] =	vst.idx.msk $0xffff, v17  }
0xa8: {  	s1 =	sadd.s32 $0x2, s1;
	v18 =	vadd.s32 s31, v0;
	v17 =	vld.idx.msk [tilespmem:v20+s18+$0x0], $0xffff  }
0xa9: {  	v18 =	vand.u32 $0x3F, v18;
	v16 =	vor.u32 v15, v16  }
0xaa: {  	v19 =	vor.u32 v1, v18;
	_ =	sdelay $0x3  }
0xab: {  	[tilespmem:v16+s23+$0x0] =	vst.idx.msk $0xffff, v17;
	v16 =	vshll.u32 v18, $0x7  }
0xac: {  	v17 =	vld.idx.msk [tilespmem:v19+s18+$0x0], $0xffff;
	v19 =	vor.u32 v0, v16  }
0xad: {  	v20 =	vor.u32 v2, v18;
	_ =	sdelay $0x3  }
0xae: {  	[tilespmem:v19+s23+$0x0] =	vst.idx.msk $0xffff, v17  }
0xaf: {  	v19 =	vor.u32 v3, v16;
	v17 =	vld.idx.msk [tilespmem:v20+s18+$0x0], $0xffff  }
0xb0: {  	v20 =	vor.u32 v4, v18;
	_ =	sdelay $0x3  }
0xb1: {  	[tilespmem:v19+s23+$0x0] =	vst.idx.msk $0xffff, v17  }
0xb2: {  	v19 =	vor.u32 v5, v16;
	v17 =	vld.idx.msk [tilespmem:v20+s18+$0x0], $0xffff  }
0xb3: {  	v20 =	vor.u32 v6, v18;
	_ =	sdelay $0x3  }
0xb4: {  	[tilespmem:v19+s23+$0x0] =	vst.idx.msk $0xffff, v17  }
0xb5: {  	v19 =	vor.u32 v7, v16;
	v17 =	vld.idx.msk [tilespmem:v20+s18+$0x0], $0xffff  }
0xb6: {  	v20 =	vor.u32 v8, v18;
	_ =	sdelay $0x3  }
0xb7: {  	[tilespmem:v19+s23+$0x0] =	vst.idx.msk $0xffff, v17  }
0xb8: {  	v19 =	vor.u32 v9, v16;
	v17 =	vld.idx.msk [tilespmem:v20+s18+$0x0], $0xffff  }
0xb9: {  	v20 =	vor.u32 v10, v18;
	_ =	sdelay $0x3  }
0xba: {  	[tilespmem:v19+s23+$0x0] =	vst.idx.msk $0xffff, v17  }
0xbb: {  	v19 =	vor.u32 v11, v16;
	v17 =	vld.idx.msk [tilespmem:v20+s18+$0x0], $0xffff  }
0xbc: {  	v20 =	vor.u32 v12, v18;
	_ =	sdelay $0x3  }
0xbd: {  	[tilespmem:v19+s23+$0x0] =	vst.idx.msk $0xffff, v17  }
0xbe: {  	v19 =	vor.u32 v13, v16;
	v17 =	vld.idx.msk [tilespmem:v20+s18+$0x0], $0xffff  }
0xbf: {  	v18 =	vor.u32 v14, v18;
	_ =	sdelay $0x2  }
0xc0: {  	s1 =	sadd.s32 $0x1, s31  }
0xc1: {  	[tilespmem:v19+s23+$0x0] =	vst.idx.msk $0xffff, v17;
	v17 =	vadd.s32 s1, v0  }
0xc2: {  	v16 =	vor.u32 v15, v16;
	v18 =	vld.idx.msk [tilespmem:v18+s18+$0x0], $0xffff;
	v17 =	vand.u32 $0x3F, v17  }
0xc3: {  	v19 =	vor.u32 v1, v17;
	_ =	sdelay $0x3  }
0xc4: {  	[tilespmem:v16+s23+$0x0] =	vst.idx.msk $0xffff, v18;
	v16 =	vshll.u32 v17, $0x7  }
0xc5: {  	v18 =	vld.idx.msk [tilespmem:v19+s18+$0x0], $0xffff;
	v19 =	vor.u32 v0, v16  }
0xc6: {  	v20 =	vor.u32 v2, v17;
	_ =	sdelay $0x3  }
0xc7: {  	[tilespmem:v19+s23+$0x0] =	vst.idx.msk $0xffff, v18  }
0xc8: {  	v19 =	vor.u32 v3, v16;
	v18 =	vld.idx.msk [tilespmem:v20+s18+$0x0], $0xffff  }
0xc9: {  	v20 =	vor.u32 v4, v17;
	_ =	sdelay $0x3  }
0xca: {  	[tilespmem:v19+s23+$0x0] =	vst.idx.msk $0xffff, v18  }
0xcb: {  	v19 =	vor.u32 v5, v16;
	v18 =	vld.idx.msk [tilespmem:v20+s18+$0x0], $0xffff  }
0xcc: {  	v20 =	vor.u32 v6, v17;
	_ =	sdelay $0x3  }
0xcd: {  	[tilespmem:v19+s23+$0x0] =	vst.idx.msk $0xffff, v18  }
0xce: {  	v19 =	vor.u32 v7, v16;
	v18 =	vld.idx.msk [tilespmem:v20+s18+$0x0], $0xffff  }
0xcf: {  	v20 =	vor.u32 v8, v17;
	_ =	sdelay $0x3  }
0xd0: {  	[tilespmem:v19+s23+$0x0] =	vst.idx.msk $0xffff, v18  }
0xd1: {  	v19 =	vor.u32 v9, v16;
	v18 =	vld.idx.msk [tilespmem:v20+s18+$0x0], $0xffff  }
0xd2: {  	v20 =	vor.u32 v10, v17;
	_ =	sdelay $0x3  }
0xd3: {  	[tilespmem:v19+s23+$0x0] =	vst.idx.msk $0xffff, v18  }
0xd4: {  	v19 =	vor.u32 v11, v16;
	v18 =	vld.idx.msk [tilespmem:v20+s18+$0x0], $0xffff  }
0xd5: {  	v20 =	vor.u32 v12, v17;
	_ =	sdelay $0x3  }
0xd6: {  	[tilespmem:v19+s23+$0x0] =	vst.idx.msk $0xffff, v18  }
0xd7: {  	v19 =	vor.u32 v13, v16;
	v18 =	vld.idx.msk [tilespmem:v20+s18+$0x0], $0xffff  }
0xd8: {  	v17 =	vor.u32 v14, v17;
	_ =	sdelay $0x3  }
0xd9: {  	[tilespmem:v19+s23+$0x0] =	vst.idx.msk $0xffff, v18  }
0xda: {  	v16 =	vor.u32 v15, v16;
	v17 =	vld.idx.msk [tilespmem:v17+s18+$0x0], $0xffff;
	_ =	sdelay $0x1  }
0xdb: {  	s1 =	sshll.u32 s0, $0x7  }
0xdc: {  	s8 =	sshll.u32 s0, $0xA;
	s1 =	sand.u32 $0xF80, s1  }
0xdd: {  	s0 =	sand.u32 $0xFFF8000, s8;
	s1 =	sadd.s32 s4, s1  }
0xde: {  	s0 =	sadd.s32 s0, s1;
	[tilespmem:v16+s23+$0x0] =	vst.idx.msk $0xffff, v17  }
0xdf: {  	[hbm4b:s0+s24] =	stream.strided.scatter [tilespmem:s23], [sflag:$0x4], $0x2000, s25, s24, $0x38;
	[tilespmem:$0x12200] =	vst v63  }
0xe0: {  	s0 =	sadd.s32 s7, s10  }
0xe1: {  	s1 =	sshll.u32 s0, $0x4;
	s8 =	sshll.u32 s0, $0x7;
	s0 =	sshrl.u32 s0, $0x1  }
0xe2: {  	s1 =	sand.u32 $0xFFFF000, s1;
	s8 =	sand.u32 $0xF80, s8;
	s0 =	sand.u32 $0x70, s0  }
0xe3: {  	s1 =	sor.u32 s1, s8;
	s0 =	sadd.s32 s2, s0  }
0xe4: {  	s0 =	sadd.s32 s1, s0  }
0xe5: {  	[tilespmem:s5], [sflag:$0x7] =	stream.linear.gather [hbm4b:s0+s5], $0x80, $0x38;
	[tilespmem:$0x12200] =	vst v63  }
0xe6: {  	_ =	swait.ge [sflag:s16], $0x80  }
0xe7: {  	[sflag:s16] =	ssyncset.done $0x0  }
0xe8: {  	s1 =	simm.s32 $0x0;
	[sflag:s16] =	ssyncadd.s32 $0xFFFFFF80  }
0xe9: {  	v16 =	vadd.s32 s1, v0;
	[tilespmem:s18], [sflag:$0x1] =	stream.indirect.gather [hbm4b:s6+s17], $0x80, s5, s17, $0xb8;
	[tilespmem:$0x12200] =	vst v63  }
0xea: {  	v16 =	vand.u32 $0x3F, v16;
	_ =	swait.ge [sflag:s26], $0x4000  }
0xeb: {  	v17 =	vor.u32 v1, v16;
	[sflag:s26] =	ssyncset.done $0x0  }
0xec: {  	s0 =	simm.s32 @!p0 $0x5;
	[sflag:s26] =	ssyncadd.s32 $0xFFFFC000  }
0xed: {  	_ =	swait.ge @!p0 [sflag:s0], $0x2000  }
0xee: {  	[sflag:s0] =	ssyncset.done @!p0 $0x0  }
0xef: {  	v18 =	vshll.u32 v16, $0x7;
	[sflag:s0] =	ssyncadd.s32 @!p0 $0xFFFFE000  }
0xf0: {  	v19 =	vor.u32 v0, v18;
	v17 =	vld.idx.msk [tilespmem:v17+s19+$0x0], $0xffff  }
0xf1: {  	v20 =	vor.u32 v2, v16;
	_ =	sdelay $0x3  }
0xf2: {  	[tilespmem:v19+s28+$0x0] =	vst.idx.msk $0xffff, v17  }
0xf3: {  	v19 =	vor.u32 v3, v18;
	v17 =	vld.idx.msk [tilespmem:v20+s19+$0x0], $0xffff  }
0xf4: {  	v20 =	vor.u32 v4, v16;
	_ =	sdelay $0x3  }
0xf5: {  	[tilespmem:v19+s28+$0x0] =	vst.idx.msk $0xffff, v17  }
0xf6: {  	v19 =	vor.u32 v5, v18;
	v17 =	vld.idx.msk [tilespmem:v20+s19+$0x0], $0xffff  }
0xf7: {  	v20 =	vor.u32 v6, v16;
	_ =	sdelay $0x3  }
0xf8: {  	[tilespmem:v19+s28+$0x0] =	vst.idx.msk $0xffff, v17  }
0xf9: {  	v19 =	vor.u32 v7, v18;
	v17 =	vld.idx.msk [tilespmem:v20+s19+$0x0], $0xffff  }
0xfa: {  	v20 =	vor.u32 v8, v16;
	_ =	sdelay $0x3  }
0xfb: {  	[tilespmem:v19+s28+$0x0] =	vst.idx.msk $0xffff, v17  }
0xfc: {  	v19 =	vor.u32 v9, v18;
	v17 =	vld.idx.msk [tilespmem:v20+s19+$0x0], $0xffff  }
0xfd: {  	v20 =	vor.u32 v10, v16;
	_ =	sdelay $0x3  }
0xfe: {  	[tilespmem:v19+s28+$0x0] =	vst.idx.msk $0xffff, v17  }
0xff: {  	v19 =	vor.u32 v11, v18;
	v17 =	vld.idx.msk [tilespmem:v20+s19+$0x0], $0xffff  }
0x100: {  	v20 =	vor.u32 v12, v16;
	_ =	sdelay $0x3  }
0x101: {  	[tilespmem:v19+s28+$0x0] =	vst.idx.msk $0xffff, v17  }
0x102: {  	v19 =	vor.u32 v13, v18;
	v17 =	vld.idx.msk [tilespmem:v20+s19+$0x0], $0xffff  }
0x103: {  	v16 =	vor.u32 v14, v16;
	_ =	sdelay $0x2  }
0x104: {  	s8 =	simm.s32 $0x1  }
0x105: {  	[tilespmem:v19+s28+$0x0] =	vst.idx.msk $0xffff, v17;
	v17 =	vadd.s32 s8, v0  }
0x106: {  	v18 =	vor.u32 v15, v18;
	v16 =	vld.idx.msk [tilespmem:v16+s19+$0x0], $0xffff;
	v17 =	vand.u32 $0x3F, v17  }
0x107: {  	v19 =	vor.u32 v1, v17;
	_ =	sdelay $0x3  }
0x108: {  	[tilespmem:v18+s28+$0x0] =	vst.idx.msk $0xffff, v16;
	v16 =	vshll.u32 v17, $0x7  }
0x109: {  	v18 =	vld.idx.msk [tilespmem:v19+s19+$0x0], $0xffff;
	v19 =	vor.u32 v0, v16  }
0x10a: {  	v20 =	vor.u32 v2, v17;
	_ =	sdelay $0x3  }
0x10b: {  	[tilespmem:v19+s28+$0x0] =	vst.idx.msk $0xffff, v18  }
0x10c: {  	v19 =	vor.u32 v3, v16;
	v18 =	vld.idx.msk [tilespmem:v20+s19+$0x0], $0xffff  }
0x10d: {  	v20 =	vor.u32 v4, v17;
	_ =	sdelay $0x3  }
0x10e: {  	[tilespmem:v19+s28+$0x0] =	vst.idx.msk $0xffff, v18  }
0x10f: {  	v19 =	vor.u32 v5, v16;
	v18 =	vld.idx.msk [tilespmem:v20+s19+$0x0], $0xffff  }
0x110: {  	v20 =	vor.u32 v6, v17;
	_ =	sdelay $0x3  }
0x111: {  	[tilespmem:v19+s28+$0x0] =	vst.idx.msk $0xffff, v18  }
0x112: {  	v19 =	vor.u32 v7, v16;
	v18 =	vld.idx.msk [tilespmem:v20+s19+$0x0], $0xffff  }
0x113: {  	v20 =	vor.u32 v8, v17;
	_ =	sdelay $0x3  }
0x114: {  	[tilespmem:v19+s28+$0x0] =	vst.idx.msk $0xffff, v18  }
0x115: {  	v19 =	vor.u32 v9, v16;
	v18 =	vld.idx.msk [tilespmem:v20+s19+$0x0], $0xffff  }
0x116: {  	v20 =	vor.u32 v10, v17;
	_ =	sdelay $0x3  }
0x117: {  	[tilespmem:v19+s28+$0x0] =	vst.idx.msk $0xffff, v18  }
0x118: {  	v19 =	vor.u32 v11, v16;
	v18 =	vld.idx.msk [tilespmem:v20+s19+$0x0], $0xffff  }
0x119: {  	v20 =	vor.u32 v12, v17;
	_ =	sdelay $0x3  }
0x11a: {  	[tilespmem:v19+s28+$0x0] =	vst.idx.msk $0xffff, v18  }
0x11b: {  	v19 =	vor.u32 v13, v16;
	v18 =	vld.idx.msk [tilespmem:v20+s19+$0x0], $0xffff  }
0x11c: {  	v17 =	vor.u32 v14, v17;
	_ =	sdelay $0x3  }
0x11d: {  	s31 =	simm.s32 $0x2;
	[tilespmem:v19+s28+$0x0] =	vst.idx.msk $0xffff, v18  }
0x11e: {  	s1 =	simm.s32 $0x4;
	s0 =	sadd.s32 s7, s11;
	v18 =	vadd.s32 s31, v0;
	v17 =	vld.idx.msk [tilespmem:v17+s19+$0x0], $0xffff  }
.LBB2_5:
0x11f: {  	p1 =	slt.u32 s1, $0x3E;
	v18 =	vand.u32 $0x3F, v18;
	v16 =	vor.u32 v15, v16  }
0x120: {  	v19 =	vor.u32 v1, v18;
	_ =	sdelay $0x3  }
0x121: {  	[tilespmem:v16+s28+$0x0] =	vst.idx.msk $0xffff, v17  }
0x122: {  	v17 =	vshll.u32 v18, $0x7;
	v16 =	vld.idx.msk [tilespmem:v19+s19+$0x0], $0xffff  }
0x123: {  	v19 =	vor.u32 v0, v17  }
0x124: {  	v20 =	vor.u32 v2, v18;
	_ =	sdelay $0x3  }
0x125: {  	[tilespmem:v19+s28+$0x0] =	vst.idx.msk $0xffff, v16  }
0x126: {  	v16 =	vld.idx.msk [tilespmem:v20+s19+$0x0], $0xffff  }
0x127: {  	v19 =	vor.u32 v3, v17  }
0x128: {  	v20 =	vor.u32 v4, v18;
	_ =	sdelay $0x3  }
0x129: {  	[tilespmem:v19+s28+$0x0] =	vst.idx.msk $0xffff, v16  }
0x12a: {  	v16 =	vld.idx.msk [tilespmem:v20+s19+$0x0], $0xffff  }
0x12b: {  	v19 =	vor.u32 v5, v17  }
0x12c: {  	v20 =	vor.u32 v6, v18;
	_ =	sdelay $0x3  }
0x12d: {  	[tilespmem:v19+s28+$0x0] =	vst.idx.msk $0xffff, v16  }
0x12e: {  	v16 =	vld.idx.msk [tilespmem:v20+s19+$0x0], $0xffff  }
0x12f: {  	v19 =	vor.u32 v7, v17  }
0x130: {  	v20 =	vor.u32 v8, v18;
	_ =	sdelay $0x3  }
0x131: {  	[tilespmem:v19+s28+$0x0] =	vst.idx.msk $0xffff, v16  }
0x132: {  	v16 =	vld.idx.msk [tilespmem:v20+s19+$0x0], $0xffff  }
0x133: {  	v19 =	vor.u32 v9, v17  }
0x134: {  	v20 =	vor.u32 v10, v18;
	_ =	sdelay $0x3  }
0x135: {  	[tilespmem:v19+s28+$0x0] =	vst.idx.msk $0xffff, v16  }
0x136: {  	v16 =	vld.idx.msk [tilespmem:v20+s19+$0x0], $0xffff  }
0x137: {  	v19 =	vor.u32 v11, v17  }
0x138: {  	v20 =	vor.u32 v12, v18;
	_ =	sdelay $0x3  }
0x139: {  	[tilespmem:v19+s28+$0x0] =	vst.idx.msk $0xffff, v16  }
0x13a: {  	v16 =	vld.idx.msk [tilespmem:v20+s19+$0x0], $0xffff  }
0x13b: {  	v19 =	vor.u32 v13, v17  }
0x13c: {  	v18 =	vor.u32 v14, v18;
	_ =	sdelay $0x3  }
0x13d: {  	s8 =	sadd.s32 $0x1, s31;
	s31 =	smov.u32 s1;
	[tilespmem:v19+s28+$0x0] =	vst.idx.msk $0xffff, v16  }
0x13e: {  	v16 =	vld.idx.msk [tilespmem:v18+s19+$0x0], $0xffff;
	v18 =	vadd.s32 s8, v0  }
0x13f: {  	v17 =	vor.u32 v15, v17;
	v18 =	vand.u32 $0x3F, v18  }
0x140: {  	v19 =	vor.u32 v1, v18;
	_ =	sdelay $0x3  }
0x141: {  	[tilespmem:v17+s28+$0x0] =	vst.idx.msk $0xffff, v16  }
0x142: {  	v16 =	vshll.u32 v18, $0x7;
	v17 =	vld.idx.msk [tilespmem:v19+s19+$0x0], $0xffff  }
0x143: {  	v19 =	vor.u32 v0, v16  }
0x144: {  	v20 =	vor.u32 v2, v18;
	_ =	sdelay $0x3  }
0x145: {  	[tilespmem:v19+s28+$0x0] =	vst.idx.msk $0xffff, v17  }
0x146: {  	v17 =	vld.idx.msk [tilespmem:v20+s19+$0x0], $0xffff  }
0x147: {  	v19 =	vor.u32 v3, v16  }
0x148: {  	v20 =	vor.u32 v4, v18;
	_ =	sdelay $0x3  }
0x149: {  	[tilespmem:v19+s28+$0x0] =	vst.idx.msk $0xffff, v17  }
0x14a: {  	v17 =	vld.idx.msk [tilespmem:v20+s19+$0x0], $0xffff  }
0x14b: {  	v19 =	vor.u32 v5, v16  }
0x14c: {  	v20 =	vor.u32 v6, v18;
	_ =	sdelay $0x3  }
0x14d: {  	[tilespmem:v19+s28+$0x0] =	vst.idx.msk $0xffff, v17  }
0x14e: {  	v17 =	vld.idx.msk [tilespmem:v20+s19+$0x0], $0xffff  }
0x14f: {  	v19 =	vor.u32 v7, v16  }
0x150: {  	v20 =	vor.u32 v8, v18;
	_ =	sdelay $0x3  }
0x151: {  	[tilespmem:v19+s28+$0x0] =	vst.idx.msk $0xffff, v17  }
0x152: {  	v17 =	vld.idx.msk [tilespmem:v20+s19+$0x0], $0xffff  }
0x153: {  	v19 =	vor.u32 v9, v16  }
0x154: {  	v20 =	vor.u32 v10, v18;
	_ =	sdelay $0x3  }
0x155: {  	[tilespmem:v19+s28+$0x0] =	vst.idx.msk $0xffff, v17  }
0x156: {  	v17 =	vld.idx.msk [tilespmem:v20+s19+$0x0], $0xffff  }
0x157: {  	v19 =	vor.u32 v11, v16  }
0x158: {  	v20 =	vor.u32 v12, v18;
	_ =	sdelay $0x3  }
0x159: {  	[tilespmem:v19+s28+$0x0] =	vst.idx.msk $0xffff, v17  }
0x15a: {  	v17 =	vld.idx.msk [tilespmem:v20+s19+$0x0], $0xffff  }
0x15b: {  	v19 =	vor.u32 v13, v16  }
0x15c: {  	v20 =	vor.u32 v14, v18  }
.Ltmp1:
0x15d: {  	(pc) =	sbr.rel @p1 .LBB2_5-.Ltmp1, $3  }
0x15e: {  	_ =	sdelay $0x1  }
0x15f: {  	[tilespmem:v19+s28+$0x0] =	vst.idx.msk $0xffff, v17  }
0x160: {  	s1 =	sadd.s32 $0x2, s1;
	v18 =	vadd.s32 s31, v0;
	v17 =	vld.idx.msk [tilespmem:v20+s19+$0x0], $0xffff  }
0x161: {  	v18 =	vand.u32 $0x3F, v18;
	v16 =	vor.u32 v15, v16  }
0x162: {  	v19 =	vor.u32 v1, v18;
	_ =	sdelay $0x3  }
0x163: {  	[tilespmem:v16+s28+$0x0] =	vst.idx.msk $0xffff, v17;
	v16 =	vshll.u32 v18, $0x7  }
0x164: {  	v17 =	vld.idx.msk [tilespmem:v19+s19+$0x0], $0xffff;
	v19 =	vor.u32 v0, v16  }
0x165: {  	v20 =	vor.u32 v2, v18;
	_ =	sdelay $0x3  }
0x166: {  	[tilespmem:v19+s28+$0x0] =	vst.idx.msk $0xffff, v17  }
0x167: {  	v19 =	vor.u32 v3, v16;
	v17 =	vld.idx.msk [tilespmem:v20+s19+$0x0], $0xffff  }
0x168: {  	v20 =	vor.u32 v4, v18;
	_ =	sdelay $0x3  }
0x169: {  	[tilespmem:v19+s28+$0x0] =	vst.idx.msk $0xffff, v17  }
0x16a: {  	v19 =	vor.u32 v5, v16;
	v17 =	vld.idx.msk [tilespmem:v20+s19+$0x0], $0xffff  }
0x16b: {  	v20 =	vor.u32 v6, v18;
	_ =	sdelay $0x3  }
0x16c: {  	[tilespmem:v19+s28+$0x0] =	vst.idx.msk $0xffff, v17  }
0x16d: {  	v19 =	vor.u32 v7, v16;
	v17 =	vld.idx.msk [tilespmem:v20+s19+$0x0], $0xffff  }
0x16e: {  	v20 =	vor.u32 v8, v18;
	_ =	sdelay $0x3  }
0x16f: {  	[tilespmem:v19+s28+$0x0] =	vst.idx.msk $0xffff, v17  }
0x170: {  	v19 =	vor.u32 v9, v16;
	v17 =	vld.idx.msk [tilespmem:v20+s19+$0x0], $0xffff  }
0x171: {  	v20 =	vor.u32 v10, v18;
	_ =	sdelay $0x3  }
0x172: {  	[tilespmem:v19+s28+$0x0] =	vst.idx.msk $0xffff, v17  }
0x173: {  	v19 =	vor.u32 v11, v16;
	v17 =	vld.idx.msk [tilespmem:v20+s19+$0x0], $0xffff  }
0x174: {  	v20 =	vor.u32 v12, v18;
	_ =	sdelay $0x3  }
0x175: {  	[tilespmem:v19+s28+$0x0] =	vst.idx.msk $0xffff, v17  }
0x176: {  	v19 =	vor.u32 v13, v16;
	v17 =	vld.idx.msk [tilespmem:v20+s19+$0x0], $0xffff  }
0x177: {  	v18 =	vor.u32 v14, v18;
	_ =	sdelay $0x2  }
0x178: {  	s1 =	sadd.s32 $0x1, s31  }
0x179: {  	[tilespmem:v19+s28+$0x0] =	vst.idx.msk $0xffff, v17;
	v17 =	vadd.s32 s1, v0  }
0x17a: {  	v16 =	vor.u32 v15, v16;
	v18 =	vld.idx.msk [tilespmem:v18+s19+$0x0], $0xffff;
	v17 =	vand.u32 $0x3F, v17  }
0x17b: {  	v19 =	vor.u32 v1, v17;
	_ =	sdelay $0x3  }
0x17c: {  	[tilespmem:v16+s28+$0x0] =	vst.idx.msk $0xffff, v18;
	v16 =	vshll.u32 v17, $0x7  }
0x17d: {  	v18 =	vld.idx.msk [tilespmem:v19+s19+$0x0], $0xffff;
	v19 =	vor.u32 v0, v16  }
0x17e: {  	v20 =	vor.u32 v2, v17;
	_ =	sdelay $0x3  }
0x17f: {  	[tilespmem:v19+s28+$0x0] =	vst.idx.msk $0xffff, v18  }
0x180: {  	v19 =	vor.u32 v3, v16;
	v18 =	vld.idx.msk [tilespmem:v20+s19+$0x0], $0xffff  }
0x181: {  	v20 =	vor.u32 v4, v17;
	_ =	sdelay $0x3  }
0x182: {  	[tilespmem:v19+s28+$0x0] =	vst.idx.msk $0xffff, v18  }
0x183: {  	v19 =	vor.u32 v5, v16;
	v18 =	vld.idx.msk [tilespmem:v20+s19+$0x0], $0xffff  }
0x184: {  	v20 =	vor.u32 v6, v17;
	_ =	sdelay $0x3  }
0x185: {  	[tilespmem:v19+s28+$0x0] =	vst.idx.msk $0xffff, v18  }
0x186: {  	v19 =	vor.u32 v7, v16;
	v18 =	vld.idx.msk [tilespmem:v20+s19+$0x0], $0xffff  }
0x187: {  	v20 =	vor.u32 v8, v17;
	_ =	sdelay $0x3  }
0x188: {  	[tilespmem:v19+s28+$0x0] =	vst.idx.msk $0xffff, v18  }
0x189: {  	v19 =	vor.u32 v9, v16;
	v18 =	vld.idx.msk [tilespmem:v20+s19+$0x0], $0xffff  }
0x18a: {  	v20 =	vor.u32 v10, v17;
	_ =	sdelay $0x3  }
0x18b: {  	[tilespmem:v19+s28+$0x0] =	vst.idx.msk $0xffff, v18  }
0x18c: {  	v19 =	vor.u32 v11, v16;
	v18 =	vld.idx.msk [tilespmem:v20+s19+$0x0], $0xffff  }
0x18d: {  	v20 =	vor.u32 v12, v17;
	_ =	sdelay $0x3  }
0x18e: {  	[tilespmem:v19+s28+$0x0] =	vst.idx.msk $0xffff, v18  }
0x18f: {  	v19 =	vor.u32 v13, v16;
	v18 =	vld.idx.msk [tilespmem:v20+s19+$0x0], $0xffff  }
0x190: {  	v17 =	vor.u32 v14, v17;
	_ =	sdelay $0x3  }
0x191: {  	[tilespmem:v19+s28+$0x0] =	vst.idx.msk $0xffff, v18  }
0x192: {  	v16 =	vor.u32 v15, v16;
	v17 =	vld.idx.msk [tilespmem:v17+s19+$0x0], $0xffff;
	_ =	sdelay $0x1  }
0x193: {  	s8 =	sshll.u32 s0, $0x7  }
0x194: {  	s31 =	sshll.u32 s0, $0xA;
	s1 =	sand.u32 $0xF80, s8  }
0x195: {  	s0 =	sand.u32 $0xFFF8000, s31;
	s1 =	sadd.s32 s4, s1  }
0x196: {  	s8 =	sadd.s32 s7, s12;
	s0 =	sadd.s32 s0, s1;
	[tilespmem:v16+s28+$0x0] =	vst.idx.msk $0xffff, v17  }
0x197: {  	[hbm4b:s0+s24] =	stream.strided.scatter [tilespmem:s28], [sflag:$0x5], $0x2000, s25, s24, $0x38;
	[tilespmem:$0x12200] =	vst v63  }
0x198: {  	s31 =	sshll.u32 s8, $0x4;
	s7 =	sshll.u32 s8, $0x7;
	s0 =	sshrl.u32 s8, $0x1  }
0x199: {  	s1 =	sand.u32 $0xFFFF000, s31;
	s7 =	sand.u32 $0xF80, s7;
	s0 =	sand.u32 $0x70, s0  }
0x19a: {  	s1 =	sor.u32 s1, s7;
	s0 =	sadd.s32 s2, s0  }
0x19b: {  	s0 =	sadd.s32 s1, s0  }
0x19c: {  	[tilespmem:s17], [sflag:$0x7] =	stream.linear.gather [hbm4b:s0+s5], $0x80, $0x38;
	[tilespmem:$0x12200] =	vst v63  }
0x19d: {  	_ =	swait.ge [sflag:s16], $0x80  }
0x19e: {  	[sflag:s16] =	ssyncset.done $0x0  }
0x19f: {  	s8 =	simm.s32 $0x0;
	[sflag:s16] =	ssyncadd.s32 $0xFFFFFF80  }
0x1a0: {  	v16 =	vadd.s32 s8, v0;
	[tilespmem:s19], [sflag:$0x2] =	stream.indirect.gather [hbm4b:s6+s17], $0x80, s17, s17, $0xb8;
	[tilespmem:$0x12200] =	vst v63  }
0x1a1: {  	v16 =	vand.u32 $0x3F, v16;
	_ =	swait.ge [sflag:s29], $0x4000  }
0x1a2: {  	v17 =	vor.u32 v1, v16;
	[sflag:s29] =	ssyncset.done $0x0  }
0x1a3: {  	s0 =	simm.s32 @!p0 $0x6;
	[sflag:s29] =	ssyncadd.s32 $0xFFFFC000  }
0x1a4: {  	_ =	swait.ge @!p0 [sflag:s0], $0x2000  }
0x1a5: {  	[sflag:s0] =	ssyncset.done @!p0 $0x0  }
0x1a6: {  	v18 =	vshll.u32 v16, $0x7;
	[sflag:s0] =	ssyncadd.s32 @!p0 $0xFFFFE000  }
0x1a7: {  	v19 =	vor.u32 v0, v18;
	v17 =	vld.idx.msk [tilespmem:v17+s21+$0x0], $0xffff  }
0x1a8: {  	v20 =	vor.u32 v2, v16;
	_ =	sdelay $0x3  }
0x1a9: {  	[tilespmem:v19+s30+$0x0] =	vst.idx.msk $0xffff, v17  }
0x1aa: {  	v19 =	vor.u32 v3, v18;
	v17 =	vld.idx.msk [tilespmem:v20+s21+$0x0], $0xffff  }
0x1ab: {  	v20 =	vor.u32 v4, v16;
	_ =	sdelay $0x3  }
0x1ac: {  	[tilespmem:v19+s30+$0x0] =	vst.idx.msk $0xffff, v17  }
0x1ad: {  	v19 =	vor.u32 v5, v18;
	v17 =	vld.idx.msk [tilespmem:v20+s21+$0x0], $0xffff  }
0x1ae: {  	v20 =	vor.u32 v6, v16;
	_ =	sdelay $0x3  }
0x1af: {  	[tilespmem:v19+s30+$0x0] =	vst.idx.msk $0xffff, v17  }
0x1b0: {  	v19 =	vor.u32 v7, v18;
	v17 =	vld.idx.msk [tilespmem:v20+s21+$0x0], $0xffff  }
0x1b1: {  	v20 =	vor.u32 v8, v16;
	_ =	sdelay $0x3  }
0x1b2: {  	[tilespmem:v19+s30+$0x0] =	vst.idx.msk $0xffff, v17  }
0x1b3: {  	v19 =	vor.u32 v9, v18;
	v17 =	vld.idx.msk [tilespmem:v20+s21+$0x0], $0xffff  }
0x1b4: {  	v20 =	vor.u32 v10, v16;
	_ =	sdelay $0x3  }
0x1b5: {  	[tilespmem:v19+s30+$0x0] =	vst.idx.msk $0xffff, v17  }
0x1b6: {  	v19 =	vor.u32 v11, v18;
	v17 =	vld.idx.msk [tilespmem:v20+s21+$0x0], $0xffff  }
0x1b7: {  	v20 =	vor.u32 v12, v16;
	_ =	sdelay $0x3  }
0x1b8: {  	[tilespmem:v19+s30+$0x0] =	vst.idx.msk $0xffff, v17  }
0x1b9: {  	v19 =	vor.u32 v13, v18;
	v17 =	vld.idx.msk [tilespmem:v20+s21+$0x0], $0xffff  }
0x1ba: {  	v16 =	vor.u32 v14, v16;
	_ =	sdelay $0x2  }
0x1bb: {  	s31 =	simm.s32 $0x1  }
0x1bc: {  	[tilespmem:v19+s30+$0x0] =	vst.idx.msk $0xffff, v17;
	v17 =	vadd.s32 s31, v0  }
0x1bd: {  	v18 =	vor.u32 v15, v18;
	v16 =	vld.idx.msk [tilespmem:v16+s21+$0x0], $0xffff;
	v17 =	vand.u32 $0x3F, v17  }
0x1be: {  	v19 =	vor.u32 v1, v17;
	_ =	sdelay $0x3  }
0x1bf: {  	[tilespmem:v18+s30+$0x0] =	vst.idx.msk $0xffff, v16;
	v16 =	vshll.u32 v17, $0x7  }
0x1c0: {  	v18 =	vld.idx.msk [tilespmem:v19+s21+$0x0], $0xffff;
	v19 =	vor.u32 v0, v16  }
0x1c1: {  	v20 =	vor.u32 v2, v17;
	_ =	sdelay $0x3  }
0x1c2: {  	[tilespmem:v19+s30+$0x0] =	vst.idx.msk $0xffff, v18  }
0x1c3: {  	v19 =	vor.u32 v3, v16;
	v18 =	vld.idx.msk [tilespmem:v20+s21+$0x0], $0xffff  }
0x1c4: {  	v20 =	vor.u32 v4, v17;
	_ =	sdelay $0x3  }
0x1c5: {  	[tilespmem:v19+s30+$0x0] =	vst.idx.msk $0xffff, v18  }
0x1c6: {  	v19 =	vor.u32 v5, v16;
	v18 =	vld.idx.msk [tilespmem:v20+s21+$0x0], $0xffff  }
0x1c7: {  	v20 =	vor.u32 v6, v17;
	_ =	sdelay $0x3  }
0x1c8: {  	[tilespmem:v19+s30+$0x0] =	vst.idx.msk $0xffff, v18  }
0x1c9: {  	v19 =	vor.u32 v7, v16;
	v18 =	vld.idx.msk [tilespmem:v20+s21+$0x0], $0xffff  }
0x1ca: {  	v20 =	vor.u32 v8, v17;
	_ =	sdelay $0x3  }
0x1cb: {  	[tilespmem:v19+s30+$0x0] =	vst.idx.msk $0xffff, v18  }
0x1cc: {  	v19 =	vor.u32 v9, v16;
	v18 =	vld.idx.msk [tilespmem:v20+s21+$0x0], $0xffff  }
0x1cd: {  	v20 =	vor.u32 v10, v17;
	_ =	sdelay $0x3  }
0x1ce: {  	[tilespmem:v19+s30+$0x0] =	vst.idx.msk $0xffff, v18  }
0x1cf: {  	v19 =	vor.u32 v11, v16;
	v18 =	vld.idx.msk [tilespmem:v20+s21+$0x0], $0xffff  }
0x1d0: {  	v20 =	vor.u32 v12, v17;
	_ =	sdelay $0x3  }
0x1d1: {  	[tilespmem:v19+s30+$0x0] =	vst.idx.msk $0xffff, v18  }
0x1d2: {  	v19 =	vor.u32 v13, v16;
	v18 =	vld.idx.msk [tilespmem:v20+s21+$0x0], $0xffff  }
0x1d3: {  	v17 =	vor.u32 v14, v17;
	_ =	sdelay $0x3  }
0x1d4: {  	s0 =	simm.s32 $0x2;
	[tilespmem:v19+s30+$0x0] =	vst.idx.msk $0xffff, v18  }
0x1d5: {  	s1 =	simm.s32 $0x4;
	v18 =	vadd.s32 s0, v0;
	v17 =	vld.idx.msk [tilespmem:v17+s21+$0x0], $0xffff  }
.LBB2_7:
0x1d6: {  	p0 =	slt.u32 s1, $0x3E;
	v18 =	vand.u32 $0x3F, v18;
	v16 =	vor.u32 v15, v16  }
0x1d7: {  	v19 =	vor.u32 v1, v18;
	_ =	sdelay $0x3  }
0x1d8: {  	[tilespmem:v16+s30+$0x0] =	vst.idx.msk $0xffff, v17  }
0x1d9: {  	v17 =	vshll.u32 v18, $0x7;
	v16 =	vld.idx.msk [tilespmem:v19+s21+$0x0], $0xffff  }
0x1da: {  	v19 =	vor.u32 v0, v17  }
0x1db: {  	v20 =	vor.u32 v2, v18;
	_ =	sdelay $0x3  }
0x1dc: {  	[tilespmem:v19+s30+$0x0] =	vst.idx.msk $0xffff, v16  }
0x1dd: {  	v16 =	vld.idx.msk [tilespmem:v20+s21+$0x0], $0xffff  }
0x1de: {  	v19 =	vor.u32 v3, v17  }
0x1df: {  	v20 =	vor.u32 v4, v18;
	_ =	sdelay $0x3  }
0x1e0: {  	[tilespmem:v19+s30+$0x0] =	vst.idx.msk $0xffff, v16  }
0x1e1: {  	v16 =	vld.idx.msk [tilespmem:v20+s21+$0x0], $0xffff  }
0x1e2: {  	v19 =	vor.u32 v5, v17  }
0x1e3: {  	v20 =	vor.u32 v6, v18;
	_ =	sdelay $0x3  }
0x1e4: {  	[tilespmem:v19+s30+$0x0] =	vst.idx.msk $0xffff, v16  }
0x1e5: {  	v16 =	vld.idx.msk [tilespmem:v20+s21+$0x0], $0xffff  }
0x1e6: {  	v19 =	vor.u32 v7, v17  }
0x1e7: {  	v20 =	vor.u32 v8, v18;
	_ =	sdelay $0x3  }
0x1e8: {  	[tilespmem:v19+s30+$0x0] =	vst.idx.msk $0xffff, v16  }
0x1e9: {  	v16 =	vld.idx.msk [tilespmem:v20+s21+$0x0], $0xffff  }
0x1ea: {  	v19 =	vor.u32 v9, v17  }
0x1eb: {  	v20 =	vor.u32 v10, v18;
	_ =	sdelay $0x3  }
0x1ec: {  	[tilespmem:v19+s30+$0x0] =	vst.idx.msk $0xffff, v16  }
0x1ed: {  	v16 =	vld.idx.msk [tilespmem:v20+s21+$0x0], $0xffff  }
0x1ee: {  	v19 =	vor.u32 v11, v17  }
0x1ef: {  	v20 =	vor.u32 v12, v18;
	_ =	sdelay $0x3  }
0x1f0: {  	[tilespmem:v19+s30+$0x0] =	vst.idx.msk $0xffff, v16  }
0x1f1: {  	v16 =	vld.idx.msk [tilespmem:v20+s21+$0x0], $0xffff  }
0x1f2: {  	v19 =	vor.u32 v13, v17  }
0x1f3: {  	v18 =	vor.u32 v14, v18;
	_ =	sdelay $0x3  }
0x1f4: {  	s7 =	sadd.s32 $0x1, s0;
	s0 =	smov.u32 s1;
	[tilespmem:v19+s30+$0x0] =	vst.idx.msk $0xffff, v16  }
0x1f5: {  	v16 =	vld.idx.msk [tilespmem:v18+s21+$0x0], $0xffff;
	v18 =	vadd.s32 s7, v0  }
0x1f6: {  	v17 =	vor.u32 v15, v17;
	v18 =	vand.u32 $0x3F, v18  }
0x1f7: {  	v19 =	vor.u32 v1, v18;
	_ =	sdelay $0x3  }
0x1f8: {  	[tilespmem:v17+s30+$0x0] =	vst.idx.msk $0xffff, v16  }
0x1f9: {  	v16 =	vshll.u32 v18, $0x7;
	v17 =	vld.idx.msk [tilespmem:v19+s21+$0x0], $0xffff  }
0x1fa: {  	v19 =	vor.u32 v0, v16  }
0x1fb: {  	v20 =	vor.u32 v2, v18;
	_ =	sdelay $0x3  }
0x1fc: {  	[tilespmem:v19+s30+$0x0] =	vst.idx.msk $0xffff, v17  }
0x1fd: {  	v17 =	vld.idx.msk [tilespmem:v20+s21+$0x0], $0xffff  }
0x1fe: {  	v19 =	vor.u32 v3, v16  }
0x1ff: {  	v20 =	vor.u32 v4, v18;
	_ =	sdelay $0x3  }
0x200: {  	[tilespmem:v19+s30+$0x0] =	vst.idx.msk $0xffff, v17  }
0x201: {  	v17 =	vld.idx.msk [tilespmem:v20+s21+$0x0], $0xffff  }
0x202: {  	v19 =	vor.u32 v5, v16  }
0x203: {  	v20 =	vor.u32 v6, v18;
	_ =	sdelay $0x3  }
0x204: {  	[tilespmem:v19+s30+$0x0] =	vst.idx.msk $0xffff, v17  }
0x205: {  	v17 =	vld.idx.msk [tilespmem:v20+s21+$0x0], $0xffff  }
0x206: {  	v19 =	vor.u32 v7, v16  }
0x207: {  	v20 =	vor.u32 v8, v18;
	_ =	sdelay $0x3  }
0x208: {  	[tilespmem:v19+s30+$0x0] =	vst.idx.msk $0xffff, v17  }
0x209: {  	v17 =	vld.idx.msk [tilespmem:v20+s21+$0x0], $0xffff  }
0x20a: {  	v19 =	vor.u32 v9, v16  }
0x20b: {  	v20 =	vor.u32 v10, v18;
	_ =	sdelay $0x3  }
0x20c: {  	[tilespmem:v19+s30+$0x0] =	vst.idx.msk $0xffff, v17  }
0x20d: {  	v17 =	vld.idx.msk [tilespmem:v20+s21+$0x0], $0xffff  }
0x20e: {  	v19 =	vor.u32 v11, v16  }
0x20f: {  	v20 =	vor.u32 v12, v18;
	_ =	sdelay $0x3  }
0x210: {  	[tilespmem:v19+s30+$0x0] =	vst.idx.msk $0xffff, v17  }
0x211: {  	v17 =	vld.idx.msk [tilespmem:v20+s21+$0x0], $0xffff  }
0x212: {  	v19 =	vor.u32 v13, v16  }
0x213: {  	v20 =	vor.u32 v14, v18  }
.Ltmp2:
0x214: {  	(pc) =	sbr.rel @p0 .LBB2_7-.Ltmp2, $3  }
0x215: {  	_ =	sdelay $0x1  }
0x216: {  	[tilespmem:v19+s30+$0x0] =	vst.idx.msk $0xffff, v17  }
0x217: {  	s1 =	sadd.s32 $0x2, s1;
	v18 =	vadd.s32 s0, v0;
	v17 =	vld.idx.msk [tilespmem:v20+s21+$0x0], $0xffff  }
0x218: {  	v18 =	vand.u32 $0x3F, v18;
	v16 =	vor.u32 v15, v16  }
0x219: {  	v19 =	vor.u32 v1, v18;
	_ =	sdelay $0x3  }
0x21a: {  	[tilespmem:v16+s30+$0x0] =	vst.idx.msk $0xffff, v17;
	v16 =	vshll.u32 v18, $0x7  }
0x21b: {  	v17 =	vld.idx.msk [tilespmem:v19+s21+$0x0], $0xffff;
	v38 =	vor.u32 v0, v16  }
0x21c: {  	v20 =	vor.u32 v2, v18;
	_ =	sdelay $0x3  }
0x21d: {  	[tilespmem:v38+s30+$0x0] =	vst.idx.msk $0xffff, v17  }
0x21e: {  	v39 =	vor.u32 v3, v16;
	v17 =	vld.idx.msk [tilespmem:v20+s21+$0x0], $0xffff  }
0x21f: {  	v40 =	vor.u32 v4, v18;
	_ =	sdelay $0x3  }
0x220: {  	[tilespmem:v39+s30+$0x0] =	vst.idx.msk $0xffff, v17  }
0x221: {  	v41 =	vor.u32 v5, v16;
	v17 =	vld.idx.msk [tilespmem:v40+s21+$0x0], $0xffff  }
0x222: {  	v42 =	vor.u32 v6, v18;
	_ =	sdelay $0x3  }
0x223: {  	[tilespmem:v41+s30+$0x0] =	vst.idx.msk $0xffff, v17  }
0x224: {  	v43 =	vor.u32 v7, v16;
	v17 =	vld.idx.msk [tilespmem:v42+s21+$0x0], $0xffff  }
0x225: {  	v44 =	vor.u32 v8, v18;
	_ =	sdelay $0x3  }
0x226: {  	[tilespmem:v43+s30+$0x0] =	vst.idx.msk $0xffff, v17  }
0x227: {  	v45 =	vor.u32 v9, v16;
	v17 =	vld.idx.msk [tilespmem:v44+s21+$0x0], $0xffff  }
0x228: {  	v46 =	vor.u32 v10, v18;
	_ =	sdelay $0x3  }
0x229: {  	[tilespmem:v45+s30+$0x0] =	vst.idx.msk $0xffff, v17  }
0x22a: {  	v47 =	vor.u32 v11, v16;
	v17 =	vld.idx.msk [tilespmem:v46+s21+$0x0], $0xffff  }
0x22b: {  	v48 =	vor.u32 v12, v18;
	_ =	sdelay $0x3  }
0x22c: {  	[tilespmem:v47+s30+$0x0] =	vst.idx.msk $0xffff, v17  }
0x22d: {  	v49 =	vor.u32 v13, v16;
	v17 =	vld.idx.msk [tilespmem:v48+s21+$0x0], $0xffff  }
0x22e: {  	v18 =	vor.u32 v14, v18;
	_ =	sdelay $0x2  }
0x22f: {  	s0 =	sadd.s32 $0x1, s0  }
0x230: {  	[tilespmem:v49+s30+$0x0] =	vst.idx.msk $0xffff, v17;
	v17 =	vadd.s32 s0, v0  }
0x231: {  	v16 =	vor.u32 v15, v16;
	v18 =	vld.idx.msk [tilespmem:v18+s21+$0x0], $0xffff;
	v17 =	vand.u32 $0x3F, v17  }
0x232: {  	v50 =	vor.u32 v1, v17;
	_ =	sdelay $0x3  }
0x233: {  	[tilespmem:v16+s30+$0x0] =	vst.idx.msk $0xffff, v18;
	v16 =	vshll.u32 v17, $0x7  }
0x234: {  	v18 =	vld.idx.msk [tilespmem:v50+s21+$0x0], $0xffff;
	v51 =	vor.u32 v0, v16  }
0x235: {  	v52 =	vor.u32 v2, v17;
	_ =	sdelay $0x3  }
0x236: {  	[tilespmem:v51+s30+$0x0] =	vst.idx.msk $0xffff, v18  }
0x237: {  	v53 =	vor.u32 v3, v16;
	v18 =	vld.idx.msk [tilespmem:v52+s21+$0x0], $0xffff  }
0x238: {  	v54 =	vor.u32 v4, v17;
	_ =	sdelay $0x3  }
0x239: {  	[tilespmem:v53+s30+$0x0] =	vst.idx.msk $0xffff, v18  }
0x23a: {  	v55 =	vor.u32 v5, v16;
	v18 =	vld.idx.msk [tilespmem:v54+s21+$0x0], $0xffff  }
0x23b: {  	v56 =	vor.u32 v6, v17;
	_ =	sdelay $0x3  }
0x23c: {  	[tilespmem:v55+s30+$0x0] =	vst.idx.msk $0xffff, v18  }
0x23d: {  	v57 =	vor.u32 v7, v16;
	v18 =	vld.idx.msk [tilespmem:v56+s21+$0x0], $0xffff  }
0x23e: {  	v58 =	vor.u32 v8, v17;
	_ =	sdelay $0x3  }
0x23f: {  	[tilespmem:v57+s30+$0x0] =	vst.idx.msk $0xffff, v18  }
0x240: {  	v59 =	vor.u32 v9, v16;
	v18 =	vld.idx.msk [tilespmem:v58+s21+$0x0], $0xffff  }
0x241: {  	v60 =	vor.u32 v10, v17;
	_ =	sdelay $0x3  }
0x242: {  	[tilespmem:v59+s30+$0x0] =	vst.idx.msk $0xffff, v18  }
0x243: {  	v61 =	vor.u32 v11, v16;
	v18 =	vld.idx.msk [tilespmem:v60+s21+$0x0], $0xffff  }
0x244: {  	v62 =	vor.u32 v12, v17;
	_ =	sdelay $0x3  }
0x245: {  	[tilespmem:v61+s30+$0x0] =	vst.idx.msk $0xffff, v18  }
0x246: {  	v63 =	vor.u32 v13, v16;
	v18 =	vld.idx.msk [tilespmem:v62+s21+$0x0], $0xffff  }
0x247: {  	v17 =	vor.u32 v14, v17;
	_ =	sdelay $0x3  }
0x248: {  	[tilespmem:v63+s30+$0x0] =	vst.idx.msk $0xffff, v18  }
0x249: {  	s13 =	sadd.s32 $0x1, s13;
	v16 =	vor.u32 v15, v16;
	v17 =	vld.idx.msk [tilespmem:v17+s21+$0x0], $0xffff  }
0x24a: {  	p0 =	sne.s32 s13, $0x10  }
.Ltmp3:
0x24b: {  	s31 =	sshll.u32 s15, $0x12;
	(pc) =	sbr.rel @p0 .LBB2_2-.Ltmp3, $4  }
0x24c: {  	s0 =	sor.u32 s14, s31  }
0x24d: {  	s0 =	sshrl.u32 s0, $0x3  }
0x24e: {  	s0 =	sadd.s32 s4, s0;
	[tilespmem:v16+s30+$0x0] =	vst.idx.msk $0xffff, v17  }
0x24f: {  	[hbm4b:s0+s24] =	stream.strided.scatter [tilespmem:s30], [sflag:$0x6], $0x2000, s25, s24, $0x38;
	[tilespmem:$0x12200] =	vst v63  }
0x250: {  	s0 =	simm.s32 $0x0  }
0x251: {  	v16 =	vadd.s32 s0, v0  }
0x252: {  	_ =	swait.ge [sflag:s22], $0x4000;
	v16 =	vand.u32 $0x3F, v16  }
0x253: {  	[sflag:s22] =	ssyncset.done $0x0;
	v17 =	vor.u32 v1, v16  }
0x254: {  	s8 =	simm.s32 $0x4;
	[sflag:s22] =	ssyncadd.s32 $0xFFFFC000  }
0x255: {  	_ =	swait.ge [sflag:s8], $0x2000  }
0x256: {  	[sflag:s8] =	ssyncset.done $0x0  }
0x257: {  	v18 =	vshll.u32 v16, $0x7;
	[sflag:s8] =	ssyncadd.s32 $0xFFFFE000  }
0x258: {  	v19 =	vor.u32 v0, v18;
	v17 =	vld.idx.msk [tilespmem:v17+s18+$0x0], $0xffff  }
0x259: {  	v20 =	vor.u32 v2, v16;
	_ =	sdelay $0x3  }
0x25a: {  	[tilespmem:v19+s23+$0x0] =	vst.idx.msk $0xffff, v17  }
0x25b: {  	v19 =	vor.u32 v3, v18;
	v17 =	vld.idx.msk [tilespmem:v20+s18+$0x0], $0xffff  }
0x25c: {  	v20 =	vor.u32 v4, v16;
	_ =	sdelay $0x3  }
0x25d: {  	[tilespmem:v19+s23+$0x0] =	vst.idx.msk $0xffff, v17  }
0x25e: {  	v19 =	vor.u32 v5, v18;
	v17 =	vld.idx.msk [tilespmem:v20+s18+$0x0], $0xffff  }
0x25f: {  	v20 =	vor.u32 v6, v16;
	_ =	sdelay $0x3  }
0x260: {  	[tilespmem:v19+s23+$0x0] =	vst.idx.msk $0xffff, v17  }
0x261: {  	v19 =	vor.u32 v7, v18;
	v17 =	vld.idx.msk [tilespmem:v20+s18+$0x0], $0xffff  }
0x262: {  	v20 =	vor.u32 v8, v16;
	_ =	sdelay $0x3  }
0x263: {  	[tilespmem:v19+s23+$0x0] =	vst.idx.msk $0xffff, v17  }
0x264: {  	v19 =	vor.u32 v9, v18;
	v17 =	vld.idx.msk [tilespmem:v20+s18+$0x0], $0xffff  }
0x265: {  	v20 =	vor.u32 v10, v16;
	_ =	sdelay $0x3  }
0x266: {  	[tilespmem:v19+s23+$0x0] =	vst.idx.msk $0xffff, v17  }
0x267: {  	v19 =	vor.u32 v11, v18;
	v17 =	vld.idx.msk [tilespmem:v20+s18+$0x0], $0xffff  }
0x268: {  	v20 =	vor.u32 v12, v16;
	_ =	sdelay $0x3  }
0x269: {  	[tilespmem:v19+s23+$0x0] =	vst.idx.msk $0xffff, v17  }
0x26a: {  	v19 =	vor.u32 v13, v18;
	v17 =	vld.idx.msk [tilespmem:v20+s18+$0x0], $0xffff  }
0x26b: {  	v16 =	vor.u32 v14, v16;
	_ =	sdelay $0x2  }
0x26c: {  	s31 =	simm.s32 $0x1  }
0x26d: {  	[tilespmem:v19+s23+$0x0] =	vst.idx.msk $0xffff, v17;
	v17 =	vadd.s32 s31, v0  }
0x26e: {  	v18 =	vor.u32 v15, v18;
	v16 =	vld.idx.msk [tilespmem:v16+s18+$0x0], $0xffff;
	v17 =	vand.u32 $0x3F, v17  }
0x26f: {  	v19 =	vor.u32 v1, v17;
	_ =	sdelay $0x3  }
0x270: {  	[tilespmem:v18+s23+$0x0] =	vst.idx.msk $0xffff, v16;
	v16 =	vshll.u32 v17, $0x7  }
0x271: {  	v18 =	vld.idx.msk [tilespmem:v19+s18+$0x0], $0xffff;
	v19 =	vor.u32 v0, v16  }
0x272: {  	v20 =	vor.u32 v2, v17;
	_ =	sdelay $0x3  }
0x273: {  	[tilespmem:v19+s23+$0x0] =	vst.idx.msk $0xffff, v18  }
0x274: {  	v19 =	vor.u32 v3, v16;
	v18 =	vld.idx.msk [tilespmem:v20+s18+$0x0], $0xffff  }
0x275: {  	v20 =	vor.u32 v4, v17;
	_ =	sdelay $0x3  }
0x276: {  	[tilespmem:v19+s23+$0x0] =	vst.idx.msk $0xffff, v18  }
0x277: {  	v19 =	vor.u32 v5, v16;
	v18 =	vld.idx.msk [tilespmem:v20+s18+$0x0], $0xffff  }
0x278: {  	v20 =	vor.u32 v6, v17;
	_ =	sdelay $0x3  }
0x279: {  	[tilespmem:v19+s23+$0x0] =	vst.idx.msk $0xffff, v18  }
0x27a: {  	v19 =	vor.u32 v7, v16;
	v18 =	vld.idx.msk [tilespmem:v20+s18+$0x0], $0xffff  }
0x27b: {  	v20 =	vor.u32 v8, v17;
	_ =	sdelay $0x3  }
0x27c: {  	[tilespmem:v19+s23+$0x0] =	vst.idx.msk $0xffff, v18  }
0x27d: {  	v19 =	vor.u32 v9, v16;
	v18 =	vld.idx.msk [tilespmem:v20+s18+$0x0], $0xffff  }
0x27e: {  	v20 =	vor.u32 v10, v17;
	_ =	sdelay $0x3  }
0x27f: {  	[tilespmem:v19+s23+$0x0] =	vst.idx.msk $0xffff, v18  }
0x280: {  	v19 =	vor.u32 v11, v16;
	v18 =	vld.idx.msk [tilespmem:v20+s18+$0x0], $0xffff  }
0x281: {  	v20 =	vor.u32 v12, v17;
	_ =	sdelay $0x3  }
0x282: {  	[tilespmem:v19+s23+$0x0] =	vst.idx.msk $0xffff, v18  }
0x283: {  	v19 =	vor.u32 v13, v16;
	v18 =	vld.idx.msk [tilespmem:v20+s18+$0x0], $0xffff  }
0x284: {  	v17 =	vor.u32 v14, v17;
	_ =	sdelay $0x3  }
0x285: {  	s0 =	simm.s32 $0x2;
	[tilespmem:v19+s23+$0x0] =	vst.idx.msk $0xffff, v18  }
0x286: {  	s1 =	simm.s32 $0x4;
	v18 =	vadd.s32 s0, v0;
	v17 =	vld.idx.msk [tilespmem:v17+s18+$0x0], $0xffff  }
.LBB2_10:
0x287: {  	p0 =	slt.u32 s1, $0x3E;
	v18 =	vand.u32 $0x3F, v18;
	v16 =	vor.u32 v15, v16  }
0x288: {  	v19 =	vor.u32 v1, v18;
	_ =	sdelay $0x3  }
0x289: {  	[tilespmem:v16+s23+$0x0] =	vst.idx.msk $0xffff, v17  }
0x28a: {  	v17 =	vshll.u32 v18, $0x7;
	v16 =	vld.idx.msk [tilespmem:v19+s18+$0x0], $0xffff  }
0x28b: {  	v19 =	vor.u32 v0, v17  }
0x28c: {  	v20 =	vor.u32 v2, v18;
	_ =	sdelay $0x3  }
0x28d: {  	[tilespmem:v19+s23+$0x0] =	vst.idx.msk $0xffff, v16  }
0x28e: {  	v16 =	vld.idx.msk [tilespmem:v20+s18+$0x0], $0xffff  }
0x28f: {  	v19 =	vor.u32 v3, v17  }
0x290: {  	v20 =	vor.u32 v4, v18;
	_ =	sdelay $0x3  }
0x291: {  	[tilespmem:v19+s23+$0x0] =	vst.idx.msk $0xffff, v16  }
0x292: {  	v16 =	vld.idx.msk [tilespmem:v20+s18+$0x0], $0xffff  }
0x293: {  	v19 =	vor.u32 v5, v17  }
0x294: {  	v20 =	vor.u32 v6, v18;
	_ =	sdelay $0x3  }
0x295: {  	[tilespmem:v19+s23+$0x0] =	vst.idx.msk $0xffff, v16  }
0x296: {  	v16 =	vld.idx.msk [tilespmem:v20+s18+$0x0], $0xffff  }
0x297: {  	v19 =	vor.u32 v7, v17  }
0x298: {  	v20 =	vor.u32 v8, v18;
	_ =	sdelay $0x3  }
0x299: {  	[tilespmem:v19+s23+$0x0] =	vst.idx.msk $0xffff, v16  }
0x29a: {  	v16 =	vld.idx.msk [tilespmem:v20+s18+$0x0], $0xffff  }
0x29b: {  	v19 =	vor.u32 v9, v17  }
0x29c: {  	v20 =	vor.u32 v10, v18;
	_ =	sdelay $0x3  }
0x29d: {  	[tilespmem:v19+s23+$0x0] =	vst.idx.msk $0xffff, v16  }
0x29e: {  	v16 =	vld.idx.msk [tilespmem:v20+s18+$0x0], $0xffff  }
0x29f: {  	v19 =	vor.u32 v11, v17  }
0x2a0: {  	v20 =	vor.u32 v12, v18;
	_ =	sdelay $0x3  }
0x2a1: {  	[tilespmem:v19+s23+$0x0] =	vst.idx.msk $0xffff, v16  }
0x2a2: {  	v16 =	vld.idx.msk [tilespmem:v20+s18+$0x0], $0xffff  }
0x2a3: {  	v19 =	vor.u32 v13, v17  }
0x2a4: {  	v18 =	vor.u32 v14, v18;
	_ =	sdelay $0x3  }
0x2a5: {  	s7 =	sadd.s32 $0x1, s0;
	s0 =	smov.u32 s1;
	[tilespmem:v19+s23+$0x0] =	vst.idx.msk $0xffff, v16  }
0x2a6: {  	v16 =	vld.idx.msk [tilespmem:v18+s18+$0x0], $0xffff;
	v18 =	vadd.s32 s7, v0  }
0x2a7: {  	v17 =	vor.u32 v15, v17;
	v18 =	vand.u32 $0x3F, v18  }
0x2a8: {  	v19 =	vor.u32 v1, v18;
	_ =	sdelay $0x3  }
0x2a9: {  	[tilespmem:v17+s23+$0x0] =	vst.idx.msk $0xffff, v16  }
0x2aa: {  	v16 =	vshll.u32 v18, $0x7;
	v17 =	vld.idx.msk [tilespmem:v19+s18+$0x0], $0xffff  }
0x2ab: {  	v19 =	vor.u32 v0, v16  }
0x2ac: {  	v20 =	vor.u32 v2, v18;
	_ =	sdelay $0x3  }
0x2ad: {  	[tilespmem:v19+s23+$0x0] =	vst.idx.msk $0xffff, v17  }
0x2ae: {  	v17 =	vld.idx.msk [tilespmem:v20+s18+$0x0], $0xffff  }
0x2af: {  	v19 =	vor.u32 v3, v16  }
0x2b0: {  	v20 =	vor.u32 v4, v18;
	_ =	sdelay $0x3  }
0x2b1: {  	[tilespmem:v19+s23+$0x0] =	vst.idx.msk $0xffff, v17  }
0x2b2: {  	v17 =	vld.idx.msk [tilespmem:v20+s18+$0x0], $0xffff  }
0x2b3: {  	v19 =	vor.u32 v5, v16  }
0x2b4: {  	v20 =	vor.u32 v6, v18;
	_ =	sdelay $0x3  }
0x2b5: {  	[tilespmem:v19+s23+$0x0] =	vst.idx.msk $0xffff, v17  }
0x2b6: {  	v17 =	vld.idx.msk [tilespmem:v20+s18+$0x0], $0xffff  }
0x2b7: {  	v19 =	vor.u32 v7, v16  }
0x2b8: {  	v20 =	vor.u32 v8, v18;
	_ =	sdelay $0x3  }
0x2b9: {  	[tilespmem:v19+s23+$0x0] =	vst.idx.msk $0xffff, v17  }
0x2ba: {  	v17 =	vld.idx.msk [tilespmem:v20+s18+$0x0], $0xffff  }
0x2bb: {  	v19 =	vor.u32 v9, v16  }
0x2bc: {  	v20 =	vor.u32 v10, v18;
	_ =	sdelay $0x3  }
0x2bd: {  	[tilespmem:v19+s23+$0x0] =	vst.idx.msk $0xffff, v17  }
0x2be: {  	v17 =	vld.idx.msk [tilespmem:v20+s18+$0x0], $0xffff  }
0x2bf: {  	v19 =	vor.u32 v11, v16  }
0x2c0: {  	v20 =	vor.u32 v12, v18;
	_ =	sdelay $0x3  }
0x2c1: {  	[tilespmem:v19+s23+$0x0] =	vst.idx.msk $0xffff, v17  }
0x2c2: {  	v17 =	vld.idx.msk [tilespmem:v20+s18+$0x0], $0xffff  }
0x2c3: {  	v19 =	vor.u32 v13, v16  }
0x2c4: {  	v20 =	vor.u32 v14, v18  }
.Ltmp4:
0x2c5: {  	(pc) =	sbr.rel @p0 .LBB2_10-.Ltmp4, $3  }
0x2c6: {  	_ =	sdelay $0x1  }
0x2c7: {  	[tilespmem:v19+s23+$0x0] =	vst.idx.msk $0xffff, v17  }
0x2c8: {  	s1 =	sadd.s32 $0x2, s1;
	v18 =	vadd.s32 s0, v0;
	v17 =	vld.idx.msk [tilespmem:v20+s18+$0x0], $0xffff  }
0x2c9: {  	v18 =	vand.u32 $0x3F, v18;
	v16 =	vor.u32 v15, v16  }
0x2ca: {  	v19 =	vor.u32 v1, v18;
	_ =	sdelay $0x3  }
0x2cb: {  	[tilespmem:v16+s23+$0x0] =	vst.idx.msk $0xffff, v17;
	v16 =	vshll.u32 v18, $0x7  }
0x2cc: {  	v17 =	vld.idx.msk [tilespmem:v19+s18+$0x0], $0xffff;
	v19 =	vor.u32 v0, v16  }
0x2cd: {  	v20 =	vor.u32 v2, v18;
	_ =	sdelay $0x3  }
0x2ce: {  	[tilespmem:v19+s23+$0x0] =	vst.idx.msk $0xffff, v17  }
0x2cf: {  	v19 =	vor.u32 v3, v16;
	v17 =	vld.idx.msk [tilespmem:v20+s18+$0x0], $0xffff  }
0x2d0: {  	v20 =	vor.u32 v4, v18;
	_ =	sdelay $0x3  }
0x2d1: {  	[tilespmem:v19+s23+$0x0] =	vst.idx.msk $0xffff, v17  }
0x2d2: {  	v19 =	vor.u32 v5, v16;
	v17 =	vld.idx.msk [tilespmem:v20+s18+$0x0], $0xffff  }
0x2d3: {  	v20 =	vor.u32 v6, v18;
	_ =	sdelay $0x3  }
0x2d4: {  	[tilespmem:v19+s23+$0x0] =	vst.idx.msk $0xffff, v17  }
0x2d5: {  	v19 =	vor.u32 v7, v16;
	v17 =	vld.idx.msk [tilespmem:v20+s18+$0x0], $0xffff  }
0x2d6: {  	v20 =	vor.u32 v8, v18;
	_ =	sdelay $0x3  }
0x2d7: {  	[tilespmem:v19+s23+$0x0] =	vst.idx.msk $0xffff, v17  }
0x2d8: {  	v19 =	vor.u32 v9, v16;
	v17 =	vld.idx.msk [tilespmem:v20+s18+$0x0], $0xffff  }
0x2d9: {  	v20 =	vor.u32 v10, v18;
	_ =	sdelay $0x3  }
0x2da: {  	[tilespmem:v19+s23+$0x0] =	vst.idx.msk $0xffff, v17  }
0x2db: {  	v19 =	vor.u32 v11, v16;
	v17 =	vld.idx.msk [tilespmem:v20+s18+$0x0], $0xffff  }
0x2dc: {  	v20 =	vor.u32 v12, v18;
	_ =	sdelay $0x3  }
0x2dd: {  	[tilespmem:v19+s23+$0x0] =	vst.idx.msk $0xffff, v17  }
0x2de: {  	v19 =	vor.u32 v13, v16;
	v17 =	vld.idx.msk [tilespmem:v20+s18+$0x0], $0xffff  }
0x2df: {  	v18 =	vor.u32 v14, v18;
	_ =	sdelay $0x2  }
0x2e0: {  	s0 =	sadd.s32 $0x1, s0  }
0x2e1: {  	[tilespmem:v19+s23+$0x0] =	vst.idx.msk $0xffff, v17;
	v17 =	vadd.s32 s0, v0  }
0x2e2: {  	v16 =	vor.u32 v15, v16;
	v18 =	vld.idx.msk [tilespmem:v18+s18+$0x0], $0xffff;
	v17 =	vand.u32 $0x3F, v17  }
0x2e3: {  	v19 =	vor.u32 v1, v17;
	_ =	sdelay $0x3  }
0x2e4: {  	[tilespmem:v16+s23+$0x0] =	vst.idx.msk $0xffff, v18;
	v16 =	vshll.u32 v17, $0x7  }
0x2e5: {  	v18 =	vld.idx.msk [tilespmem:v19+s18+$0x0], $0xffff;
	v19 =	vor.u32 v0, v16  }
0x2e6: {  	v20 =	vor.u32 v2, v17;
	_ =	sdelay $0x3  }
0x2e7: {  	[tilespmem:v19+s23+$0x0] =	vst.idx.msk $0xffff, v18  }
0x2e8: {  	v19 =	vor.u32 v3, v16;
	v18 =	vld.idx.msk [tilespmem:v20+s18+$0x0], $0xffff  }
0x2e9: {  	v20 =	vor.u32 v4, v17;
	_ =	sdelay $0x3  }
0x2ea: {  	[tilespmem:v19+s23+$0x0] =	vst.idx.msk $0xffff, v18  }
0x2eb: {  	v19 =	vor.u32 v5, v16;
	v18 =	vld.idx.msk [tilespmem:v20+s18+$0x0], $0xffff  }
0x2ec: {  	v20 =	vor.u32 v6, v17;
	_ =	sdelay $0x3  }
0x2ed: {  	[tilespmem:v19+s23+$0x0] =	vst.idx.msk $0xffff, v18  }
0x2ee: {  	v19 =	vor.u32 v7, v16;
	v18 =	vld.idx.msk [tilespmem:v20+s18+$0x0], $0xffff  }
0x2ef: {  	v20 =	vor.u32 v8, v17;
	_ =	sdelay $0x3  }
0x2f0: {  	[tilespmem:v19+s23+$0x0] =	vst.idx.msk $0xffff, v18  }
0x2f1: {  	v19 =	vor.u32 v9, v16;
	v18 =	vld.idx.msk [tilespmem:v20+s18+$0x0], $0xffff  }
0x2f2: {  	v20 =	vor.u32 v10, v17;
	_ =	sdelay $0x3  }
0x2f3: {  	[tilespmem:v19+s23+$0x0] =	vst.idx.msk $0xffff, v18  }
0x2f4: {  	v19 =	vor.u32 v11, v16;
	v18 =	vld.idx.msk [tilespmem:v20+s18+$0x0], $0xffff  }
0x2f5: {  	v20 =	vor.u32 v12, v17;
	_ =	sdelay $0x3  }
0x2f6: {  	[tilespmem:v19+s23+$0x0] =	vst.idx.msk $0xffff, v18  }
0x2f7: {  	v19 =	vor.u32 v13, v16;
	v18 =	vld.idx.msk [tilespmem:v20+s18+$0x0], $0xffff  }
0x2f8: {  	v17 =	vor.u32 v14, v17;
	_ =	sdelay $0x3  }
0x2f9: {  	[tilespmem:v19+s23+$0x0] =	vst.idx.msk $0xffff, v18  }
0x2fa: {  	v16 =	vor.u32 v15, v16;
	v17 =	vld.idx.msk [tilespmem:v17+s18+$0x0], $0xffff;
	_ =	sdelay $0x4  }
0x2fb: {  	s15 =	simm.s32 $0x0;
	s1 =	rddreg [dreg:$0x6];
	[tilespmem:v16+s23+$0x0] =	vst.idx.msk $0xffff, v17  }
0x2fc: {  	v16 =	vadd.s32 s15, v0;
	[hbm4b:s1+s24] =	stream.strided.scatter [tilespmem:s23], [sflag:$0x4], $0x2000, s25, s24, $0x38;
	[tilespmem:$0x12200] =	vst v63  }
0x2fd: {  	v16 =	vand.u32 $0x3F, v16;
	_ =	swait.ge [sflag:s26], $0x4000  }
0x2fe: {  	v17 =	vor.u32 v1, v16;
	[sflag:s26] =	ssyncset.done $0x0  }
0x2ff: {  	s13 =	simm.s32 $0x5;
	[sflag:s26] =	ssyncadd.s32 $0xFFFFC000  }
0x300: {  	_ =	swait.ge [sflag:s13], $0x2000  }
0x301: {  	[sflag:s13] =	ssyncset.done $0x0  }
0x302: {  	v18 =	vshll.u32 v16, $0x7;
	[sflag:s13] =	ssyncadd.s32 $0xFFFFE000  }
0x303: {  	v19 =	vor.u32 v0, v18;
	v17 =	vld.idx.msk [tilespmem:v17+s19+$0x0], $0xffff  }
0x304: {  	v20 =	vor.u32 v2, v16;
	_ =	sdelay $0x3  }
0x305: {  	[tilespmem:v19+s28+$0x0] =	vst.idx.msk $0xffff, v17  }
0x306: {  	v19 =	vor.u32 v3, v18;
	v17 =	vld.idx.msk [tilespmem:v20+s19+$0x0], $0xffff  }
0x307: {  	v20 =	vor.u32 v4, v16;
	_ =	sdelay $0x3  }
0x308: {  	[tilespmem:v19+s28+$0x0] =	vst.idx.msk $0xffff, v17  }
0x309: {  	v19 =	vor.u32 v5, v18;
	v17 =	vld.idx.msk [tilespmem:v20+s19+$0x0], $0xffff  }
0x30a: {  	v20 =	vor.u32 v6, v16;
	_ =	sdelay $0x3  }
0x30b: {  	[tilespmem:v19+s28+$0x0] =	vst.idx.msk $0xffff, v17  }
0x30c: {  	v19 =	vor.u32 v7, v18;
	v17 =	vld.idx.msk [tilespmem:v20+s19+$0x0], $0xffff  }
0x30d: {  	v20 =	vor.u32 v8, v16;
	_ =	sdelay $0x3  }
0x30e: {  	[tilespmem:v19+s28+$0x0] =	vst.idx.msk $0xffff, v17  }
0x30f: {  	v19 =	vor.u32 v9, v18;
	v17 =	vld.idx.msk [tilespmem:v20+s19+$0x0], $0xffff  }
0x310: {  	v20 =	vor.u32 v10, v16;
	_ =	sdelay $0x3  }
0x311: {  	[tilespmem:v19+s28+$0x0] =	vst.idx.msk $0xffff, v17  }
0x312: {  	v19 =	vor.u32 v11, v18;
	v17 =	vld.idx.msk [tilespmem:v20+s19+$0x0], $0xffff  }
0x313: {  	v20 =	vor.u32 v12, v16;
	_ =	sdelay $0x3  }
0x314: {  	[tilespmem:v19+s28+$0x0] =	vst.idx.msk $0xffff, v17  }
0x315: {  	v19 =	vor.u32 v13, v18;
	v17 =	vld.idx.msk [tilespmem:v20+s19+$0x0], $0xffff  }
0x316: {  	v16 =	vor.u32 v14, v16;
	_ =	sdelay $0x2  }
0x317: {  	s31 =	simm.s32 $0x1  }
0x318: {  	[tilespmem:v19+s28+$0x0] =	vst.idx.msk $0xffff, v17;
	v17 =	vadd.s32 s31, v0  }
0x319: {  	v18 =	vor.u32 v15, v18;
	v16 =	vld.idx.msk [tilespmem:v16+s19+$0x0], $0xffff;
	v17 =	vand.u32 $0x3F, v17  }
0x31a: {  	v19 =	vor.u32 v1, v17;
	_ =	sdelay $0x3  }
0x31b: {  	[tilespmem:v18+s28+$0x0] =	vst.idx.msk $0xffff, v16;
	v16 =	vshll.u32 v17, $0x7  }
0x31c: {  	v18 =	vld.idx.msk [tilespmem:v19+s19+$0x0], $0xffff;
	v19 =	vor.u32 v0, v16  }
0x31d: {  	v20 =	vor.u32 v2, v17;
	_ =	sdelay $0x3  }
0x31e: {  	[tilespmem:v19+s28+$0x0] =	vst.idx.msk $0xffff, v18  }
0x31f: {  	v19 =	vor.u32 v3, v16;
	v18 =	vld.idx.msk [tilespmem:v20+s19+$0x0], $0xffff  }
0x320: {  	v20 =	vor.u32 v4, v17;
	_ =	sdelay $0x3  }
0x321: {  	[tilespmem:v19+s28+$0x0] =	vst.idx.msk $0xffff, v18  }
0x322: {  	v19 =	vor.u32 v5, v16;
	v18 =	vld.idx.msk [tilespmem:v20+s19+$0x0], $0xffff  }
0x323: {  	v20 =	vor.u32 v6, v17;
	_ =	sdelay $0x3  }
0x324: {  	[tilespmem:v19+s28+$0x0] =	vst.idx.msk $0xffff, v18  }
0x325: {  	v19 =	vor.u32 v7, v16;
	v18 =	vld.idx.msk [tilespmem:v20+s19+$0x0], $0xffff  }
0x326: {  	v20 =	vor.u32 v8, v17;
	_ =	sdelay $0x3  }
0x327: {  	[tilespmem:v19+s28+$0x0] =	vst.idx.msk $0xffff, v18  }
0x328: {  	v19 =	vor.u32 v9, v16;
	v18 =	vld.idx.msk [tilespmem:v20+s19+$0x0], $0xffff  }
0x329: {  	v20 =	vor.u32 v10, v17;
	_ =	sdelay $0x3  }
0x32a: {  	[tilespmem:v19+s28+$0x0] =	vst.idx.msk $0xffff, v18  }
0x32b: {  	v19 =	vor.u32 v11, v16;
	v18 =	vld.idx.msk [tilespmem:v20+s19+$0x0], $0xffff  }
0x32c: {  	v20 =	vor.u32 v12, v17;
	_ =	sdelay $0x3  }
0x32d: {  	[tilespmem:v19+s28+$0x0] =	vst.idx.msk $0xffff, v18  }
0x32e: {  	v19 =	vor.u32 v13, v16;
	v18 =	vld.idx.msk [tilespmem:v20+s19+$0x0], $0xffff  }
0x32f: {  	v17 =	vor.u32 v14, v17;
	_ =	sdelay $0x3  }
0x330: {  	s0 =	simm.s32 $0x2;
	[tilespmem:v19+s28+$0x0] =	vst.idx.msk $0xffff, v18  }
0x331: {  	s1 =	simm.s32 $0x4;
	v18 =	vadd.s32 s0, v0;
	v17 =	vld.idx.msk [tilespmem:v17+s19+$0x0], $0xffff  }
.LBB2_12:
0x332: {  	p0 =	slt.u32 s1, $0x3E;
	v18 =	vand.u32 $0x3F, v18;
	v16 =	vor.u32 v15, v16  }
0x333: {  	v19 =	vor.u32 v1, v18;
	_ =	sdelay $0x3  }
0x334: {  	[tilespmem:v16+s28+$0x0] =	vst.idx.msk $0xffff, v17  }
0x335: {  	v17 =	vshll.u32 v18, $0x7;
	v16 =	vld.idx.msk [tilespmem:v19+s19+$0x0], $0xffff  }
0x336: {  	v19 =	vor.u32 v0, v17  }
0x337: {  	v20 =	vor.u32 v2, v18;
	_ =	sdelay $0x3  }
0x338: {  	[tilespmem:v19+s28+$0x0] =	vst.idx.msk $0xffff, v16  }
0x339: {  	v16 =	vld.idx.msk [tilespmem:v20+s19+$0x0], $0xffff  }
0x33a: {  	v19 =	vor.u32 v3, v17  }
0x33b: {  	v20 =	vor.u32 v4, v18;
	_ =	sdelay $0x3  }
0x33c: {  	[tilespmem:v19+s28+$0x0] =	vst.idx.msk $0xffff, v16  }
0x33d: {  	v16 =	vld.idx.msk [tilespmem:v20+s19+$0x0], $0xffff  }
0x33e: {  	v19 =	vor.u32 v5, v17  }
0x33f: {  	v20 =	vor.u32 v6, v18;
	_ =	sdelay $0x3  }
0x340: {  	[tilespmem:v19+s28+$0x0] =	vst.idx.msk $0xffff, v16  }
0x341: {  	v16 =	vld.idx.msk [tilespmem:v20+s19+$0x0], $0xffff  }
0x342: {  	v19 =	vor.u32 v7, v17  }
0x343: {  	v20 =	vor.u32 v8, v18;
	_ =	sdelay $0x3  }
0x344: {  	[tilespmem:v19+s28+$0x0] =	vst.idx.msk $0xffff, v16  }
0x345: {  	v16 =	vld.idx.msk [tilespmem:v20+s19+$0x0], $0xffff  }
0x346: {  	v19 =	vor.u32 v9, v17  }
0x347: {  	v20 =	vor.u32 v10, v18;
	_ =	sdelay $0x3  }
0x348: {  	[tilespmem:v19+s28+$0x0] =	vst.idx.msk $0xffff, v16  }
0x349: {  	v16 =	vld.idx.msk [tilespmem:v20+s19+$0x0], $0xffff  }
0x34a: {  	v19 =	vor.u32 v11, v17  }
0x34b: {  	v20 =	vor.u32 v12, v18;
	_ =	sdelay $0x3  }
0x34c: {  	[tilespmem:v19+s28+$0x0] =	vst.idx.msk $0xffff, v16  }
0x34d: {  	v16 =	vld.idx.msk [tilespmem:v20+s19+$0x0], $0xffff  }
0x34e: {  	v19 =	vor.u32 v13, v17  }
0x34f: {  	v18 =	vor.u32 v14, v18;
	_ =	sdelay $0x3  }
0x350: {  	s7 =	sadd.s32 $0x1, s0;
	s0 =	smov.u32 s1;
	[tilespmem:v19+s28+$0x0] =	vst.idx.msk $0xffff, v16  }
0x351: {  	v16 =	vld.idx.msk [tilespmem:v18+s19+$0x0], $0xffff;
	v18 =	vadd.s32 s7, v0  }
0x352: {  	v17 =	vor.u32 v15, v17;
	v18 =	vand.u32 $0x3F, v18  }
0x353: {  	v19 =	vor.u32 v1, v18;
	_ =	sdelay $0x3  }
0x354: {  	[tilespmem:v17+s28+$0x0] =	vst.idx.msk $0xffff, v16  }
0x355: {  	v16 =	vshll.u32 v18, $0x7;
	v17 =	vld.idx.msk [tilespmem:v19+s19+$0x0], $0xffff  }
0x356: {  	v19 =	vor.u32 v0, v16  }
0x357: {  	v20 =	vor.u32 v2, v18;
	_ =	sdelay $0x3  }
0x358: {  	[tilespmem:v19+s28+$0x0] =	vst.idx.msk $0xffff, v17  }
0x359: {  	v17 =	vld.idx.msk [tilespmem:v20+s19+$0x0], $0xffff  }
0x35a: {  	v19 =	vor.u32 v3, v16  }
0x35b: {  	v20 =	vor.u32 v4, v18;
	_ =	sdelay $0x3  }
0x35c: {  	[tilespmem:v19+s28+$0x0] =	vst.idx.msk $0xffff, v17  }
0x35d: {  	v17 =	vld.idx.msk [tilespmem:v20+s19+$0x0], $0xffff  }
0x35e: {  	v19 =	vor.u32 v5, v16  }
0x35f: {  	v20 =	vor.u32 v6, v18;
	_ =	sdelay $0x3  }
0x360: {  	[tilespmem:v19+s28+$0x0] =	vst.idx.msk $0xffff, v17  }
0x361: {  	v17 =	vld.idx.msk [tilespmem:v20+s19+$0x0], $0xffff  }
0x362: {  	v19 =	vor.u32 v7, v16  }
0x363: {  	v20 =	vor.u32 v8, v18;
	_ =	sdelay $0x3  }
0x364: {  	[tilespmem:v19+s28+$0x0] =	vst.idx.msk $0xffff, v17  }
0x365: {  	v17 =	vld.idx.msk [tilespmem:v20+s19+$0x0], $0xffff  }
0x366: {  	v19 =	vor.u32 v9, v16  }
0x367: {  	v20 =	vor.u32 v10, v18;
	_ =	sdelay $0x3  }
0x368: {  	[tilespmem:v19+s28+$0x0] =	vst.idx.msk $0xffff, v17  }
0x369: {  	v17 =	vld.idx.msk [tilespmem:v20+s19+$0x0], $0xffff  }
0x36a: {  	v19 =	vor.u32 v11, v16  }
0x36b: {  	v20 =	vor.u32 v12, v18;
	_ =	sdelay $0x3  }
0x36c: {  	[tilespmem:v19+s28+$0x0] =	vst.idx.msk $0xffff, v17  }
0x36d: {  	v17 =	vld.idx.msk [tilespmem:v20+s19+$0x0], $0xffff  }
0x36e: {  	v19 =	vor.u32 v13, v16  }
0x36f: {  	v20 =	vor.u32 v14, v18  }
.Ltmp5:
0x370: {  	(pc) =	sbr.rel @p0 .LBB2_12-.Ltmp5, $3  }
0x371: {  	_ =	sdelay $0x1  }
0x372: {  	[tilespmem:v19+s28+$0x0] =	vst.idx.msk $0xffff, v17  }
0x373: {  	s1 =	sadd.s32 $0x2, s1;
	v18 =	vadd.s32 s0, v0;
	v17 =	vld.idx.msk [tilespmem:v20+s19+$0x0], $0xffff  }
0x374: {  	v18 =	vand.u32 $0x3F, v18;
	v16 =	vor.u32 v15, v16  }
0x375: {  	v19 =	vor.u32 v1, v18;
	_ =	sdelay $0x3  }
0x376: {  	[tilespmem:v16+s28+$0x0] =	vst.idx.msk $0xffff, v17;
	v16 =	vshll.u32 v18, $0x7  }
0x377: {  	v17 =	vld.idx.msk [tilespmem:v19+s19+$0x0], $0xffff;
	v38 =	vor.u32 v0, v16  }
0x378: {  	v20 =	vor.u32 v2, v18;
	_ =	sdelay $0x3  }
0x379: {  	[tilespmem:v38+s28+$0x0] =	vst.idx.msk $0xffff, v17  }
0x37a: {  	v39 =	vor.u32 v3, v16;
	v17 =	vld.idx.msk [tilespmem:v20+s19+$0x0], $0xffff  }
0x37b: {  	v40 =	vor.u32 v4, v18;
	_ =	sdelay $0x3  }
0x37c: {  	[tilespmem:v39+s28+$0x0] =	vst.idx.msk $0xffff, v17  }
0x37d: {  	v41 =	vor.u32 v5, v16;
	v17 =	vld.idx.msk [tilespmem:v40+s19+$0x0], $0xffff  }
0x37e: {  	v42 =	vor.u32 v6, v18;
	_ =	sdelay $0x3  }
0x37f: {  	[tilespmem:v41+s28+$0x0] =	vst.idx.msk $0xffff, v17  }
0x380: {  	v43 =	vor.u32 v7, v16;
	v17 =	vld.idx.msk [tilespmem:v42+s19+$0x0], $0xffff  }
0x381: {  	v44 =	vor.u32 v8, v18;
	_ =	sdelay $0x3  }
0x382: {  	[tilespmem:v43+s28+$0x0] =	vst.idx.msk $0xffff, v17  }
0x383: {  	v45 =	vor.u32 v9, v16;
	v17 =	vld.idx.msk [tilespmem:v44+s19+$0x0], $0xffff  }
0x384: {  	v46 =	vor.u32 v10, v18;
	_ =	sdelay $0x3  }
0x385: {  	[tilespmem:v45+s28+$0x0] =	vst.idx.msk $0xffff, v17  }
0x386: {  	v47 =	vor.u32 v11, v16;
	v17 =	vld.idx.msk [tilespmem:v46+s19+$0x0], $0xffff  }
0x387: {  	v48 =	vor.u32 v12, v18;
	_ =	sdelay $0x3  }
0x388: {  	[tilespmem:v47+s28+$0x0] =	vst.idx.msk $0xffff, v17  }
0x389: {  	v49 =	vor.u32 v13, v16;
	v17 =	vld.idx.msk [tilespmem:v48+s19+$0x0], $0xffff  }
0x38a: {  	v18 =	vor.u32 v14, v18;
	_ =	sdelay $0x2  }
0x38b: {  	s0 =	sadd.s32 $0x1, s0  }
0x38c: {  	[tilespmem:v49+s28+$0x0] =	vst.idx.msk $0xffff, v17;
	v17 =	vadd.s32 s0, v0  }
0x38d: {  	v16 =	vor.u32 v15, v16;
	v18 =	vld.idx.msk [tilespmem:v18+s19+$0x0], $0xffff;
	v17 =	vand.u32 $0x3F, v17  }
0x38e: {  	v50 =	vor.u32 v1, v17;
	_ =	sdelay $0x3  }
0x38f: {  	[tilespmem:v16+s28+$0x0] =	vst.idx.msk $0xffff, v18;
	v16 =	vshll.u32 v17, $0x7  }
0x390: {  	v18 =	vld.idx.msk [tilespmem:v50+s19+$0x0], $0xffff;
	v51 =	vor.u32 v0, v16  }
0x391: {  	v52 =	vor.u32 v2, v17;
	_ =	sdelay $0x3  }
0x392: {  	[tilespmem:v51+s28+$0x0] =	vst.idx.msk $0xffff, v18  }
0x393: {  	v53 =	vor.u32 v3, v16;
	v18 =	vld.idx.msk [tilespmem:v52+s19+$0x0], $0xffff  }
0x394: {  	v54 =	vor.u32 v4, v17;
	_ =	sdelay $0x3  }
0x395: {  	[tilespmem:v53+s28+$0x0] =	vst.idx.msk $0xffff, v18  }
0x396: {  	v55 =	vor.u32 v5, v16;
	v18 =	vld.idx.msk [tilespmem:v54+s19+$0x0], $0xffff  }
0x397: {  	v56 =	vor.u32 v6, v17;
	_ =	sdelay $0x3  }
0x398: {  	[tilespmem:v55+s28+$0x0] =	vst.idx.msk $0xffff, v18  }
0x399: {  	v57 =	vor.u32 v7, v16;
	v18 =	vld.idx.msk [tilespmem:v56+s19+$0x0], $0xffff  }
0x39a: {  	v58 =	vor.u32 v8, v17;
	_ =	sdelay $0x3  }
0x39b: {  	[tilespmem:v57+s28+$0x0] =	vst.idx.msk $0xffff, v18  }
0x39c: {  	v59 =	vor.u32 v9, v16;
	v18 =	vld.idx.msk [tilespmem:v58+s19+$0x0], $0xffff  }
0x39d: {  	v60 =	vor.u32 v10, v17;
	_ =	sdelay $0x3  }
0x39e: {  	[tilespmem:v59+s28+$0x0] =	vst.idx.msk $0xffff, v18  }
0x39f: {  	v61 =	vor.u32 v11, v16;
	v18 =	vld.idx.msk [tilespmem:v60+s19+$0x0], $0xffff  }
0x3a0: {  	v62 =	vor.u32 v12, v17;
	_ =	sdelay $0x3  }
0x3a1: {  	[tilespmem:v61+s28+$0x0] =	vst.idx.msk $0xffff, v18  }
0x3a2: {  	v63 =	vor.u32 v13, v16;
	v18 =	vld.idx.msk [tilespmem:v62+s19+$0x0], $0xffff  }
0x3a3: {  	v17 =	vor.u32 v14, v17;
	_ =	sdelay $0x3  }
0x3a4: {  	[tilespmem:v63+s28+$0x0] =	vst.idx.msk $0xffff, v18  }
0x3a5: {  	v16 =	vor.u32 v15, v16;
	v17 =	vld.idx.msk [tilespmem:v17+s19+$0x0], $0xffff;
	_ =	sdelay $0x4  }
0x3a6: {  	s15 =	rddreg [dreg:$0x7];
	[tilespmem:v16+s28+$0x0] =	vst.idx.msk $0xffff, v17  }
0x3a7: {  	[hbm4b:s15+s24] =	stream.strided.scatter [tilespmem:s28], [sflag:$0x5], $0x2000, s25, s24, $0x38;
	[tilespmem:$0x12200] =	vst v63  }
0x3a8: {  	_ =	swait.ge [sflag:s8], $0x2000  }
0x3a9: {  	[sflag:s8] =	ssyncset.done $0x0  }
0x3aa: {  	[sflag:s8] =	ssyncadd.s32 $0xFFFFE000  }
0x3ab: {  	_ =	swait.ge [sflag:s13], $0x2000  }
0x3ac: {  	[sflag:s13] =	ssyncset.done $0x0  }
0x3ad: {  	s1 =	simm.s32 $0x6;
	[sflag:s13] =	ssyncadd.s32 $0xFFFFE000  }
0x3ae: {  	_ =	swait.ge [sflag:s1], $0x2000  }
0x3af: {  	s7 =	rddreg [dreg:$0x9]  }
0x3b0: {  	s31 =	rddreg [dreg:$0x8];
	s7 =	sadd.s32 $0x1, s7  }
0x3b1: {  	p0 =	sne.s32 s7, s31  }
.Ltmp6:
0x3b2: {  	_ = 	snop;
	(pc) =	sbr.rel @p0 .LBB2_1-.Ltmp6, $3  }
0x3b3: {  	_ =	sdelay $0x1  }
0x3b4: {  	[sflag:s1] =	ssyncset.done $0x0  }
0x3b5: {  	[sflag:s1] =	ssyncadd.s32 $0xFFFFE000  }
0x3b6: {  	_ =	sfence.sel $0x180000  }
0x3b7: {  	[bflag:$0x0] =	sbarrier.arrive $0xFFFF  }
0x3b8: {  	_ =	strace $0x90000047  }
0x3b9: {  	s0 =	stileid.u32;
	[bflag:$0x2] =	sbarrier.arrive $0xFFFF  }
0x3ba: {  	p0 =	sne.s32 s0, $0x0;
	s0 =	rddreg [dreg:$0x3]  }
0x3bb: {  	s0 =	sadd.s32 @!p0 $0x100000, s0  }
0x3bc: {  	[sflag:s0] =	ssyncadd.tile.s32 @!p0 $0x1;
	_ =	shalt  }
.Lfunc_end2:
_tile_overlayer_lowered:
.L_overlay_start_2:
0x3bd: {  	(tag) =	ssettag $0x2  }
0x3be: {  	s0 =	rddreg [dreg:$0x0];
	s2 =	stileid.u32  }
0x3bf: {  	s1 =	rddreg [dreg:$0x1];
	p0 =	sne.s32 s2, $0x0  }
0x3c0: {  	s3 =	rddreg [dreg:$0x2];
	[bflag:$0x3] =	sbarrier.arrive $0xFFFF;
	s2 =	simm.s32 @!p0 $0x1C07  }
0x3c1: {  	[timem:s3], [sflag:s2] =	dma.local @!p0 [hbm:s0], s1  }
0x3c2: {  	s0 =	simm.s32 @!p0 $0x7  }
0x3c3: {  	_ =	swait.ge @!p0 [sflag:s0], s1  }
0x3c4: {  	s1 =	ssub.s32 @!p0 $0x0, s1;
	[sflag:s0] =	ssyncset.done @!p0 $0x0  }
0x3c5: {  	[sflag:s0] =	ssyncadd.s32 @!p0 s1  }
0x3c6: {  	[bflag:$0x3] =	sbarrier.arrive $0xFFFF  }
0x3c7: {  	_ =	shalt  }

</sc_bundles>
